<compile_context>
chip_gen: v7x
topology: tpu7x:2x2x1
jax: 0.10.2.dev20260603
libtpu: 0.0.44.dev20260713+nightly
codegen_flags: <defaults>
</compile_context>

<pallas_src>
import functools

import jax
import jax.numpy as jnp
from jax import lax
from jax.experimental import pallas as pl
from jax.experimental.pallas import tpu as pltpu
from jax.experimental.pallas import tpu_sc as plsc

_N = 10000
_E = 320000
_IN = 128
_HID = 256
_OUT = 128

_NC = 2
_NS = 16
_NW = _NC * _NS
_CHUNK = 80
_ET = _E // _NW
_NCHUNK = _ET // _CHUNK
_NP = 10112
_ROWS_T = _NP // _NS
_DEG_W = 128
_DEG_WIN = 8


def _sc_mesh():
    return plsc.VectorSubcoreMesh(core_axis_name="c", subcore_axis_name="s")


def _deg_call(dst2d, ones_c, zeros_c):
    @functools.partial(
        pl.kernel,
        out_type=jax.ShapeDtypeStruct((_NC, _NP, _DEG_W), jnp.float32),
        mesh=_sc_mesh(),
        scratch_types=[
            pltpu.VMEM((_NCHUNK, _CHUNK), jnp.int32),
            pltpu.VMEM((_CHUNK, _DEG_W), jnp.float32),
            pltpu.VMEM((128, _DEG_W), jnp.float32),
            pltpu.VMEM_SHARED((_NP, _DEG_W), jnp.float32),
            pltpu.SemaphoreType.DMA,
        ],
    )
    def k(dst_hbm, ones_hbm, zeros_hbm, out_hbm, idx_v, ones_v, zb_v, acc_sh, sem):
        c = lax.axis_index("c")
        s = lax.axis_index("s")
        wid = c * _NS + s
        pltpu.sync_copy(dst_hbm.at[wid], idx_v)
        pltpu.sync_copy(ones_hbm, ones_v)
        pltpu.sync_copy(zeros_hbm, zb_v)
        for j in range(_ROWS_T // 128):
            pltpu.sync_copy(zb_v, acc_sh.at[pl.ds(s * _ROWS_T + j * 128, 128)])
        pltpu.sync_copy(
            zb_v.at[pl.ds(0, _ROWS_T % 128)],
            acc_sh.at[pl.ds(s * _ROWS_T + (_ROWS_T // 128) * 128, _ROWS_T % 128)],
        )
        plsc.subcore_barrier()

        for i in range(_DEG_WIN):
            pltpu.async_copy(ones_v, acc_sh.at[idx_v.at[i]], sem, add=True)

        def body(i, _):
            pltpu.make_async_copy(ones_v, acc_sh.at[idx_v.at[i]], sem).wait()
            pltpu.async_copy(ones_v, acc_sh.at[idx_v.at[i + _DEG_WIN]], sem, add=True)
            return 0

        lax.fori_loop(0, _NCHUNK - _DEG_WIN, body, 0)
        for i in range(_DEG_WIN):
            pltpu.make_async_copy(ones_v, acc_sh.at[idx_v.at[i]], sem).wait()
        plsc.subcore_barrier()
        pltpu.sync_copy(
            acc_sh.at[pl.ds(s * _ROWS_T, _ROWS_T)],
            out_hbm.at[c, pl.ds(s * _ROWS_T, _ROWS_T)],
        )

    return k(dst2d, ones_c, zeros_c)


def _make_scatter(n_tables):
    @functools.partial(
        pl.kernel,
        out_type=jax.ShapeDtypeStruct((n_tables, _NC, _NP, 128), jnp.float32),
        mesh=_sc_mesh(),
        scratch_types=[
            pltpu.VMEM((_ET,), jnp.int32),
            pltpu.VMEM((_NCHUNK, _CHUNK), jnp.int32),
            pltpu.VMEM((_CHUNK, 128), jnp.float32),
            pltpu.VMEM((_CHUNK, 128), jnp.float32),
            pltpu.VMEM_SHARED((_NP, 128), jnp.float32),
            pltpu.SemaphoreType.DMA,
            pltpu.SemaphoreType.DMA,
            pltpu.SemaphoreType.DMA,
            pltpu.SemaphoreType.DMA,
        ],
    )
    def k(*refs):
        tables = refs[:n_tables]
        (src_hbm, dst_hbm, out_hbm, isrc_v, idst_v, rows_a, rows_b, acc_sh,
         sga, sgb, ssa, ssb) = refs[n_tables:]
        c = lax.axis_index("c")
        s = lax.axis_index("s")
        wid = c * _NS + s
        pltpu.sync_copy(src_hbm.at[pl.ds(wid * _ET, _ET)], isrc_v)
        pltpu.sync_copy(dst_hbm.at[wid], idst_v)

        def zfill(i, _):
            for j in range(8):
                rows_a[i, pl.ds(16 * j, 16)] = jnp.zeros((16,), jnp.float32)
            return 0

        for t in range(n_tables):
            tbl = tables[t]
            lax.fori_loop(0, _CHUNK, zfill, 0)
            for j in range(_ROWS_T // _CHUNK):
                pltpu.sync_copy(rows_a, acc_sh.at[pl.ds(s * _ROWS_T + j * _CHUNK, _CHUNK)])
            pltpu.sync_copy(
                rows_a.at[pl.ds(0, _ROWS_T % _CHUNK)],
                acc_sh.at[pl.ds(s * _ROWS_T + (_ROWS_T // _CHUNK) * _CHUNK, _ROWS_T % _CHUNK)],
            )
            plsc.subcore_barrier()

            pltpu.async_copy(tbl.at[isrc_v.at[pl.ds(0, _CHUNK)]], rows_a, sga)
            pltpu.async_copy(tbl.at[isrc_v.at[pl.ds(_CHUNK, _CHUNK)]], rows_b, sgb)

            def body(p, _):
                i0 = 2 * p
                i1 = i0 + 1
                pltpu.make_async_copy(tbl.at[isrc_v.at[pl.ds(i0 * _CHUNK, _CHUNK)]], rows_a, sga).wait()
                pltpu.async_copy(rows_a, acc_sh.at[idst_v.at[i0]], ssa, add=True)
                pltpu.make_async_copy(tbl.at[isrc_v.at[pl.ds(i1 * _CHUNK, _CHUNK)]], rows_b, sgb).wait()
                pltpu.async_copy(rows_b, acc_sh.at[idst_v.at[i1]], ssb, add=True)
                pltpu.make_async_copy(rows_a, acc_sh.at[idst_v.at[i0]], ssa).wait()

                @pl.when(i0 + 2 < _NCHUNK)
                def _():
                    pltpu.async_copy(tbl.at[isrc_v.at[pl.ds((i0 + 2) * _CHUNK, _CHUNK)]], rows_a, sga)

                pltpu.make_async_copy(rows_b, acc_sh.at[idst_v.at[i1]], ssb).wait()

                @pl.when(i1 + 2 < _NCHUNK)
                def _():
                    pltpu.async_copy(tbl.at[isrc_v.at[pl.ds((i1 + 2) * _CHUNK, _CHUNK)]], rows_b, sgb)

                return 0

            lax.fori_loop(0, _NCHUNK // 2, body, 0)
            if _NCHUNK % 2:
                ilast = _NCHUNK - 1
                pltpu.make_async_copy(tbl.at[isrc_v.at[pl.ds(ilast * _CHUNK, _CHUNK)]], rows_a, sga).wait()
                pltpu.async_copy(rows_a, acc_sh.at[idst_v.at[ilast]], ssa, add=True)
                pltpu.make_async_copy(rows_a, acc_sh.at[idst_v.at[ilast]], ssa).wait()
            plsc.subcore_barrier()
            pltpu.sync_copy(
                acc_sh.at[pl.ds(s * _ROWS_T, _ROWS_T)],
                out_hbm.at[t, c, pl.ds(s * _ROWS_T, _ROWS_T)],
            )
            if t + 1 < n_tables:
                plsc.subcore_barrier()

    return k


_scatter1 = _make_scatter(1)


_BLK = 2000
_GRID = _N // _BLK


def _tcA_call(x, deg_p):
    def body(x_ref, dp_ref, z_ref):
        deg = dp_ref[0] + dp_ref[1]
        dinv = lax.rsqrt(deg[:, :1] + 1.0)
        z_ref[:, :] = x_ref[:, :] * dinv

    return pl.pallas_call(
        body,
        grid=(_GRID,),
        in_specs=[
            pl.BlockSpec((_BLK, _IN), lambda i: (i, 0)),
            pl.BlockSpec((_NC, _BLK, _DEG_W), lambda i: (0, i, 0)),
        ],
        out_specs=pl.BlockSpec((_BLK, _IN), lambda i: (i, 0)),
        out_shape=jax.ShapeDtypeStruct((_N, _IN), jnp.float32),
    )(x, deg_p)


def _tcB_call(agg1, x, deg_p, b1_r, W1, W2):
    def body(a_ref, x_ref, dp_ref, b1_ref, w1_ref, w2_ref, y2_ref, s2_ref):
        deg = dp_ref[0] + dp_ref[1]
        dinv = lax.rsqrt(deg[:, :1] + 1.0)
        u = (a_ref[0, 0] + a_ref[0, 1]) * dinv + x_ref[:, :] * (dinv * dinv)
        h = jnp.dot(u, w1_ref[:, :], preferred_element_type=jnp.float32)
        h = jnp.maximum(h + b1_ref[0:1, :], 0.0)
        xw = jnp.dot(h, w2_ref[:, :], preferred_element_type=jnp.float32)
        y2_ref[:, :] = xw * dinv
        s2_ref[:, :] = xw * (dinv * dinv)

    return pl.pallas_call(
        body,
        grid=(_GRID,),
        in_specs=[
            pl.BlockSpec((1, _NC, _BLK, 128), lambda i: (0, 0, i, 0)),
            pl.BlockSpec((_BLK, _IN), lambda i: (i, 0)),
            pl.BlockSpec((_NC, _BLK, _DEG_W), lambda i: (0, i, 0)),
            pl.BlockSpec((1, _HID), lambda i: (0, 0)),
            pl.BlockSpec((_IN, _HID), lambda i: (0, 0)),
            pl.BlockSpec((_HID, _OUT), lambda i: (0, 0)),
        ],
        out_specs=[
            pl.BlockSpec((_BLK, _OUT), lambda i: (i, 0)),
            pl.BlockSpec((_BLK, _OUT), lambda i: (i, 0)),
        ],
        out_shape=[
            jax.ShapeDtypeStruct((_N, _OUT), jnp.float32),
            jax.ShapeDtypeStruct((_N, _OUT), jnp.float32),
        ],
    )(agg1, x, deg_p, b1_r, W1, W2)


def _tcC_call(acc2, self2, deg_p, b2_r):
    def body(a_ref, s2_ref, dp_ref, b2_ref, o_ref):
        deg = dp_ref[0] + dp_ref[1]
        dinv = lax.rsqrt(deg[:, :1] + 1.0)
        acc = a_ref[0, 0] + a_ref[0, 1]
        o_ref[:, :] = acc * dinv + s2_ref[:, :] + b2_ref[0:1, :]

    return pl.pallas_call(
        body,
        grid=(_GRID,),
        in_specs=[
            pl.BlockSpec((1, _NC, _BLK, 128), lambda i: (0, 0, i, 0)),
            pl.BlockSpec((_BLK, _OUT), lambda i: (i, 0)),
            pl.BlockSpec((_NC, _BLK, _DEG_W), lambda i: (0, i, 0)),
            pl.BlockSpec((1, 128), lambda i: (0, 0)),
        ],
        out_specs=pl.BlockSpec((_BLK, _OUT), lambda i: (i, 0)),
        out_shape=jax.ShapeDtypeStruct((_N, _OUT), jnp.float32),
    )(acc2, self2, deg_p, b2_r)


def kernel(x, edge_index, W1, b1, W2, b2):
    src1d = edge_index[0].astype(jnp.int32)
    dst2d = edge_index[1].astype(jnp.int32).reshape(_NW, _NCHUNK, _CHUNK)
    b1_r = b1.reshape(1, _HID)
    b2_r = b2.reshape(1, 128)

    ones_c = jnp.ones((_CHUNK, _DEG_W), jnp.float32)
    zeros_c = jnp.zeros((128, _DEG_W), jnp.float32)
    deg_p = _deg_call(dst2d, ones_c, zeros_c)
    z = _tcA_call(x, deg_p)
    agg1 = _scatter1(z, src1d, dst2d)
    y2, self2 = _tcB_call(agg1, x, deg_p, b1_r, W1, W2)
    acc2 = _scatter1(y2, src1d, dst2d)
    out = _tcC_call(acc2, self2, deg_p, b2_r)
    return out

# --- scband reference (transcript-rebuilt; emitter-appended) ---
"""Pipeline reference for scband-gnnmodel-3822520893852 (READ-ONLY COPY).

The authoritative reference and input builder live on the scoring server;
editing this copy changes nothing except your own understanding.
"""

import jax, jax.numpy as jnp
import numpy as np

N_NODES = 10000
N_EDGES = 320000
IN_DIM = 128
HID_DIM = 256
OUT_DIM = 128


def _gcn_conv(x, edge_index, W, b):
    """PyG-style GCNConv: add self-loops, symmetric normalization, linear transform."""
    n = x.shape[0]
    loop = jnp.arange(n, dtype=edge_index.dtype)
    src = jnp.concatenate([edge_index[0], loop])
    dst = jnp.concatenate([edge_index[1], loop])
    deg = jnp.zeros((n,), dtype=x.dtype).at[dst].add(1.0)
    deg_inv_sqrt = jnp.where(deg > 0, jax.lax.rsqrt(deg), 0.0)
    norm = deg_inv_sqrt[src] * deg_inv_sqrt[dst]
    xw = x @ W
    msg = xw[src] * norm[:, None]
    out = jnp.zeros((n, W.shape[1]), dtype=x.dtype).at[dst].add(msg)
    return out + b


def setup_inputs(seed: int = 0) -> dict:
    key = jax.random.key(seed)
    k1, k2, k3, k4, k5 = jax.random.split(key, 5)
    x = jax.random.normal(k1, (N_NODES, IN_DIM), dtype=jnp.float32)
    edge_index = jax.random.randint(k2, (2, N_EDGES), 0, N_NODES, dtype=jnp.int64)
    s1 = 1.0 / np.sqrt(IN_DIM)
    s2 = 1.0 / np.sqrt(HID_DIM)
    W1 = jax.random.uniform(k3, (IN_DIM, HID_DIM), dtype=jnp.float32, minval=-s1, maxval=s1)
    b1 = jnp.zeros((HID_DIM,), dtype=jnp.float32)
    W2 = jax.random.uniform(k4, (HID_DIM, OUT_DIM), dtype=jnp.float32, minval=-s2, maxval=s2)
    b2 = jnp.zeros((OUT_DIM,), dtype=jnp.float32)
    return {"x": x, "edge_index": edge_index, "W1": W1, "b1": b1, "W2": W2, "b2": b2}


def reference(x, edge_index, W1, b1, W2, b2):
    # Layer 1: GCNConv -> ReLU (dropout p=0.0 / eval mode is identity)
    h = _gcn_conv(x, edge_index, W1, b1)
    h = jax.nn.relu(h)
    # Layer 2: GCNConv (final layer, no activation)
    out = _gcn_conv(h, edge_index, W2, b2)
    return out

if __name__ == "__main__":
    import jax
    _d = setup_inputs()
    print(jax.jit(kernel)(*tuple(_d.values())))

</pallas_src>

<mosaic_0001>
#map = affine_map<(d0, d1) -> (0, 0)>
#map1 = affine_map<(d0, d1) -> (0)>
#map2 = affine_map<(d0, d1) -> (0, 0, 0)>
#map3 = affine_map<(d0, d1) -> (0, 0, 0, 0)>
module attributes {stable_mosaic.version = 14 : i64} {
  func.func @k(%arg0: i32, %arg1: i32, %arg2: memref<10000x128xf32, #tpu.memory_space<hbm>>, %arg3: memref<320000xi32, #tpu.memory_space<hbm>>, %arg4: memref<32x125x80xi32, #tpu.memory_space<hbm>>, %arg5: memref<1x2x10112x128xf32, #tpu.memory_space<hbm>>, %arg6: memref<10000xi32, #tpu.memory_space<vmem>>, %arg7: memref<125x80xi32, #tpu.memory_space<vmem>>, %arg8: memref<80x128xf32, #tpu.memory_space<vmem>>, %arg9: memref<80x128xf32, #tpu.memory_space<vmem>>, %arg10: memref<10112x128xf32, #tpu.memory_space<vmem_shared>>, %arg11: memref<!tpu.dma_semaphore, #tpu.memory_space<semaphore_mem>>, %arg12: memref<!tpu.dma_semaphore, #tpu.memory_space<semaphore_mem>>, %arg13: memref<!tpu.dma_semaphore, #tpu.memory_space<semaphore_mem>>, %arg14: memref<!tpu.dma_semaphore, #tpu.memory_space<semaphore_mem>>) attributes {dimension_semantics = [#tpu.dimension_semantics<core_parallel>, #tpu.dimension_semantics<subcore_parallel>], iteration_bounds = array<i64: 2, 16>, scalar_prefetch = 0 : i64, scratch_operands = 9 : i64, tpu.core_type = #tpu.core_type<sc_vector_subcore>, window_params = [{transform_indices = #map}, {transform_indices = #map1}, {transform_indices = #map2}, {transform_indices = #map3}]} {
    %mul3A = arith.constant 16 : i32
    %mul3A_0 = arith.muli %arg0, %mul3A : i32
    %add3A = arith.addi %mul3A_0, %arg1 : i32
    %mul3A_1 = arith.constant 10000 : i32
    %mul3A_2 = arith.muli %add3A, %mul3A_1 : i32
    "tpu.region"() ({
      %run_scoped3A_80 = tpu.sem_alloc : memref<!tpu.dma_semaphore, #tpu.memory_space<semaphore_mem>>
      %dma_start3A_81 = tpu.memref_slice %arg3[%mul3A_2] : memref<320000xi32, #tpu.memory_space<hbm>> -> memref<10000xi32, #tpu.memory_space<hbm>>
      %dma_start3A_82 = tpu.memref_slice %arg3[%mul3A_2] : memref<320000xi32, #tpu.memory_space<hbm>> -> memref<10000xi32, #tpu.memory_space<hbm>>
      tpu.enqueue_dma source(%dma_start3A_82 : memref<10000xi32, #tpu.memory_space<hbm>>) target(%arg6 : memref<10000xi32, #tpu.memory_space<vmem>>) target_semaphore(%run_scoped3A_80 : memref<!tpu.dma_semaphore, #tpu.memory_space<semaphore_mem>>)
      %dma_wait3A_83 = tpu.memref_slice %arg3[%mul3A_2] : memref<320000xi32, #tpu.memory_space<hbm>> -> memref<10000xi32, #tpu.memory_space<hbm>>
      %dma_wait3A_84 = tpu.memref_slice %arg3[%mul3A_2] : memref<320000xi32, #tpu.memory_space<hbm>> -> memref<10000xi32, #tpu.memory_space<hbm>>
      tpu.wait_dma2 semaphore(%run_scoped3A_80 : memref<!tpu.dma_semaphore, #tpu.memory_space<semaphore_mem>>) src(%dma_wait3A_84 : memref<10000xi32, #tpu.memory_space<hbm>>) dst(%arg6 : memref<10000xi32, #tpu.memory_space<vmem>>)
      tpu.yield
    }) : () -> ()
    "tpu.region"() ({
      %run_scoped3A_80 = tpu.sem_alloc : memref<!tpu.dma_semaphore, #tpu.memory_space<semaphore_mem>>
      %dma_start3A_81 = arith.constant 0 : i32
      %dma_start3A_82 = arith.constant 0 : i32
      %dma_start3A_83 = tpu.memref_slice %arg4[%add3A, %dma_start3A_81, %dma_start3A_82] : memref<32x125x80xi32, #tpu.memory_space<hbm>> -> memref<1x125x80xi32, #tpu.memory_space<hbm>>
      %dma_start3A_84 = tpu.memref_squeeze %dma_start3A_83 : memref<1x125x80xi32, #tpu.memory_space<hbm>> -> memref<125x80xi32, #tpu.memory_space<hbm>>
      %dma_start3A_85 = arith.constant 0 : i32
      %dma_start3A_86 = arith.constant 0 : i32
      %dma_start3A_87 = tpu.memref_slice %arg4[%add3A, %dma_start3A_85, %dma_start3A_86] : memref<32x125x80xi32, #tpu.memory_space<hbm>> -> memref<1x125x80xi32, #tpu.memory_space<hbm>>
      %dma_start3A_88 = tpu.memref_squeeze %dma_start3A_87 : memref<1x125x80xi32, #tpu.memory_space<hbm>> -> memref<125x80xi32, #tpu.memory_space<hbm>>
      tpu.enqueue_dma source(%dma_start3A_88 : memref<125x80xi32, #tpu.memory_space<hbm>>) target(%arg7 : memref<125x80xi32, #tpu.memory_space<vmem>>) target_semaphore(%run_scoped3A_80 : memref<!tpu.dma_semaphore, #tpu.memory_space<semaphore_mem>>)
      %dma_wait3A_89 = arith.constant 0 : i32
      %dma_wait3A_90 = arith.constant 0 : i32
      %dma_wait3A_91 = tpu.memref_slice %arg4[%add3A, %dma_wait3A_89, %dma_wait3A_90] : memref<32x125x80xi32, #tpu.memory_space<hbm>> -> memref<1x125x80xi32, #tpu.memory_space<hbm>>
      %dma_wait3A_92 = tpu.memref_squeeze %dma_wait3A_91 : memref<1x125x80xi32, #tpu.memory_space<hbm>> -> memref<125x80xi32, #tpu.memory_space<hbm>>
      %dma_wait3A_93 = arith.constant 0 : i32
      %dma_wait3A_94 = arith.constant 0 : i32
      %dma_wait3A_95 = tpu.memref_slice %arg4[%add3A, %dma_wait3A_93, %dma_wait3A_94] : memref<32x125x80xi32, #tpu.memory_space<hbm>> -> memref<1x125x80xi32, #tpu.memory_space<hbm>>
      %dma_wait3A_96 = tpu.memref_squeeze %dma_wait3A_95 : memref<1x125x80xi32, #tpu.memory_space<hbm>> -> memref<125x80xi32, #tpu.memory_space<hbm>>
      tpu.wait_dma2 semaphore(%run_scoped3A_80 : memref<!tpu.dma_semaphore, #tpu.memory_space<semaphore_mem>>) src(%dma_wait3A_96 : memref<125x80xi32, #tpu.memory_space<hbm>>) dst(%arg7 : memref<125x80xi32, #tpu.memory_space<vmem>>)
      tpu.yield
    }) : () -> ()
    %scan3A = arith.constant 0 : i32
    %scan3A_3 = arith.constant 0 : i32
    %scan3A_4 = arith.constant 80 : i32
    %scan3A_5 = arith.addi %scan3A_3, %scan3A_4 : i32
    %scan3A_6 = arith.constant 1 : i32
    %scan3A_7 = scf.for %scan3A_80 = %scan3A_3 to %scan3A_5 step %scan3A_6 iter_args(%scan3A_81 = %scan3A) -> (i32)  : i32 {
      %broadcast_in_dim3A = arith.constant 0.000000e+00 : f32
      %broadcast_in_dim3A_82 = vector.broadcast %broadcast_in_dim3A : f32 to vector<16xf32>
      %swap3A = arith.index_cast %scan3A_80 : i32 to index
      %swap3A_83 = arith.constant 0 : index
      %swap3A_84 = tpu.vector_load %arg8[%swap3A, %swap3A_83] {strides = array<i32>} : memref<80x128xf32, #tpu.memory_space<vmem>>, vector<1x16xf32>,
      %swap3A_85 = vector.shape_cast %swap3A_84 : vector<1x16xf32> to vector<16xf32>
      %swap3A_86 = vector.shape_cast %broadcast_in_dim3A_82 : vector<16xf32> to vector<1x16xf32>
      tpu.vector_store %arg8[%swap3A, %swap3A_83], %swap3A_86 {strides = array<i32>} : memref<80x128xf32, #tpu.memory_space<vmem>>, vector<1x16xf32>,
      %broadcast_in_dim3A_87 = arith.constant 0.000000e+00 : f32
      %broadcast_in_dim3A_88 = vector.broadcast %broadcast_in_dim3A_87 : f32 to vector<16xf32>
      %swap3A_89 = arith.index_cast %scan3A_80 : i32 to index
      %swap3A_90 = arith.constant 16 : index
      %swap3A_91 = tpu.vector_load %arg8[%swap3A_89, %swap3A_90] {strides = array<i32>} : memref<80x128xf32, #tpu.memory_space<vmem>>, vector<1x16xf32>,
      %swap3A_92 = vector.shape_cast %swap3A_91 : vector<1x16xf32> to vector<16xf32>
      %swap3A_93 = vector.shape_cast %broadcast_in_dim3A_88 : vector<16xf32> to vector<1x16xf32>
      tpu.vector_store %arg8[%swap3A_89, %swap3A_90], %swap3A_93 {strides = array<i32>} : memref<80x128xf32, #tpu.memory_space<vmem>>, vector<1x16xf32>,
      %broadcast_in_dim3A_94 = arith.constant 0.000000e+00 : f32
      %broadcast_in_dim3A_95 = vector.broadcast %broadcast_in_dim3A_94 : f32 to vector<16xf32>
      %swap3A_96 = arith.index_cast %scan3A_80 : i32 to index
      %swap3A_97 = arith.constant 32 : index
      %swap3A_98 = tpu.vector_load %arg8[%swap3A_96, %swap3A_97] {strides = array<i32>} : memref<80x128xf32, #tpu.memory_space<vmem>>, vector<1x16xf32>,
      %swap3A_99 = vector.shape_cast %swap3A_98 : vector<1x16xf32> to vector<16xf32>
      %swap3A_100 = vector.shape_cast %broadcast_in_dim3A_95 : vector<16xf32> to vector<1x16xf32>
      tpu.vector_store %arg8[%swap3A_96, %swap3A_97], %swap3A_100 {strides = array<i32>} : memref<80x128xf32, #tpu.memory_space<vmem>>, vector<1x16xf32>,
      %broadcast_in_dim3A_101 = arith.constant 0.000000e+00 : f32
      %broadcast_in_dim3A_102 = vector.broadcast %broadcast_in_dim3A_101 : f32 to vector<16xf32>
      %swap3A_103 = arith.index_cast %scan3A_80 : i32 to index
      %swap3A_104 = arith.constant 48 : index
      %swap3A_105 = tpu.vector_load %arg8[%swap3A_103, %swap3A_104] {strides = array<i32>} : memref<80x128xf32, #tpu.memory_space<vmem>>, vector<1x16xf32>,
      %swap3A_106 = vector.shape_cast %swap3A_105 : vector<1x16xf32> to vector<16xf32>
      %swap3A_107 = vector.shape_cast %broadcast_in_dim3A_102 : vector<16xf32> to vector<1x16xf32>
      tpu.vector_store %arg8[%swap3A_103, %swap3A_104], %swap3A_107 {strides = array<i32>} : memref<80x128xf32, #tpu.memory_space<vmem>>, vector<1x16xf32>,
      %broadcast_in_dim3A_108 = arith.constant 0.000000e+00 : f32
      %broadcast_in_dim3A_109 = vector.broadcast %broadcast_in_dim3A_108 : f32 to vector<16xf32>
      %swap3A_110 = arith.index_cast %scan3A_80 : i32 to index
      %swap3A_111 = arith.constant 64 : index
      %swap3A_112 = tpu.vector_load %arg8[%swap3A_110, %swap3A_111] {strides = array<i32>} : memref<80x128xf32, #tpu.memory_space<vmem>>, vector<1x16xf32>,
      %swap3A_113 = vector.shape_cast %swap3A_112 : vector<1x16xf32> to vector<16xf32>
      %swap3A_114 = vector.shape_cast %broadcast_in_dim3A_109 : vector<16xf32> to vector<1x16xf32>
      tpu.vector_store %arg8[%swap3A_110, %swap3A_111], %swap3A_114 {strides = array<i32>} : memref<80x128xf32, #tpu.memory_space<vmem>>, vector<1x16xf32>,
      %broadcast_in_dim3A_115 = arith.constant 0.000000e+00 : f32
      %broadcast_in_dim3A_116 = vector.broadcast %broadcast_in_dim3A_115 : f32 to vector<16xf32>
      %swap3A_117 = arith.index_cast %scan3A_80 : i32 to index
      %swap3A_118 = arith.constant 80 : index
      %swap3A_119 = tpu.vector_load %arg8[%swap3A_117, %swap3A_118] {strides = array<i32>} : memref<80x128xf32, #tpu.memory_space<vmem>>, vector<1x16xf32>,
      %swap3A_120 = vector.shape_cast %swap3A_119 : vector<1x16xf32> to vector<16xf32>
      %swap3A_121 = vector.shape_cast %broadcast_in_dim3A_116 : vector<16xf32> to vector<1x16xf32>
      tpu.vector_store %arg8[%swap3A_117, %swap3A_118], %swap3A_121 {strides = array<i32>} : memref<80x128xf32, #tpu.memory_space<vmem>>, vector<1x16xf32>,
      %broadcast_in_dim3A_122 = arith.constant 0.000000e+00 : f32
      %broadcast_in_dim3A_123 = vector.broadcast %broadcast_in_dim3A_122 : f32 to vector<16xf32>
      %swap3A_124 = arith.index_cast %scan3A_80 : i32 to index
      %swap3A_125 = arith.constant 96 : index
      %swap3A_126 = tpu.vector_load %arg8[%swap3A_124, %swap3A_125] {strides = array<i32>} : memref<80x128xf32, #tpu.memory_space<vmem>>, vector<1x16xf32>,
      %swap3A_127 = vector.shape_cast %swap3A_126 : vector<1x16xf32> to vector<16xf32>
      %swap3A_128 = vector.shape_cast %broadcast_in_dim3A_123 : vector<16xf32> to vector<1x16xf32>
      tpu.vector_store %arg8[%swap3A_124, %swap3A_125], %swap3A_128 {strides = array<i32>} : memref<80x128xf32, #tpu.memory_space<vmem>>, vector<1x16xf32>,
      %broadcast_in_dim3A_129 = arith.constant 0.000000e+00 : f32
      %broadcast_in_dim3A_130 = vector.broadcast %broadcast_in_dim3A_129 : f32 to vector<16xf32>
      %swap3A_131 = arith.index_cast %scan3A_80 : i32 to index
      %swap3A_132 = arith.constant 112 : index
      %swap3A_133 = tpu.vector_load %arg8[%swap3A_131, %swap3A_132] {strides = array<i32>} : memref<80x128xf32, #tpu.memory_space<vmem>>, vector<1x16xf32>,
      %swap3A_134 = vector.shape_cast %swap3A_133 : vector<1x16xf32> to vector<16xf32>
      %swap3A_135 = vector.shape_cast %broadcast_in_dim3A_130 : vector<16xf32> to vector<1x16xf32>
      tpu.vector_store %arg8[%swap3A_131, %swap3A_132], %swap3A_135 {strides = array<i32>} : memref<80x128xf32, #tpu.memory_space<vmem>>, vector<1x16xf32>,
      %scan3A_136 = arith.constant 0 : i32
      scf.yield %scan3A_136 : i32
    }
    %scan3A_8 = arith.constant 80 : i32
    %mul3A_9 = arith.constant 632 : i32
    %mul3A_10 = arith.muli %arg1, %mul3A_9 : i32
    %add3A_11 = arith.constant 0 : i32
    %add3A_12 = arith.addi %mul3A_10, %add3A_11 : i32
    "tpu.region"() ({
      %run_scoped3A_80 = tpu.sem_alloc : memref<!tpu.dma_semaphore, #tpu.memory_space<semaphore_mem>>
      %dma_start3A_81 = arith.constant 0 : i32
      %dma_start3A_82 = tpu.memref_slice %arg10[%add3A_12, %dma_start3A_81] : memref<10112x128xf32, #tpu.memory_space<vmem_shared>> -> memref<80x128xf32, #tpu.memory_space<vmem_shared>>
      %dma_start3A_83 = arith.constant 0 : i32
      %dma_start3A_84 = tpu.memref_slice %arg10[%add3A_12, %dma_start3A_83] : memref<10112x128xf32, #tpu.memory_space<vmem_shared>> -> memref<80x128xf32, #tpu.memory_space<vmem_shared>>
      tpu.enqueue_dma source(%arg8 : memref<80x128xf32, #tpu.memory_space<vmem>>) target(%dma_start3A_84 : memref<80x128xf32, #tpu.memory_space<vmem_shared>>) target_semaphore(%run_scoped3A_80 : memref<!tpu.dma_semaphore, #tpu.memory_space<semaphore_mem>>)
      %dma_wait3A_85 = arith.constant 0 : i32
      %dma_wait3A_86 = tpu.memref_slice %arg10[%add3A_12, %dma_wait3A_85] : memref<10112x128xf32, #tpu.memory_space<vmem_shared>> -> memref<80x128xf32, #tpu.memory_space<vmem_shared>>
      %dma_wait3A_87 = arith.constant 0 : i32
      %dma_wait3A_88 = tpu.memref_slice %arg10[%add3A_12, %dma_wait3A_87] : memref<10112x128xf32, #tpu.memory_space<vmem_shared>> -> memref<80x128xf32, #tpu.memory_space<vmem_shared>>
      tpu.wait_dma2 semaphore(%run_scoped3A_80 : memref<!tpu.dma_semaphore, #tpu.memory_space<semaphore_mem>>) src(%arg8 : memref<80x128xf32, #tpu.memory_space<vmem>>) dst(%dma_wait3A_88 : memref<80x128xf32, #tpu.memory_space<vmem_shared>>)
      tpu.yield
    }) : () -> ()
    %mul3A_13 = arith.constant 632 : i32
    %mul3A_14 = arith.muli %arg1, %mul3A_13 : i32
    %add3A_15 = arith.constant 80 : i32
    %add3A_16 = arith.addi %mul3A_14, %add3A_15 : i32
    "tpu.region"() ({
      %run_scoped3A_80 = tpu.sem_alloc : memref<!tpu.dma_semaphore, #tpu.memory_space<semaphore_mem>>
      %dma_start3A_81 = arith.constant 0 : i32
      %dma_start3A_82 = tpu.memref_slice %arg10[%add3A_16, %dma_start3A_81] : memref<10112x128xf32, #tpu.memory_space<vmem_shared>> -> memref<80x128xf32, #tpu.memory_space<vmem_shared>>
      %dma_start3A_83 = arith.constant 0 : i32
      %dma_start3A_84 = tpu.memref_slice %arg10[%add3A_16, %dma_start3A_83] : memref<10112x128xf32, #tpu.memory_space<vmem_shared>> -> memref<80x128xf32, #tpu.memory_space<vmem_shared>>
      tpu.enqueue_dma source(%arg8 : memref<80x128xf32, #tpu.memory_space<vmem>>) target(%dma_start3A_84 : memref<80x128xf32, #tpu.memory_space<vmem_shared>>) target_semaphore(%run_scoped3A_80 : memref<!tpu.dma_semaphore, #tpu.memory_space<semaphore_mem>>)
      %dma_wait3A_85 = arith.constant 0 : i32
      %dma_wait3A_86 = tpu.memref_slice %arg10[%add3A_16, %dma_wait3A_85] : memref<10112x128xf32, #tpu.memory_space<vmem_shared>> -> memref<80x128xf32, #tpu.memory_space<vmem_shared>>
      %dma_wait3A_87 = arith.constant 0 : i32
      %dma_wait3A_88 = tpu.memref_slice %arg10[%add3A_16, %dma_wait3A_87] : memref<10112x128xf32, #tpu.memory_space<vmem_shared>> -> memref<80x128xf32, #tpu.memory_space<vmem_shared>>
      tpu.wait_dma2 semaphore(%run_scoped3A_80 : memref<!tpu.dma_semaphore, #tpu.memory_space<semaphore_mem>>) src(%arg8 : memref<80x128xf32, #tpu.memory_space<vmem>>) dst(%dma_wait3A_88 : memref<80x128xf32, #tpu.memory_space<vmem_shared>>)
      tpu.yield
    }) : () -> ()
    %mul3A_17 = arith.constant 632 : i32
    %mul3A_18 = arith.muli %arg1, %mul3A_17 : i32
    %add3A_19 = arith.constant 160 : i32
    %add3A_20 = arith.addi %mul3A_18, %add3A_19 : i32
    "tpu.region"() ({
      %run_scoped3A_80 = tpu.sem_alloc : memref<!tpu.dma_semaphore, #tpu.memory_space<semaphore_mem>>
      %dma_start3A_81 = arith.constant 0 : i32
      %dma_start3A_82 = tpu.memref_slice %arg10[%add3A_20, %dma_start3A_81] : memref<10112x128xf32, #tpu.memory_space<vmem_shared>> -> memref<80x128xf32, #tpu.memory_space<vmem_shared>>
      %dma_start3A_83 = arith.constant 0 : i32
      %dma_start3A_84 = tpu.memref_slice %arg10[%add3A_20, %dma_start3A_83] : memref<10112x128xf32, #tpu.memory_space<vmem_shared>> -> memref<80x128xf32, #tpu.memory_space<vmem_shared>>
      tpu.enqueue_dma source(%arg8 : memref<80x128xf32, #tpu.memory_space<vmem>>) target(%dma_start3A_84 : memref<80x128xf32, #tpu.memory_space<vmem_shared>>) target_semaphore(%run_scoped3A_80 : memref<!tpu.dma_semaphore, #tpu.memory_space<semaphore_mem>>)
      %dma_wait3A_85 = arith.constant 0 : i32
      %dma_wait3A_86 = tpu.memref_slice %arg10[%add3A_20, %dma_wait3A_85] : memref<10112x128xf32, #tpu.memory_space<vmem_shared>> -> memref<80x128xf32, #tpu.memory_space<vmem_shared>>
      %dma_wait3A_87 = arith.constant 0 : i32
      %dma_wait3A_88 = tpu.memref_slice %arg10[%add3A_20, %dma_wait3A_87] : memref<10112x128xf32, #tpu.memory_space<vmem_shared>> -> memref<80x128xf32, #tpu.memory_space<vmem_shared>>
      tpu.wait_dma2 semaphore(%run_scoped3A_80 : memref<!tpu.dma_semaphore, #tpu.memory_space<semaphore_mem>>) src(%arg8 : memref<80x128xf32, #tpu.memory_space<vmem>>) dst(%dma_wait3A_88 : memref<80x128xf32, #tpu.memory_space<vmem_shared>>)
      tpu.yield
    }) : () -> ()
    %mul3A_21 = arith.constant 632 : i32
    %mul3A_22 = arith.muli %arg1, %mul3A_21 : i32
    %add3A_23 = arith.constant 240 : i32
    %add3A_24 = arith.addi %mul3A_22, %add3A_23 : i32
    "tpu.region"() ({
      %run_scoped3A_80 = tpu.sem_alloc : memref<!tpu.dma_semaphore, #tpu.memory_space<semaphore_mem>>
      %dma_start3A_81 = arith.constant 0 : i32
      %dma_start3A_82 = tpu.memref_slice %arg10[%add3A_24, %dma_start3A_81] : memref<10112x128xf32, #tpu.memory_space<vmem_shared>> -> memref<80x128xf32, #tpu.memory_space<vmem_shared>>
      %dma_start3A_83 = arith.constant 0 : i32
      %dma_start3A_84 = tpu.memref_slice %arg10[%add3A_24, %dma_start3A_83] : memref<10112x128xf32, #tpu.memory_space<vmem_shared>> -> memref<80x128xf32, #tpu.memory_space<vmem_shared>>
      tpu.enqueue_dma source(%arg8 : memref<80x128xf32, #tpu.memory_space<vmem>>) target(%dma_start3A_84 : memref<80x128xf32, #tpu.memory_space<vmem_shared>>) target_semaphore(%run_scoped3A_80 : memref<!tpu.dma_semaphore, #tpu.memory_space<semaphore_mem>>)
      %dma_wait3A_85 = arith.constant 0 : i32
      %dma_wait3A_86 = tpu.memref_slice %arg10[%add3A_24, %dma_wait3A_85] : memref<10112x128xf32, #tpu.memory_space<vmem_shared>> -> memref<80x128xf32, #tpu.memory_space<vmem_shared>>
      %dma_wait3A_87 = arith.constant 0 : i32
      %dma_wait3A_88 = tpu.memref_slice %arg10[%add3A_24, %dma_wait3A_87] : memref<10112x128xf32, #tpu.memory_space<vmem_shared>> -> memref<80x128xf32, #tpu.memory_space<vmem_shared>>
      tpu.wait_dma2 semaphore(%run_scoped3A_80 : memref<!tpu.dma_semaphore, #tpu.memory_space<semaphore_mem>>) src(%arg8 : memref<80x128xf32, #tpu.memory_space<vmem>>) dst(%dma_wait3A_88 : memref<80x128xf32, #tpu.memory_space<vmem_shared>>)
      tpu.yield
    }) : () -> ()
    %mul3A_25 = arith.constant 632 : i32
    %mul3A_26 = arith.muli %arg1, %mul3A_25 : i32
    %add3A_27 = arith.constant 320 : i32
    %add3A_28 = arith.addi %mul3A_26, %add3A_27 : i32
    "tpu.region"() ({
      %run_scoped3A_80 = tpu.sem_alloc : memref<!tpu.dma_semaphore, #tpu.memory_space<semaphore_mem>>
      %dma_start3A_81 = arith.constant 0 : i32
      %dma_start3A_82 = tpu.memref_slice %arg10[%add3A_28, %dma_start3A_81] : memref<10112x128xf32, #tpu.memory_space<vmem_shared>> -> memref<80x128xf32, #tpu.memory_space<vmem_shared>>
      %dma_start3A_83 = arith.constant 0 : i32
      %dma_start3A_84 = tpu.memref_slice %arg10[%add3A_28, %dma_start3A_83] : memref<10112x128xf32, #tpu.memory_space<vmem_shared>> -> memref<80x128xf32, #tpu.memory_space<vmem_shared>>
      tpu.enqueue_dma source(%arg8 : memref<80x128xf32, #tpu.memory_space<vmem>>) target(%dma_start3A_84 : memref<80x128xf32, #tpu.memory_space<vmem_shared>>) target_semaphore(%run_scoped3A_80 : memref<!tpu.dma_semaphore, #tpu.memory_space<semaphore_mem>>)
      %dma_wait3A_85 = arith.constant 0 : i32
      %dma_wait3A_86 = tpu.memref_slice %arg10[%add3A_28, %dma_wait3A_85] : memref<10112x128xf32, #tpu.memory_space<vmem_shared>> -> memref<80x128xf32, #tpu.memory_space<vmem_shared>>
      %dma_wait3A_87 = arith.constant 0 : i32
      %dma_wait3A_88 = tpu.memref_slice %arg10[%add3A_28, %dma_wait3A_87] : memref<10112x128xf32, #tpu.memory_space<vmem_shared>> -> memref<80x128xf32, #tpu.memory_space<vmem_shared>>
      tpu.wait_dma2 semaphore(%run_scoped3A_80 : memref<!tpu.dma_semaphore, #tpu.memory_space<semaphore_mem>>) src(%arg8 : memref<80x128xf32, #tpu.memory_space<vmem>>) dst(%dma_wait3A_88 : memref<80x128xf32, #tpu.memory_space<vmem_shared>>)
      tpu.yield
    }) : () -> ()
    %mul3A_29 = arith.constant 632 : i32
    %mul3A_30 = arith.muli %arg1, %mul3A_29 : i32
    %add3A_31 = arith.constant 400 : i32
    %add3A_32 = arith.addi %mul3A_30, %add3A_31 : i32
    "tpu.region"() ({
      %run_scoped3A_80 = tpu.sem_alloc : memref<!tpu.dma_semaphore, #tpu.memory_space<semaphore_mem>>
      %dma_start3A_81 = arith.constant 0 : i32
      %dma_start3A_82 = tpu.memref_slice %arg10[%add3A_32, %dma_start3A_81] : memref<10112x128xf32, #tpu.memory_space<vmem_shared>> -> memref<80x128xf32, #tpu.memory_space<vmem_shared>>
      %dma_start3A_83 = arith.constant 0 : i32
      %dma_start3A_84 = tpu.memref_slice %arg10[%add3A_32, %dma_start3A_83] : memref<10112x128xf32, #tpu.memory_space<vmem_shared>> -> memref<80x128xf32, #tpu.memory_space<vmem_shared>>
      tpu.enqueue_dma source(%arg8 : memref<80x128xf32, #tpu.memory_space<vmem>>) target(%dma_start3A_84 : memref<80x128xf32, #tpu.memory_space<vmem_shared>>) target_semaphore(%run_scoped3A_80 : memref<!tpu.dma_semaphore, #tpu.memory_space<semaphore_mem>>)
      %dma_wait3A_85 = arith.constant 0 : i32
      %dma_wait3A_86 = tpu.memref_slice %arg10[%add3A_32, %dma_wait3A_85] : memref<10112x128xf32, #tpu.memory_space<vmem_shared>> -> memref<80x128xf32, #tpu.memory_space<vmem_shared>>
      %dma_wait3A_87 = arith.constant 0 : i32
      %dma_wait3A_88 = tpu.memref_slice %arg10[%add3A_32, %dma_wait3A_87] : memref<10112x128xf32, #tpu.memory_space<vmem_shared>> -> memref<80x128xf32, #tpu.memory_space<vmem_shared>>
      tpu.wait_dma2 semaphore(%run_scoped3A_80 : memref<!tpu.dma_semaphore, #tpu.memory_space<semaphore_mem>>) src(%arg8 : memref<80x128xf32, #tpu.memory_space<vmem>>) dst(%dma_wait3A_88 : memref<80x128xf32, #tpu.memory_space<vmem_shared>>)
      tpu.yield
    }) : () -> ()
    %mul3A_33 = arith.constant 632 : i32
    %mul3A_34 = arith.muli %arg1, %mul3A_33 : i32
    %add3A_35 = arith.constant 480 : i32
    %add3A_36 = arith.addi %mul3A_34, %add3A_35 : i32
    "tpu.region"() ({
      %run_scoped3A_80 = tpu.sem_alloc : memref<!tpu.dma_semaphore, #tpu.memory_space<semaphore_mem>>
      %dma_start3A_81 = arith.constant 0 : i32
      %dma_start3A_82 = tpu.memref_slice %arg10[%add3A_36, %dma_start3A_81] : memref<10112x128xf32, #tpu.memory_space<vmem_shared>> -> memref<80x128xf32, #tpu.memory_space<vmem_shared>>
      %dma_start3A_83 = arith.constant 0 : i32
      %dma_start3A_84 = tpu.memref_slice %arg10[%add3A_36, %dma_start3A_83] : memref<10112x128xf32, #tpu.memory_space<vmem_shared>> -> memref<80x128xf32, #tpu.memory_space<vmem_shared>>
      tpu.enqueue_dma source(%arg8 : memref<80x128xf32, #tpu.memory_space<vmem>>) target(%dma_start3A_84 : memref<80x128xf32, #tpu.memory_space<vmem_shared>>) target_semaphore(%run_scoped3A_80 : memref<!tpu.dma_semaphore, #tpu.memory_space<semaphore_mem>>)
      %dma_wait3A_85 = arith.constant 0 : i32
      %dma_wait3A_86 = tpu.memref_slice %arg10[%add3A_36, %dma_wait3A_85] : memref<10112x128xf32, #tpu.memory_space<vmem_shared>> -> memref<80x128xf32, #tpu.memory_space<vmem_shared>>
      %dma_wait3A_87 = arith.constant 0 : i32
      %dma_wait3A_88 = tpu.memref_slice %arg10[%add3A_36, %dma_wait3A_87] : memref<10112x128xf32, #tpu.memory_space<vmem_shared>> -> memref<80x128xf32, #tpu.memory_space<vmem_shared>>
      tpu.wait_dma2 semaphore(%run_scoped3A_80 : memref<!tpu.dma_semaphore, #tpu.memory_space<semaphore_mem>>) src(%arg8 : memref<80x128xf32, #tpu.memory_space<vmem>>) dst(%dma_wait3A_88 : memref<80x128xf32, #tpu.memory_space<vmem_shared>>)
      tpu.yield
    }) : () -> ()
    %mul3A_37 = arith.constant 632 : i32
    %mul3A_38 = arith.muli %arg1, %mul3A_37 : i32
    %add3A_39 = arith.constant 560 : i32
    %add3A_40 = arith.addi %mul3A_38, %add3A_39 : i32
    "tpu.region"() ({
      %run_scoped3A_80 = tpu.sem_alloc : memref<!tpu.dma_semaphore, #tpu.memory_space<semaphore_mem>>
      %dma_start3A_81 = arith.constant 0 : i32
      %dma_start3A_82 = arith.constant 0 : i32
      %dma_start3A_83 = tpu.memref_slice %arg8[%dma_start3A_81, %dma_start3A_82] : memref<80x128xf32, #tpu.memory_space<vmem>> -> memref<72x128xf32, #tpu.memory_space<vmem>>
      %dma_start3A_84 = arith.constant 0 : i32
      %dma_start3A_85 = tpu.memref_slice %arg10[%add3A_40, %dma_start3A_84] : memref<10112x128xf32, #tpu.memory_space<vmem_shared>> -> memref<72x128xf32, #tpu.memory_space<vmem_shared>>
      %dma_start3A_86 = arith.constant 0 : i32
      %dma_start3A_87 = tpu.memref_slice %arg10[%add3A_40, %dma_start3A_86] : memref<10112x128xf32, #tpu.memory_space<vmem_shared>> -> memref<72x128xf32, #tpu.memory_space<vmem_shared>>
      %dma_start3A_88 = arith.constant 0 : i32
      %dma_start3A_89 = arith.constant 0 : i32
      %dma_start3A_90 = tpu.memref_slice %arg8[%dma_start3A_88, %dma_start3A_89] : memref<80x128xf32, #tpu.memory_space<vmem>> -> memref<72x128xf32, #tpu.memory_space<vmem>>
      tpu.enqueue_dma source(%dma_start3A_90 : memref<72x128xf32, #tpu.memory_space<vmem>>) target(%dma_start3A_87 : memref<72x128xf32, #tpu.memory_space<vmem_shared>>) target_semaphore(%run_scoped3A_80 : memref<!tpu.dma_semaphore, #tpu.memory_space<semaphore_mem>>)
      %dma_wait3A_91 = arith.constant 0 : i32
      %dma_wait3A_92 = arith.constant 0 : i32
      %dma_wait3A_93 = tpu.memref_slice %arg8[%dma_wait3A_91, %dma_wait3A_92] : memref<80x128xf32, #tpu.memory_space<vmem>> -> memref<72x128xf32, #tpu.memory_space<vmem>>
      %dma_wait3A_94 = arith.constant 0 : i32
      %dma_wait3A_95 = tpu.memref_slice %arg10[%add3A_40, %dma_wait3A_94] : memref<10112x128xf32, #tpu.memory_space<vmem_shared>> -> memref<72x128xf32, #tpu.memory_space<vmem_shared>>
      %dma_wait3A_96 = arith.constant 0 : i32
      %dma_wait3A_97 = tpu.memref_slice %arg10[%add3A_40, %dma_wait3A_96] : memref<10112x128xf32, #tpu.memory_space<vmem_shared>> -> memref<72x128xf32, #tpu.memory_space<vmem_shared>>
      %dma_wait3A_98 = arith.constant 0 : i32
      %dma_wait3A_99 = arith.constant 0 : i32
      %dma_wait3A_100 = tpu.memref_slice %arg8[%dma_wait3A_98, %dma_wait3A_99] : memref<80x128xf32, #tpu.memory_space<vmem>> -> memref<72x128xf32, #tpu.memory_space<vmem>>
      tpu.wait_dma2 semaphore(%run_scoped3A_80 : memref<!tpu.dma_semaphore, #tpu.memory_space<semaphore_mem>>) src(%dma_wait3A_100 : memref<72x128xf32, #tpu.memory_space<vmem>>) dst(%dma_wait3A_97 : memref<72x128xf32, #tpu.memory_space<vmem_shared>>)
      tpu.yield
    }) : () -> ()
    %barrier3A = arith.constant 0 : index
    tpu.barrier barrier_id(%barrier3A)
    %dma_start3A = arith.constant 0 : i32
    %dma_start3A_41 = tpu.memref_slice %arg6[%dma_start3A] : memref<10000xi32, #tpu.memory_space<vmem>> -> memref<80xi32, #tpu.memory_space<vmem>>
    %dma_start3A_42 = arith.constant 0 : i32
    %dma_start3A_43 = arith.constant 0 : i32
    %dma_start3A_44 = tpu.memref_slice %arg2[%dma_start3A_42, %dma_start3A_43] : memref<10000x128xf32, #tpu.memory_space<hbm>> -> memref<10000x128xf32, #tpu.memory_space<hbm>>
    tpu.enqueue_indirect_dma source(%dma_start3A_44 : memref<10000x128xf32, #tpu.memory_space<hbm>>) target(%arg8 : memref<80x128xf32, #tpu.memory_space<vmem>>) offsets(%dma_start3A_41 : memref<80xi32, #tpu.memory_space<vmem>>) semaphore(%arg11 : memref<!tpu.dma_semaphore, #tpu.memory_space<semaphore_mem>>)
    %dma_start3A_45 = arith.constant 80 : i32
    %dma_start3A_46 = tpu.memref_slice %arg6[%dma_start3A_45] : memref<10000xi32, #tpu.memory_space<vmem>> -> memref<80xi32, #tpu.memory_space<vmem>>
    %dma_start3A_47 = arith.constant 0 : i32
    %dma_start3A_48 = arith.constant 0 : i32
    %dma_start3A_49 = tpu.memref_slice %arg2[%dma_start3A_47, %dma_start3A_48] : memref<10000x128xf32, #tpu.memory_space<hbm>> -> memref<10000x128xf32, #tpu.memory_space<hbm>>
    tpu.enqueue_indirect_dma source(%dma_start3A_49 : memref<10000x128xf32, #tpu.memory_space<hbm>>) target(%arg9 : memref<80x128xf32, #tpu.memory_space<vmem>>) offsets(%dma_start3A_46 : memref<80xi32, #tpu.memory_space<vmem>>) semaphore(%arg12 : memref<!tpu.dma_semaphore, #tpu.memory_space<semaphore_mem>>)
    %scan3A_50 = arith.constant 0 : i32
    %scan3A_51 = arith.constant 0 : i32
    %scan3A_52 = arith.constant 62 : i32
    %scan3A_53 = arith.addi %scan3A_51, %scan3A_52 : i32
    %scan3A_54 = arith.constant 1 : i32
    %scan3A_55 = scf.for %scan3A_80 = %scan3A_51 to %scan3A_53 step %scan3A_54 iter_args(%scan3A_81 = %scan3A_50) -> (i32)  : i32 {
      %mul3A_82 = arith.constant 2 : i32
      %mul3A_83 = arith.muli %mul3A_82, %scan3A_80 : i32
      %add3A_84 = arith.constant 1 : i32
      %add3A_85 = arith.addi %mul3A_83, %add3A_84 : i32
      %mul3A_86 = arith.constant 80 : i32
      %mul3A_87 = arith.muli %mul3A_83, %mul3A_86 : i32
      %dma_wait3A_88 = tpu.memref_slice %arg6[%mul3A_87] : memref<10000xi32, #tpu.memory_space<vmem>> -> memref<80xi32, #tpu.memory_space<vmem>>
      %dma_wait3A_89 = arith.constant 0 : i32
      %dma_wait3A_90 = arith.constant 0 : i32
      %dma_wait3A_91 = tpu.memref_slice %arg2[%dma_wait3A_89, %dma_wait3A_90] : memref<10000x128xf32, #tpu.memory_space<hbm>> -> memref<10000x128xf32, #tpu.memory_space<hbm>>
      tpu.wait_indirect_dma semaphore(%arg11 : memref<!tpu.dma_semaphore, #tpu.memory_space<semaphore_mem>>) src(%dma_wait3A_91 : memref<10000x128xf32, #tpu.memory_space<hbm>>) dst(%arg8 : memref<80x128xf32, #tpu.memory_space<vmem>>)
      %dma_start3A_92 = arith.constant 0 : i32
      %dma_start3A_93 = tpu.memref_slice %arg7[%mul3A_83, %dma_start3A_92] : memref<125x80xi32, #tpu.memory_space<vmem>> -> memref<1x80xi32, #tpu.memory_space<vmem>>
      %dma_start3A_94 = tpu.memref_squeeze %dma_start3A_93 : memref<1x80xi32, #tpu.memory_space<vmem>> -> memref<80xi32, #tpu.memory_space<vmem>>
      %dma_start3A_95 = arith.constant 0 : i32
      %dma_start3A_96 = arith.constant 0 : i32
      %dma_start3A_97 = tpu.memref_slice %arg10[%dma_start3A_95, %dma_start3A_96] : memref<10112x128xf32, #tpu.memory_space<vmem_shared>> -> memref<10112x128xf32, #tpu.memory_space<vmem_shared>>
      tpu.enqueue_indirect_dma source(%arg8 : memref<80x128xf32, #tpu.memory_space<vmem>>) target(%dma_start3A_97 : memref<10112x128xf32, #tpu.memory_space<vmem_shared>>) offsets(%dma_start3A_94 : memref<80xi32, #tpu.memory_space<vmem>>) semaphore(%arg13 : memref<!tpu.dma_semaphore, #tpu.memory_space<semaphore_mem>>) {add = true}
      %mul3A_98 = arith.constant 80 : i32
      %mul3A_99 = arith.muli %add3A_85, %mul3A_98 : i32
      %dma_wait3A_100 = tpu.memref_slice %arg6[%mul3A_99] : memref<10000xi32, #tpu.memory_space<vmem>> -> memref<80xi32, #tpu.memory_space<vmem>>
      %dma_wait3A_101 = arith.constant 0 : i32
      %dma_wait3A_102 = arith.constant 0 : i32
      %dma_wait3A_103 = tpu.memref_slice %arg2[%dma_wait3A_101, %dma_wait3A_102] : memref<10000x128xf32, #tpu.memory_space<hbm>> -> memref<10000x128xf32, #tpu.memory_space<hbm>>
      tpu.wait_indirect_dma semaphore(%arg12 : memref<!tpu.dma_semaphore, #tpu.memory_space<semaphore_mem>>) src(%dma_wait3A_103 : memref<10000x128xf32, #tpu.memory_space<hbm>>) dst(%arg9 : memref<80x128xf32, #tpu.memory_space<vmem>>)
      %dma_start3A_104 = arith.constant 0 : i32
      %dma_start3A_105 = tpu.memref_slice %arg7[%add3A_85, %dma_start3A_104] : memref<125x80xi32, #tpu.memory_space<vmem>> -> memref<1x80xi32, #tpu.memory_space<vmem>>
      %dma_start3A_106 = tpu.memref_squeeze %dma_start3A_105 : memref<1x80xi32, #tpu.memory_space<vmem>> -> memref<80xi32, #tpu.memory_space<vmem>>
      %dma_start3A_107 = arith.constant 0 : i32
      %dma_start3A_108 = arith.constant 0 : i32
      %dma_start3A_109 = tpu.memref_slice %arg10[%dma_start3A_107, %dma_start3A_108] : memref<10112x128xf32, #tpu.memory_space<vmem_shared>> -> memref<10112x128xf32, #tpu.memory_space<vmem_shared>>
      tpu.enqueue_indirect_dma source(%arg9 : memref<80x128xf32, #tpu.memory_space<vmem>>) target(%dma_start3A_109 : memref<10112x128xf32, #tpu.memory_space<vmem_shared>>) offsets(%dma_start3A_106 : memref<80xi32, #tpu.memory_space<vmem>>) semaphore(%arg14 : memref<!tpu.dma_semaphore, #tpu.memory_space<semaphore_mem>>) {add = true}
      %dma_wait3A_110 = arith.constant 0 : i32
      %dma_wait3A_111 = tpu.memref_slice %arg7[%mul3A_83, %dma_wait3A_110] : memref<125x80xi32, #tpu.memory_space<vmem>> -> memref<1x80xi32, #tpu.memory_space<vmem>>
      %dma_wait3A_112 = tpu.memref_squeeze %dma_wait3A_111 : memref<1x80xi32, #tpu.memory_space<vmem>> -> memref<80xi32, #tpu.memory_space<vmem>>
      %dma_wait3A_113 = arith.constant 0 : i32
      %dma_wait3A_114 = arith.constant 0 : i32
      %dma_wait3A_115 = tpu.memref_slice %arg10[%dma_wait3A_113, %dma_wait3A_114] : memref<10112x128xf32, #tpu.memory_space<vmem_shared>> -> memref<10112x128xf32, #tpu.memory_space<vmem_shared>>
      tpu.wait_indirect_dma semaphore(%arg13 : memref<!tpu.dma_semaphore, #tpu.memory_space<semaphore_mem>>) src(%arg8 : memref<80x128xf32, #tpu.memory_space<vmem>>) dst(%dma_wait3A_115 : memref<10112x128xf32, #tpu.memory_space<vmem_shared>>)
      %add3A_116 = arith.constant 2 : i32
      %add3A_117 = arith.addi %mul3A_83, %add3A_116 : i32
      %lt3A = arith.constant 125 : i32
      %lt3A_118 = arith.cmpi slt, %add3A_117, %lt3A : i32
      %convert_element_type3A = arith.extui %lt3A_118 : i1 to i32
      %cond3A = arith.constant 0 : i32
      %cond3A_119 = arith.cmpi ne, %convert_element_type3A, %cond3A : i32
      scf.if %cond3A_119 {
        %add3A_134 = arith.constant 2 : i32
        %add3A_135 = arith.addi %mul3A_83, %add3A_134 : i32
        %mul3A_136 = arith.constant 80 : i32
        %mul3A_137 = arith.muli %add3A_135, %mul3A_136 : i32
        %dma_start3A_138 = tpu.memref_slice %arg6[%mul3A_137] : memref<10000xi32, #tpu.memory_space<vmem>> -> memref<80xi32, #tpu.memory_space<vmem>>
        %dma_start3A_139 = arith.constant 0 : i32
        %dma_start3A_140 = arith.constant 0 : i32
        %dma_start3A_141 = tpu.memref_slice %arg2[%dma_start3A_139, %dma_start3A_140] : memref<10000x128xf32, #tpu.memory_space<hbm>> -> memref<10000x128xf32, #tpu.memory_space<hbm>>
        tpu.enqueue_indirect_dma source(%dma_start3A_141 : memref<10000x128xf32, #tpu.memory_space<hbm>>) target(%arg8 : memref<80x128xf32, #tpu.memory_space<vmem>>) offsets(%dma_start3A_138 : memref<80xi32, #tpu.memory_space<vmem>>) semaphore(%arg11 : memref<!tpu.dma_semaphore, #tpu.memory_space<semaphore_mem>>)
      } else {
      }
      %dma_wait3A_120 = arith.constant 0 : i32
      %dma_wait3A_121 = tpu.memref_slice %arg7[%add3A_85, %dma_wait3A_120] : memref<125x80xi32, #tpu.memory_space<vmem>> -> memref<1x80xi32, #tpu.memory_space<vmem>>
      %dma_wait3A_122 = tpu.memref_squeeze %dma_wait3A_121 : memref<1x80xi32, #tpu.memory_space<vmem>> -> memref<80xi32, #tpu.memory_space<vmem>>
      %dma_wait3A_123 = arith.constant 0 : i32
      %dma_wait3A_124 = arith.constant 0 : i32
      %dma_wait3A_125 = tpu.memref_slice %arg10[%dma_wait3A_123, %dma_wait3A_124] : memref<10112x128xf32, #tpu.memory_space<vmem_shared>> -> memref<10112x128xf32, #tpu.memory_space<vmem_shared>>
      tpu.wait_indirect_dma semaphore(%arg14 : memref<!tpu.dma_semaphore, #tpu.memory_space<semaphore_mem>>) src(%arg9 : memref<80x128xf32, #tpu.memory_space<vmem>>) dst(%dma_wait3A_125 : memref<10112x128xf32, #tpu.memory_space<vmem_shared>>)
      %add3A_126 = arith.constant 2 : i32
      %add3A_127 = arith.addi %add3A_85, %add3A_126 : i32
      %lt3A_128 = arith.constant 125 : i32
      %lt3A_129 = arith.cmpi slt, %add3A_127, %lt3A_128 : i32
      %convert_element_type3A_130 = arith.extui %lt3A_129 : i1 to i32
      %cond3A_131 = arith.constant 0 : i32
      %cond3A_132 = arith.cmpi ne, %convert_element_type3A_130, %cond3A_131 : i32
      scf.if %cond3A_132 {
        %add3A_134 = arith.constant 2 : i32
        %add3A_135 = arith.addi %add3A_85, %add3A_134 : i32
        %mul3A_136 = arith.constant 80 : i32
        %mul3A_137 = arith.muli %add3A_135, %mul3A_136 : i32
        %dma_start3A_138 = tpu.memref_slice %arg6[%mul3A_137] : memref<10000xi32, #tpu.memory_space<vmem>> -> memref<80xi32, #tpu.memory_space<vmem>>
        %dma_start3A_139 = arith.constant 0 : i32
        %dma_start3A_140 = arith.constant 0 : i32
        %dma_start3A_141 = tpu.memref_slice %arg2[%dma_start3A_139, %dma_start3A_140] : memref<10000x128xf32, #tpu.memory_space<hbm>> -> memref<10000x128xf32, #tpu.memory_space<hbm>>
        tpu.enqueue_indirect_dma source(%dma_start3A_141 : memref<10000x128xf32, #tpu.memory_space<hbm>>) target(%arg9 : memref<80x128xf32, #tpu.memory_space<vmem>>) offsets(%dma_start3A_138 : memref<80xi32, #tpu.memory_space<vmem>>) semaphore(%arg12 : memref<!tpu.dma_semaphore, #tpu.memory_space<semaphore_mem>>)
      } else {
      }
      %scan3A_133 = arith.constant 0 : i32
      scf.yield %scan3A_133 : i32
    }
    %scan3A_56 = arith.constant 62 : i32
    %dma_wait3A = arith.constant 9920 : i32
    %dma_wait3A_57 = tpu.memref_slice %arg6[%dma_wait3A] : memref<10000xi32, #tpu.memory_space<vmem>> -> memref<80xi32, #tpu.memory_space<vmem>>
    %dma_wait3A_58 = arith.constant 0 : i32
    %dma_wait3A_59 = arith.constant 0 : i32
    %dma_wait3A_60 = tpu.memref_slice %arg2[%dma_wait3A_58, %dma_wait3A_59] : memref<10000x128xf32, #tpu.memory_space<hbm>> -> memref<10000x128xf32, #tpu.memory_space<hbm>>
    tpu.wait_indirect_dma semaphore(%arg11 : memref<!tpu.dma_semaphore, #tpu.memory_space<semaphore_mem>>) src(%dma_wait3A_60 : memref<10000x128xf32, #tpu.memory_space<hbm>>) dst(%arg8 : memref<80x128xf32, #tpu.memory_space<vmem>>)
    %dma_start3A_61 = arith.constant 124 : i32
    %dma_start3A_62 = arith.constant 0 : i32
    %dma_start3A_63 = tpu.memref_slice %arg7[%dma_start3A_61, %dma_start3A_62] : memref<125x80xi32, #tpu.memory_space<vmem>> -> memref<1x80xi32, #tpu.memory_space<vmem>>
    %dma_start3A_64 = tpu.memref_squeeze %dma_start3A_63 : memref<1x80xi32, #tpu.memory_space<vmem>> -> memref<80xi32, #tpu.memory_space<vmem>>
    %dma_start3A_65 = arith.constant 0 : i32
    %dma_start3A_66 = arith.constant 0 : i32
    %dma_start3A_67 = tpu.memref_slice %arg10[%dma_start3A_65, %dma_start3A_66] : memref<10112x128xf32, #tpu.memory_space<vmem_shared>> -> memref<10112x128xf32, #tpu.memory_space<vmem_shared>>
    tpu.enqueue_indirect_dma source(%arg8 : memref<80x128xf32, #tpu.memory_space<vmem>>) target(%dma_start3A_67 : memref<10112x128xf32, #tpu.memory_space<vmem_shared>>) offsets(%dma_start3A_64 : memref<80xi32, #tpu.memory_space<vmem>>) semaphore(%arg13 : memref<!tpu.dma_semaphore, #tpu.memory_space<semaphore_mem>>) {add = true}
    %dma_wait3A_68 = arith.constant 124 : i32
    %dma_wait3A_69 = arith.constant 0 : i32
    %dma_wait3A_70 = tpu.memref_slice %arg7[%dma_wait3A_68, %dma_wait3A_69] : memref<125x80xi32, #tpu.memory_space<vmem>> -> memref<1x80xi32, #tpu.memory_space<vmem>>
    %dma_wait3A_71 = tpu.memref_squeeze %dma_wait3A_70 : memref<1x80xi32, #tpu.memory_space<vmem>> -> memref<80xi32, #tpu.memory_space<vmem>>
    %dma_wait3A_72 = arith.constant 0 : i32
    %dma_wait3A_73 = arith.constant 0 : i32
    %dma_wait3A_74 = tpu.memref_slice %arg10[%dma_wait3A_72, %dma_wait3A_73] : memref<10112x128xf32, #tpu.memory_space<vmem_shared>> -> memref<10112x128xf32, #tpu.memory_space<vmem_shared>>
    tpu.wait_indirect_dma semaphore(%arg13 : memref<!tpu.dma_semaphore, #tpu.memory_space<semaphore_mem>>) src(%arg8 : memref<80x128xf32, #tpu.memory_space<vmem>>) dst(%dma_wait3A_74 : memref<10112x128xf32, #tpu.memory_space<vmem_shared>>)
    %barrier3A_75 = arith.constant 0 : index
    tpu.barrier barrier_id(%barrier3A_75)
    %mul3A_76 = arith.constant 632 : i32
    %mul3A_77 = arith.muli %arg1, %mul3A_76 : i32
    %mul3A_78 = arith.constant 632 : i32
    %mul3A_79 = arith.muli %arg1, %mul3A_78 : i32
    %run_scoped3A = arith.constant 0 : i32
    "tpu.region"() ({
      %run_scoped3A_80 = tpu.sem_alloc : memref<!tpu.dma_semaphore, #tpu.memory_space<semaphore_mem>>
      %dma_start3A_81 = arith.constant 0 : i32
      %dma_start3A_82 = tpu.memref_slice %arg5[%run_scoped3A, %arg0, %mul3A_79, %dma_start3A_81] : memref<1x2x10112x128xf32, #tpu.memory_space<hbm>> -> memref<1x1x632x128xf32, #tpu.memory_space<hbm>>
      %dma_start3A_83 = tpu.memref_squeeze %dma_start3A_82 : memref<1x1x632x128xf32, #tpu.memory_space<hbm>> -> memref<632x128xf32, #tpu.memory_space<hbm>>
      %dma_start3A_84 = arith.constant 0 : i32
      %dma_start3A_85 = tpu.memref_slice %arg10[%mul3A_77, %dma_start3A_84] : memref<10112x128xf32, #tpu.memory_space<vmem_shared>> -> memref<632x128xf32, #tpu.memory_space<vmem_shared>>
      tpu.enqueue_dma source(%dma_start3A_85 : memref<632x128xf32, #tpu.memory_space<vmem_shared>>) target(%dma_start3A_83 : memref<632x128xf32, #tpu.memory_space<hbm>>) target_semaphore(%run_scoped3A_80 : memref<!tpu.dma_semaphore, #tpu.memory_space<semaphore_mem>>)
      %dma_wait3A_86 = arith.constant 0 : i32
      %dma_wait3A_87 = tpu.memref_slice %arg5[%run_scoped3A, %arg0, %mul3A_79, %dma_wait3A_86] : memref<1x2x10112x128xf32, #tpu.memory_space<hbm>> -> memref<1x1x632x128xf32, #tpu.memory_space<hbm>>
      %dma_wait3A_88 = tpu.memref_squeeze %dma_wait3A_87 : memref<1x1x632x128xf32, #tpu.memory_space<hbm>> -> memref<632x128xf32, #tpu.memory_space<hbm>>
      %dma_wait3A_89 = arith.constant 0 : i32
      %dma_wait3A_90 = tpu.memref_slice %arg10[%mul3A_77, %dma_wait3A_89] : memref<10112x128xf32, #tpu.memory_space<vmem_shared>> -> memref<632x128xf32, #tpu.memory_space<vmem_shared>>
      tpu.wait_dma2 semaphore(%run_scoped3A_80 : memref<!tpu.dma_semaphore, #tpu.memory_space<semaphore_mem>>) src(%dma_wait3A_90 : memref<632x128xf32, #tpu.memory_space<vmem_shared>>) dst(%dma_wait3A_88 : memref<632x128xf32, #tpu.memory_space<hbm>>)
      tpu.yield
    }) : () -> ()
    return
  }
}

#map = affine_map<(d0, d1) -> (0, 0, 0)>
#map1 = affine_map<(d0, d1) -> (0, 0)>
module attributes {stable_mosaic.version = 14 : i64} {
  func.func @k(%arg0: i32, %arg1: i32, %arg2: memref<32x125x80xi32, #tpu.memory_space<hbm>>, %arg3: memref<80x128xf32, #tpu.memory_space<hbm>>, %arg4: memref<128x128xf32, #tpu.memory_space<hbm>>, %arg5: memref<2x10112x128xf32, #tpu.memory_space<hbm>>, %arg6: memref<125x80xi32, #tpu.memory_space<vmem>>, %arg7: memref<80x128xf32, #tpu.memory_space<vmem>>, %arg8: memref<128x128xf32, #tpu.memory_space<vmem>>, %arg9: memref<10112x128xf32, #tpu.memory_space<vmem_shared>>, %arg10: memref<!tpu.dma_semaphore, #tpu.memory_space<semaphore_mem>>) attributes {dimension_semantics = [#tpu.dimension_semantics<core_parallel>, #tpu.dimension_semantics<subcore_parallel>], iteration_bounds = array<i64: 2, 16>, scalar_prefetch = 0 : i64, scratch_operands = 5 : i64, tpu.core_type = #tpu.core_type<sc_vector_subcore>, window_params = [{transform_indices = #map}, {transform_indices = #map1}, {transform_indices = #map1}, {transform_indices = #map}]} {
    %mul3A = arith.constant 16 : i32
    %mul3A_0 = arith.muli %arg0, %mul3A : i32
    %add3A = arith.addi %mul3A_0, %arg1 : i32
    "tpu.region"() ({
      %run_scoped3A = tpu.sem_alloc : memref<!tpu.dma_semaphore, #tpu.memory_space<semaphore_mem>>
      %dma_start3A_142 = arith.constant 0 : i32
      %dma_start3A_143 = arith.constant 0 : i32
      %dma_start3A_144 = tpu.memref_slice %arg2[%add3A, %dma_start3A_142, %dma_start3A_143] : memref<32x125x80xi32, #tpu.memory_space<hbm>> -> memref<1x125x80xi32, #tpu.memory_space<hbm>>
      %dma_start3A_145 = tpu.memref_squeeze %dma_start3A_144 : memref<1x125x80xi32, #tpu.memory_space<hbm>> -> memref<125x80xi32, #tpu.memory_space<hbm>>
      %dma_start3A_146 = arith.constant 0 : i32
      %dma_start3A_147 = arith.constant 0 : i32
      %dma_start3A_148 = tpu.memref_slice %arg2[%add3A, %dma_start3A_146, %dma_start3A_147] : memref<32x125x80xi32, #tpu.memory_space<hbm>> -> memref<1x125x80xi32, #tpu.memory_space<hbm>>
      %dma_start3A_149 = tpu.memref_squeeze %dma_start3A_148 : memref<1x125x80xi32, #tpu.memory_space<hbm>> -> memref<125x80xi32, #tpu.memory_space<hbm>>
      tpu.enqueue_dma source(%dma_start3A_149 : memref<125x80xi32, #tpu.memory_space<hbm>>) target(%arg6 : memref<125x80xi32, #tpu.memory_space<vmem>>) target_semaphore(%run_scoped3A : memref<!tpu.dma_semaphore, #tpu.memory_space<semaphore_mem>>)
      %dma_wait3A_150 = arith.constant 0 : i32
      %dma_wait3A_151 = arith.constant 0 : i32
      %dma_wait3A_152 = tpu.memref_slice %arg2[%add3A, %dma_wait3A_150, %dma_wait3A_151] : memref<32x125x80xi32, #tpu.memory_space<hbm>> -> memref<1x125x80xi32, #tpu.memory_space<hbm>>
      %dma_wait3A_153 = tpu.memref_squeeze %dma_wait3A_152 : memref<1x125x80xi32, #tpu.memory_space<hbm>> -> memref<125x80xi32, #tpu.memory_space<hbm>>
      %dma_wait3A_154 = arith.constant 0 : i32
      %dma_wait3A_155 = arith.constant 0 : i32
      %dma_wait3A_156 = tpu.memref_slice %arg2[%add3A, %dma_wait3A_154, %dma_wait3A_155] : memref<32x125x80xi32, #tpu.memory_space<hbm>> -> memref<1x125x80xi32, #tpu.memory_space<hbm>>
      %dma_wait3A_157 = tpu.memref_squeeze %dma_wait3A_156 : memref<1x125x80xi32, #tpu.memory_space<hbm>> -> memref<125x80xi32, #tpu.memory_space<hbm>>
      tpu.wait_dma2 semaphore(%run_scoped3A : memref<!tpu.dma_semaphore, #tpu.memory_space<semaphore_mem>>) src(%dma_wait3A_157 : memref<125x80xi32, #tpu.memory_space<hbm>>) dst(%arg6 : memref<125x80xi32, #tpu.memory_space<vmem>>)
      tpu.yield
    }) : () -> ()
    "tpu.region"() ({
      %run_scoped3A = tpu.sem_alloc : memref<!tpu.dma_semaphore, #tpu.memory_space<semaphore_mem>>
      tpu.enqueue_dma source(%arg3 : memref<80x128xf32, #tpu.memory_space<hbm>>) target(%arg7 : memref<80x128xf32, #tpu.memory_space<vmem>>) target_semaphore(%run_scoped3A : memref<!tpu.dma_semaphore, #tpu.memory_space<semaphore_mem>>)
      tpu.wait_dma2 semaphore(%run_scoped3A : memref<!tpu.dma_semaphore, #tpu.memory_space<semaphore_mem>>) src(%arg3 : memref<80x128xf32, #tpu.memory_space<hbm>>) dst(%arg7 : memref<80x128xf32, #tpu.memory_space<vmem>>)
      tpu.yield
    }) : () -> ()
    "tpu.region"() ({
      %run_scoped3A = tpu.sem_alloc : memref<!tpu.dma_semaphore, #tpu.memory_space<semaphore_mem>>
      tpu.enqueue_dma source(%arg4 : memref<128x128xf32, #tpu.memory_space<hbm>>) target(%arg8 : memref<128x128xf32, #tpu.memory_space<vmem>>) target_semaphore(%run_scoped3A : memref<!tpu.dma_semaphore, #tpu.memory_space<semaphore_mem>>)
      tpu.wait_dma2 semaphore(%run_scoped3A : memref<!tpu.dma_semaphore, #tpu.memory_space<semaphore_mem>>) src(%arg4 : memref<128x128xf32, #tpu.memory_space<hbm>>) dst(%arg8 : memref<128x128xf32, #tpu.memory_space<vmem>>)
      tpu.yield
    }) : () -> ()
    %mul3A_1 = arith.constant 632 : i32
    %mul3A_2 = arith.muli %arg1, %mul3A_1 : i32
    %add3A_3 = arith.constant 0 : i32
    %add3A_4 = arith.addi %mul3A_2, %add3A_3 : i32
    "tpu.region"() ({
      %run_scoped3A = tpu.sem_alloc : memref<!tpu.dma_semaphore, #tpu.memory_space<semaphore_mem>>
      %dma_start3A_142 = arith.constant 0 : i32
      %dma_start3A_143 = tpu.memref_slice %arg9[%add3A_4, %dma_start3A_142] : memref<10112x128xf32, #tpu.memory_space<vmem_shared>> -> memref<128x128xf32, #tpu.memory_space<vmem_shared>>
      %dma_start3A_144 = arith.constant 0 : i32
      %dma_start3A_145 = tpu.memref_slice %arg9[%add3A_4, %dma_start3A_144] : memref<10112x128xf32, #tpu.memory_space<vmem_shared>> -> memref<128x128xf32, #tpu.memory_space<vmem_shared>>
      tpu.enqueue_dma source(%arg8 : memref<128x128xf32, #tpu.memory_space<vmem>>) target(%dma_start3A_145 : memref<128x128xf32, #tpu.memory_space<vmem_shared>>) target_semaphore(%run_scoped3A : memref<!tpu.dma_semaphore, #tpu.memory_space<semaphore_mem>>)
      %dma_wait3A_146 = arith.constant 0 : i32
      %dma_wait3A_147 = tpu.memref_slice %arg9[%add3A_4, %dma_wait3A_146] : memref<10112x128xf32, #tpu.memory_space<vmem_shared>> -> memref<128x128xf32, #tpu.memory_space<vmem_shared>>
      %dma_wait3A_148 = arith.constant 0 : i32
      %dma_wait3A_149 = tpu.memref_slice %arg9[%add3A_4, %dma_wait3A_148] : memref<10112x128xf32, #tpu.memory_space<vmem_shared>> -> memref<128x128xf32, #tpu.memory_space<vmem_shared>>
      tpu.wait_dma2 semaphore(%run_scoped3A : memref<!tpu.dma_semaphore, #tpu.memory_space<semaphore_mem>>) src(%arg8 : memref<128x128xf32, #tpu.memory_space<vmem>>) dst(%dma_wait3A_149 : memref<128x128xf32, #tpu.memory_space<vmem_shared>>)
      tpu.yield
    }) : () -> ()
    %mul3A_5 = arith.constant 632 : i32
    %mul3A_6 = arith.muli %arg1, %mul3A_5 : i32
    %add3A_7 = arith.constant 128 : i32
    %add3A_8 = arith.addi %mul3A_6, %add3A_7 : i32
    "tpu.region"() ({
      %run_scoped3A = tpu.sem_alloc : memref<!tpu.dma_semaphore, #tpu.memory_space<semaphore_mem>>
      %dma_start3A_142 = arith.constant 0 : i32
      %dma_start3A_143 = tpu.memref_slice %arg9[%add3A_8, %dma_start3A_142] : memref<10112x128xf32, #tpu.memory_space<vmem_shared>> -> memref<128x128xf32, #tpu.memory_space<vmem_shared>>
      %dma_start3A_144 = arith.constant 0 : i32
      %dma_start3A_145 = tpu.memref_slice %arg9[%add3A_8, %dma_start3A_144] : memref<10112x128xf32, #tpu.memory_space<vmem_shared>> -> memref<128x128xf32, #tpu.memory_space<vmem_shared>>
      tpu.enqueue_dma source(%arg8 : memref<128x128xf32, #tpu.memory_space<vmem>>) target(%dma_start3A_145 : memref<128x128xf32, #tpu.memory_space<vmem_shared>>) target_semaphore(%run_scoped3A : memref<!tpu.dma_semaphore, #tpu.memory_space<semaphore_mem>>)
      %dma_wait3A_146 = arith.constant 0 : i32
      %dma_wait3A_147 = tpu.memref_slice %arg9[%add3A_8, %dma_wait3A_146] : memref<10112x128xf32, #tpu.memory_space<vmem_shared>> -> memref<128x128xf32, #tpu.memory_space<vmem_shared>>
      %dma_wait3A_148 = arith.constant 0 : i32
      %dma_wait3A_149 = tpu.memref_slice %arg9[%add3A_8, %dma_wait3A_148] : memref<10112x128xf32, #tpu.memory_space<vmem_shared>> -> memref<128x128xf32, #tpu.memory_space<vmem_shared>>
      tpu.wait_dma2 semaphore(%run_scoped3A : memref<!tpu.dma_semaphore, #tpu.memory_space<semaphore_mem>>) src(%arg8 : memref<128x128xf32, #tpu.memory_space<vmem>>) dst(%dma_wait3A_149 : memref<128x128xf32, #tpu.memory_space<vmem_shared>>)
      tpu.yield
    }) : () -> ()
    %mul3A_9 = arith.constant 632 : i32
    %mul3A_10 = arith.muli %arg1, %mul3A_9 : i32
    %add3A_11 = arith.constant 256 : i32
    %add3A_12 = arith.addi %mul3A_10, %add3A_11 : i32
    "tpu.region"() ({
      %run_scoped3A = tpu.sem_alloc : memref<!tpu.dma_semaphore, #tpu.memory_space<semaphore_mem>>
      %dma_start3A_142 = arith.constant 0 : i32
      %dma_start3A_143 = tpu.memref_slice %arg9[%add3A_12, %dma_start3A_142] : memref<10112x128xf32, #tpu.memory_space<vmem_shared>> -> memref<128x128xf32, #tpu.memory_space<vmem_shared>>
      %dma_start3A_144 = arith.constant 0 : i32
      %dma_start3A_145 = tpu.memref_slice %arg9[%add3A_12, %dma_start3A_144] : memref<10112x128xf32, #tpu.memory_space<vmem_shared>> -> memref<128x128xf32, #tpu.memory_space<vmem_shared>>
      tpu.enqueue_dma source(%arg8 : memref<128x128xf32, #tpu.memory_space<vmem>>) target(%dma_start3A_145 : memref<128x128xf32, #tpu.memory_space<vmem_shared>>) target_semaphore(%run_scoped3A : memref<!tpu.dma_semaphore, #tpu.memory_space<semaphore_mem>>)
      %dma_wait3A_146 = arith.constant 0 : i32
      %dma_wait3A_147 = tpu.memref_slice %arg9[%add3A_12, %dma_wait3A_146] : memref<10112x128xf32, #tpu.memory_space<vmem_shared>> -> memref<128x128xf32, #tpu.memory_space<vmem_shared>>
      %dma_wait3A_148 = arith.constant 0 : i32
      %dma_wait3A_149 = tpu.memref_slice %arg9[%add3A_12, %dma_wait3A_148] : memref<10112x128xf32, #tpu.memory_space<vmem_shared>> -> memref<128x128xf32, #tpu.memory_space<vmem_shared>>
      tpu.wait_dma2 semaphore(%run_scoped3A : memref<!tpu.dma_semaphore, #tpu.memory_space<semaphore_mem>>) src(%arg8 : memref<128x128xf32, #tpu.memory_space<vmem>>) dst(%dma_wait3A_149 : memref<128x128xf32, #tpu.memory_space<vmem_shared>>)
      tpu.yield
    }) : () -> ()
    %mul3A_13 = arith.constant 632 : i32
    %mul3A_14 = arith.muli %arg1, %mul3A_13 : i32
    %add3A_15 = arith.constant 384 : i32
    %add3A_16 = arith.addi %mul3A_14, %add3A_15 : i32
    "tpu.region"() ({
      %run_scoped3A = tpu.sem_alloc : memref<!tpu.dma_semaphore, #tpu.memory_space<semaphore_mem>>
      %dma_start3A_142 = arith.constant 0 : i32
      %dma_start3A_143 = tpu.memref_slice %arg9[%add3A_16, %dma_start3A_142] : memref<10112x128xf32, #tpu.memory_space<vmem_shared>> -> memref<128x128xf32, #tpu.memory_space<vmem_shared>>
      %dma_start3A_144 = arith.constant 0 : i32
      %dma_start3A_145 = tpu.memref_slice %arg9[%add3A_16, %dma_start3A_144] : memref<10112x128xf32, #tpu.memory_space<vmem_shared>> -> memref<128x128xf32, #tpu.memory_space<vmem_shared>>
      tpu.enqueue_dma source(%arg8 : memref<128x128xf32, #tpu.memory_space<vmem>>) target(%dma_start3A_145 : memref<128x128xf32, #tpu.memory_space<vmem_shared>>) target_semaphore(%run_scoped3A : memref<!tpu.dma_semaphore, #tpu.memory_space<semaphore_mem>>)
      %dma_wait3A_146 = arith.constant 0 : i32
      %dma_wait3A_147 = tpu.memref_slice %arg9[%add3A_16, %dma_wait3A_146] : memref<10112x128xf32, #tpu.memory_space<vmem_shared>> -> memref<128x128xf32, #tpu.memory_space<vmem_shared>>
      %dma_wait3A_148 = arith.constant 0 : i32
      %dma_wait3A_149 = tpu.memref_slice %arg9[%add3A_16, %dma_wait3A_148] : memref<10112x128xf32, #tpu.memory_space<vmem_shared>> -> memref<128x128xf32, #tpu.memory_space<vmem_shared>>
      tpu.wait_dma2 semaphore(%run_scoped3A : memref<!tpu.dma_semaphore, #tpu.memory_space<semaphore_mem>>) src(%arg8 : memref<128x128xf32, #tpu.memory_space<vmem>>) dst(%dma_wait3A_149 : memref<128x128xf32, #tpu.memory_space<vmem_shared>>)
      tpu.yield
    }) : () -> ()
    %mul3A_17 = arith.constant 632 : i32
    %mul3A_18 = arith.muli %arg1, %mul3A_17 : i32
    %add3A_19 = arith.constant 512 : i32
    %add3A_20 = arith.addi %mul3A_18, %add3A_19 : i32
    "tpu.region"() ({
      %run_scoped3A = tpu.sem_alloc : memref<!tpu.dma_semaphore, #tpu.memory_space<semaphore_mem>>
      %dma_start3A_142 = arith.constant 0 : i32
      %dma_start3A_143 = arith.constant 0 : i32
      %dma_start3A_144 = tpu.memref_slice %arg8[%dma_start3A_142, %dma_start3A_143] : memref<128x128xf32, #tpu.memory_space<vmem>> -> memref<120x128xf32, #tpu.memory_space<vmem>>
      %dma_start3A_145 = arith.constant 0 : i32
      %dma_start3A_146 = tpu.memref_slice %arg9[%add3A_20, %dma_start3A_145] : memref<10112x128xf32, #tpu.memory_space<vmem_shared>> -> memref<120x128xf32, #tpu.memory_space<vmem_shared>>
      %dma_start3A_147 = arith.constant 0 : i32
      %dma_start3A_148 = tpu.memref_slice %arg9[%add3A_20, %dma_start3A_147] : memref<10112x128xf32, #tpu.memory_space<vmem_shared>> -> memref<120x128xf32, #tpu.memory_space<vmem_shared>>
      %dma_start3A_149 = arith.constant 0 : i32
      %dma_start3A_150 = arith.constant 0 : i32
      %dma_start3A_151 = tpu.memref_slice %arg8[%dma_start3A_149, %dma_start3A_150] : memref<128x128xf32, #tpu.memory_space<vmem>> -> memref<120x128xf32, #tpu.memory_space<vmem>>
      tpu.enqueue_dma source(%dma_start3A_151 : memref<120x128xf32, #tpu.memory_space<vmem>>) target(%dma_start3A_148 : memref<120x128xf32, #tpu.memory_space<vmem_shared>>) target_semaphore(%run_scoped3A : memref<!tpu.dma_semaphore, #tpu.memory_space<semaphore_mem>>)
      %dma_wait3A_152 = arith.constant 0 : i32
      %dma_wait3A_153 = arith.constant 0 : i32
      %dma_wait3A_154 = tpu.memref_slice %arg8[%dma_wait3A_152, %dma_wait3A_153] : memref<128x128xf32, #tpu.memory_space<vmem>> -> memref<120x128xf32, #tpu.memory_space<vmem>>
      %dma_wait3A_155 = arith.constant 0 : i32
      %dma_wait3A_156 = tpu.memref_slice %arg9[%add3A_20, %dma_wait3A_155] : memref<10112x128xf32, #tpu.memory_space<vmem_shared>> -> memref<120x128xf32, #tpu.memory_space<vmem_shared>>
      %dma_wait3A_157 = arith.constant 0 : i32
      %dma_wait3A_158 = tpu.memref_slice %arg9[%add3A_20, %dma_wait3A_157] : memref<10112x128xf32, #tpu.memory_space<vmem_shared>> -> memref<120x128xf32, #tpu.memory_space<vmem_shared>>
      %dma_wait3A_159 = arith.constant 0 : i32
      %dma_wait3A_160 = arith.constant 0 : i32
      %dma_wait3A_161 = tpu.memref_slice %arg8[%dma_wait3A_159, %dma_wait3A_160] : memref<128x128xf32, #tpu.memory_space<vmem>> -> memref<120x128xf32, #tpu.memory_space<vmem>>
      tpu.wait_dma2 semaphore(%run_scoped3A : memref<!tpu.dma_semaphore, #tpu.memory_space<semaphore_mem>>) src(%dma_wait3A_161 : memref<120x128xf32, #tpu.memory_space<vmem>>) dst(%dma_wait3A_158 : memref<120x128xf32, #tpu.memory_space<vmem_shared>>)
      tpu.yield
    }) : () -> ()
    %barrier3A = arith.constant 0 : index
    tpu.barrier barrier_id(%barrier3A)
    %dma_start3A = arith.constant 0 : i32
    %dma_start3A_21 = arith.constant 0 : i32
    %dma_start3A_22 = tpu.memref_slice %arg6[%dma_start3A, %dma_start3A_21] : memref<125x80xi32, #tpu.memory_space<vmem>> -> memref<1x80xi32, #tpu.memory_space<vmem>>
    %dma_start3A_23 = tpu.memref_squeeze %dma_start3A_22 : memref<1x80xi32, #tpu.memory_space<vmem>> -> memref<80xi32, #tpu.memory_space<vmem>>
    %dma_start3A_24 = arith.constant 0 : i32
    %dma_start3A_25 = arith.constant 0 : i32
    %dma_start3A_26 = tpu.memref_slice %arg9[%dma_start3A_24, %dma_start3A_25] : memref<10112x128xf32, #tpu.memory_space<vmem_shared>> -> memref<10112x128xf32, #tpu.memory_space<vmem_shared>>
    tpu.enqueue_indirect_dma source(%arg7 : memref<80x128xf32, #tpu.memory_space<vmem>>) target(%dma_start3A_26 : memref<10112x128xf32, #tpu.memory_space<vmem_shared>>) offsets(%dma_start3A_23 : memref<80xi32, #tpu.memory_space<vmem>>) semaphore(%arg10 : memref<!tpu.dma_semaphore, #tpu.memory_space<semaphore_mem>>) {add = true}
    %dma_start3A_27 = arith.constant 1 : i32
    %dma_start3A_28 = arith.constant 0 : i32
    %dma_start3A_29 = tpu.memref_slice %arg6[%dma_start3A_27, %dma_start3A_28] : memref<125x80xi32, #tpu.memory_space<vmem>> -> memref<1x80xi32, #tpu.memory_space<vmem>>
    %dma_start3A_30 = tpu.memref_squeeze %dma_start3A_29 : memref<1x80xi32, #tpu.memory_space<vmem>> -> memref<80xi32, #tpu.memory_space<vmem>>
    %dma_start3A_31 = arith.constant 0 : i32
    %dma_start3A_32 = arith.constant 0 : i32
    %dma_start3A_33 = tpu.memref_slice %arg9[%dma_start3A_31, %dma_start3A_32] : memref<10112x128xf32, #tpu.memory_space<vmem_shared>> -> memref<10112x128xf32, #tpu.memory_space<vmem_shared>>
    tpu.enqueue_indirect_dma source(%arg7 : memref<80x128xf32, #tpu.memory_space<vmem>>) target(%dma_start3A_33 : memref<10112x128xf32, #tpu.memory_space<vmem_shared>>) offsets(%dma_start3A_30 : memref<80xi32, #tpu.memory_space<vmem>>) semaphore(%arg10 : memref<!tpu.dma_semaphore, #tpu.memory_space<semaphore_mem>>) {add = true}
    %dma_start3A_34 = arith.constant 2 : i32
    %dma_start3A_35 = arith.constant 0 : i32
    %dma_start3A_36 = tpu.memref_slice %arg6[%dma_start3A_34, %dma_start3A_35] : memref<125x80xi32, #tpu.memory_space<vmem>> -> memref<1x80xi32, #tpu.memory_space<vmem>>
    %dma_start3A_37 = tpu.memref_squeeze %dma_start3A_36 : memref<1x80xi32, #tpu.memory_space<vmem>> -> memref<80xi32, #tpu.memory_space<vmem>>
    %dma_start3A_38 = arith.constant 0 : i32
    %dma_start3A_39 = arith.constant 0 : i32
    %dma_start3A_40 = tpu.memref_slice %arg9[%dma_start3A_38, %dma_start3A_39] : memref<10112x128xf32, #tpu.memory_space<vmem_shared>> -> memref<10112x128xf32, #tpu.memory_space<vmem_shared>>
    tpu.enqueue_indirect_dma source(%arg7 : memref<80x128xf32, #tpu.memory_space<vmem>>) target(%dma_start3A_40 : memref<10112x128xf32, #tpu.memory_space<vmem_shared>>) offsets(%dma_start3A_37 : memref<80xi32, #tpu.memory_space<vmem>>) semaphore(%arg10 : memref<!tpu.dma_semaphore, #tpu.memory_space<semaphore_mem>>) {add = true}
    %dma_start3A_41 = arith.constant 3 : i32
    %dma_start3A_42 = arith.constant 0 : i32
    %dma_start3A_43 = tpu.memref_slice %arg6[%dma_start3A_41, %dma_start3A_42] : memref<125x80xi32, #tpu.memory_space<vmem>> -> memref<1x80xi32, #tpu.memory_space<vmem>>
    %dma_start3A_44 = tpu.memref_squeeze %dma_start3A_43 : memref<1x80xi32, #tpu.memory_space<vmem>> -> memref<80xi32, #tpu.memory_space<vmem>>
    %dma_start3A_45 = arith.constant 0 : i32
    %dma_start3A_46 = arith.constant 0 : i32
    %dma_start3A_47 = tpu.memref_slice %arg9[%dma_start3A_45, %dma_start3A_46] : memref<10112x128xf32, #tpu.memory_space<vmem_shared>> -> memref<10112x128xf32, #tpu.memory_space<vmem_shared>>
    tpu.enqueue_indirect_dma source(%arg7 : memref<80x128xf32, #tpu.memory_space<vmem>>) target(%dma_start3A_47 : memref<10112x128xf32, #tpu.memory_space<vmem_shared>>) offsets(%dma_start3A_44 : memref<80xi32, #tpu.memory_space<vmem>>) semaphore(%arg10 : memref<!tpu.dma_semaphore, #tpu.memory_space<semaphore_mem>>) {add = true}
    %dma_start3A_48 = arith.constant 4 : i32
    %dma_start3A_49 = arith.constant 0 : i32
    %dma_start3A_50 = tpu.memref_slice %arg6[%dma_start3A_48, %dma_start3A_49] : memref<125x80xi32, #tpu.memory_space<vmem>> -> memref<1x80xi32, #tpu.memory_space<vmem>>
    %dma_start3A_51 = tpu.memref_squeeze %dma_start3A_50 : memref<1x80xi32, #tpu.memory_space<vmem>> -> memref<80xi32, #tpu.memory_space<vmem>>
    %dma_start3A_52 = arith.constant 0 : i32
    %dma_start3A_53 = arith.constant 0 : i32
    %dma_start3A_54 = tpu.memref_slice %arg9[%dma_start3A_52, %dma_start3A_53] : memref<10112x128xf32, #tpu.memory_space<vmem_shared>> -> memref<10112x128xf32, #tpu.memory_space<vmem_shared>>
    tpu.enqueue_indirect_dma source(%arg7 : memref<80x128xf32, #tpu.memory_space<vmem>>) target(%dma_start3A_54 : memref<10112x128xf32, #tpu.memory_space<vmem_shared>>) offsets(%dma_start3A_51 : memref<80xi32, #tpu.memory_space<vmem>>) semaphore(%arg10 : memref<!tpu.dma_semaphore, #tpu.memory_space<semaphore_mem>>) {add = true}
    %dma_start3A_55 = arith.constant 5 : i32
    %dma_start3A_56 = arith.constant 0 : i32
    %dma_start3A_57 = tpu.memref_slice %arg6[%dma_start3A_55, %dma_start3A_56] : memref<125x80xi32, #tpu.memory_space<vmem>> -> memref<1x80xi32, #tpu.memory_space<vmem>>
    %dma_start3A_58 = tpu.memref_squeeze %dma_start3A_57 : memref<1x80xi32, #tpu.memory_space<vmem>> -> memref<80xi32, #tpu.memory_space<vmem>>
    %dma_start3A_59 = arith.constant 0 : i32
    %dma_start3A_60 = arith.constant 0 : i32
    %dma_start3A_61 = tpu.memref_slice %arg9[%dma_start3A_59, %dma_start3A_60] : memref<10112x128xf32, #tpu.memory_space<vmem_shared>> -> memref<10112x128xf32, #tpu.memory_space<vmem_shared>>
    tpu.enqueue_indirect_dma source(%arg7 : memref<80x128xf32, #tpu.memory_space<vmem>>) target(%dma_start3A_61 : memref<10112x128xf32, #tpu.memory_space<vmem_shared>>) offsets(%dma_start3A_58 : memref<80xi32, #tpu.memory_space<vmem>>) semaphore(%arg10 : memref<!tpu.dma_semaphore, #tpu.memory_space<semaphore_mem>>) {add = true}
    %dma_start3A_62 = arith.constant 6 : i32
    %dma_start3A_63 = arith.constant 0 : i32
    %dma_start3A_64 = tpu.memref_slice %arg6[%dma_start3A_62, %dma_start3A_63] : memref<125x80xi32, #tpu.memory_space<vmem>> -> memref<1x80xi32, #tpu.memory_space<vmem>>
    %dma_start3A_65 = tpu.memref_squeeze %dma_start3A_64 : memref<1x80xi32, #tpu.memory_space<vmem>> -> memref<80xi32, #tpu.memory_space<vmem>>
    %dma_start3A_66 = arith.constant 0 : i32
    %dma_start3A_67 = arith.constant 0 : i32
    %dma_start3A_68 = tpu.memref_slice %arg9[%dma_start3A_66, %dma_start3A_67] : memref<10112x128xf32, #tpu.memory_space<vmem_shared>> -> memref<10112x128xf32, #tpu.memory_space<vmem_shared>>
    tpu.enqueue_indirect_dma source(%arg7 : memref<80x128xf32, #tpu.memory_space<vmem>>) target(%dma_start3A_68 : memref<10112x128xf32, #tpu.memory_space<vmem_shared>>) offsets(%dma_start3A_65 : memref<80xi32, #tpu.memory_space<vmem>>) semaphore(%arg10 : memref<!tpu.dma_semaphore, #tpu.memory_space<semaphore_mem>>) {add = true}
    %dma_start3A_69 = arith.constant 7 : i32
    %dma_start3A_70 = arith.constant 0 : i32
    %dma_start3A_71 = tpu.memref_slice %arg6[%dma_start3A_69, %dma_start3A_70] : memref<125x80xi32, #tpu.memory_space<vmem>> -> memref<1x80xi32, #tpu.memory_space<vmem>>
    %dma_start3A_72 = tpu.memref_squeeze %dma_start3A_71 : memref<1x80xi32, #tpu.memory_space<vmem>> -> memref<80xi32, #tpu.memory_space<vmem>>
    %dma_start3A_73 = arith.constant 0 : i32
    %dma_start3A_74 = arith.constant 0 : i32
    %dma_start3A_75 = tpu.memref_slice %arg9[%dma_start3A_73, %dma_start3A_74] : memref<10112x128xf32, #tpu.memory_space<vmem_shared>> -> memref<10112x128xf32, #tpu.memory_space<vmem_shared>>
    tpu.enqueue_indirect_dma source(%arg7 : memref<80x128xf32, #tpu.memory_space<vmem>>) target(%dma_start3A_75 : memref<10112x128xf32, #tpu.memory_space<vmem_shared>>) offsets(%dma_start3A_72 : memref<80xi32, #tpu.memory_space<vmem>>) semaphore(%arg10 : memref<!tpu.dma_semaphore, #tpu.memory_space<semaphore_mem>>) {add = true}
    %scan3A = arith.constant 0 : i32
    %scan3A_76 = arith.constant 0 : i32
    %scan3A_77 = arith.constant 117 : i32
    %scan3A_78 = arith.addi %scan3A_76, %scan3A_77 : i32
    %scan3A_79 = arith.constant 1 : i32
    %scan3A_80 = scf.for %scan3A_142 = %scan3A_76 to %scan3A_78 step %scan3A_79 iter_args(%scan3A_143 = %scan3A) -> (i32)  : i32 {
      %dma_wait3A_144 = arith.constant 0 : i32
      %dma_wait3A_145 = tpu.memref_slice %arg6[%scan3A_142, %dma_wait3A_144] : memref<125x80xi32, #tpu.memory_space<vmem>> -> memref<1x80xi32, #tpu.memory_space<vmem>>
      %dma_wait3A_146 = tpu.memref_squeeze %dma_wait3A_145 : memref<1x80xi32, #tpu.memory_space<vmem>> -> memref<80xi32, #tpu.memory_space<vmem>>
      %dma_wait3A_147 = arith.constant 0 : i32
      %dma_wait3A_148 = arith.constant 0 : i32
      %dma_wait3A_149 = tpu.memref_slice %arg9[%dma_wait3A_147, %dma_wait3A_148] : memref<10112x128xf32, #tpu.memory_space<vmem_shared>> -> memref<10112x128xf32, #tpu.memory_space<vmem_shared>>
      tpu.wait_indirect_dma semaphore(%arg10 : memref<!tpu.dma_semaphore, #tpu.memory_space<semaphore_mem>>) src(%arg7 : memref<80x128xf32, #tpu.memory_space<vmem>>) dst(%dma_wait3A_149 : memref<10112x128xf32, #tpu.memory_space<vmem_shared>>)
      %add3A_150 = arith.constant 8 : i32
      %add3A_151 = arith.addi %scan3A_142, %add3A_150 : i32
      %dma_start3A_152 = arith.constant 0 : i32
      %dma_start3A_153 = tpu.memref_slice %arg6[%add3A_151, %dma_start3A_152] : memref<125x80xi32, #tpu.memory_space<vmem>> -> memref<1x80xi32, #tpu.memory_space<vmem>>
      %dma_start3A_154 = tpu.memref_squeeze %dma_start3A_153 : memref<1x80xi32, #tpu.memory_space<vmem>> -> memref<80xi32, #tpu.memory_space<vmem>>
      %dma_start3A_155 = arith.constant 0 : i32
      %dma_start3A_156 = arith.constant 0 : i32
      %dma_start3A_157 = tpu.memref_slice %arg9[%dma_start3A_155, %dma_start3A_156] : memref<10112x128xf32, #tpu.memory_space<vmem_shared>> -> memref<10112x128xf32, #tpu.memory_space<vmem_shared>>
      tpu.enqueue_indirect_dma source(%arg7 : memref<80x128xf32, #tpu.memory_space<vmem>>) target(%dma_start3A_157 : memref<10112x128xf32, #tpu.memory_space<vmem_shared>>) offsets(%dma_start3A_154 : memref<80xi32, #tpu.memory_space<vmem>>) semaphore(%arg10 : memref<!tpu.dma_semaphore, #tpu.memory_space<semaphore_mem>>) {add = true}
      %scan3A_158 = arith.constant 0 : i32
      scf.yield %scan3A_158 : i32
    }
    %scan3A_81 = arith.constant 117 : i32
    %dma_wait3A = arith.constant 0 : i32
    %dma_wait3A_82 = arith.constant 0 : i32
    %dma_wait3A_83 = tpu.memref_slice %arg6[%dma_wait3A, %dma_wait3A_82] : memref<125x80xi32, #tpu.memory_space<vmem>> -> memref<1x80xi32, #tpu.memory_space<vmem>>
    %dma_wait3A_84 = tpu.memref_squeeze %dma_wait3A_83 : memref<1x80xi32, #tpu.memory_space<vmem>> -> memref<80xi32, #tpu.memory_space<vmem>>
    %dma_wait3A_85 = arith.constant 0 : i32
    %dma_wait3A_86 = arith.constant 0 : i32
    %dma_wait3A_87 = tpu.memref_slice %arg9[%dma_wait3A_85, %dma_wait3A_86] : memref<10112x128xf32, #tpu.memory_space<vmem_shared>> -> memref<10112x128xf32, #tpu.memory_space<vmem_shared>>
    tpu.wait_indirect_dma semaphore(%arg10 : memref<!tpu.dma_semaphore, #tpu.memory_space<semaphore_mem>>) src(%arg7 : memref<80x128xf32, #tpu.memory_space<vmem>>) dst(%dma_wait3A_87 : memref<10112x128xf32, #tpu.memory_space<vmem_shared>>)
    %dma_wait3A_88 = arith.constant 1 : i32
    %dma_wait3A_89 = arith.constant 0 : i32
    %dma_wait3A_90 = tpu.memref_slice %arg6[%dma_wait3A_88, %dma_wait3A_89] : memref<125x80xi32, #tpu.memory_space<vmem>> -> memref<1x80xi32, #tpu.memory_space<vmem>>
    %dma_wait3A_91 = tpu.memref_squeeze %dma_wait3A_90 : memref<1x80xi32, #tpu.memory_space<vmem>> -> memref<80xi32, #tpu.memory_space<vmem>>
    %dma_wait3A_92 = arith.constant 0 : i32
    %dma_wait3A_93 = arith.constant 0 : i32
    %dma_wait3A_94 = tpu.memref_slice %arg9[%dma_wait3A_92, %dma_wait3A_93] : memref<10112x128xf32, #tpu.memory_space<vmem_shared>> -> memref<10112x128xf32, #tpu.memory_space<vmem_shared>>
    tpu.wait_indirect_dma semaphore(%arg10 : memref<!tpu.dma_semaphore, #tpu.memory_space<semaphore_mem>>) src(%arg7 : memref<80x128xf32, #tpu.memory_space<vmem>>) dst(%dma_wait3A_94 : memref<10112x128xf32, #tpu.memory_space<vmem_shared>>)
    %dma_wait3A_95 = arith.constant 2 : i32
    %dma_wait3A_96 = arith.constant 0 : i32
    %dma_wait3A_97 = tpu.memref_slice %arg6[%dma_wait3A_95, %dma_wait3A_96] : memref<125x80xi32, #tpu.memory_space<vmem>> -> memref<1x80xi32, #tpu.memory_space<vmem>>
    %dma_wait3A_98 = tpu.memref_squeeze %dma_wait3A_97 : memref<1x80xi32, #tpu.memory_space<vmem>> -> memref<80xi32, #tpu.memory_space<vmem>>
    %dma_wait3A_99 = arith.constant 0 : i32
    %dma_wait3A_100 = arith.constant 0 : i32
    %dma_wait3A_101 = tpu.memref_slice %arg9[%dma_wait3A_99, %dma_wait3A_100] : memref<10112x128xf32, #tpu.memory_space<vmem_shared>> -> memref<10112x128xf32, #tpu.memory_space<vmem_shared>>
    tpu.wait_indirect_dma semaphore(%arg10 : memref<!tpu.dma_semaphore, #tpu.memory_space<semaphore_mem>>) src(%arg7 : memref<80x128xf32, #tpu.memory_space<vmem>>) dst(%dma_wait3A_101 : memref<10112x128xf32, #tpu.memory_space<vmem_shared>>)
    %dma_wait3A_102 = arith.constant 3 : i32
    %dma_wait3A_103 = arith.constant 0 : i32
    %dma_wait3A_104 = tpu.memref_slice %arg6[%dma_wait3A_102, %dma_wait3A_103] : memref<125x80xi32, #tpu.memory_space<vmem>> -> memref<1x80xi32, #tpu.memory_space<vmem>>
    %dma_wait3A_105 = tpu.memref_squeeze %dma_wait3A_104 : memref<1x80xi32, #tpu.memory_space<vmem>> -> memref<80xi32, #tpu.memory_space<vmem>>
    %dma_wait3A_106 = arith.constant 0 : i32
    %dma_wait3A_107 = arith.constant 0 : i32
    %dma_wait3A_108 = tpu.memref_slice %arg9[%dma_wait3A_106, %dma_wait3A_107] : memref<10112x128xf32, #tpu.memory_space<vmem_shared>> -> memref<10112x128xf32, #tpu.memory_space<vmem_shared>>
    tpu.wait_indirect_dma semaphore(%arg10 : memref<!tpu.dma_semaphore, #tpu.memory_space<semaphore_mem>>) src(%arg7 : memref<80x128xf32, #tpu.memory_space<vmem>>) dst(%dma_wait3A_108 : memref<10112x128xf32, #tpu.memory_space<vmem_shared>>)
    %dma_wait3A_109 = arith.constant 4 : i32
    %dma_wait3A_110 = arith.constant 0 : i32
    %dma_wait3A_111 = tpu.memref_slice %arg6[%dma_wait3A_109, %dma_wait3A_110] : memref<125x80xi32, #tpu.memory_space<vmem>> -> memref<1x80xi32, #tpu.memory_space<vmem>>
    %dma_wait3A_112 = tpu.memref_squeeze %dma_wait3A_111 : memref<1x80xi32, #tpu.memory_space<vmem>> -> memref<80xi32, #tpu.memory_space<vmem>>
    %dma_wait3A_113 = arith.constant 0 : i32
    %dma_wait3A_114 = arith.constant 0 : i32
    %dma_wait3A_115 = tpu.memref_slice %arg9[%dma_wait3A_113, %dma_wait3A_114] : memref<10112x128xf32, #tpu.memory_space<vmem_shared>> -> memref<10112x128xf32, #tpu.memory_space<vmem_shared>>
    tpu.wait_indirect_dma semaphore(%arg10 : memref<!tpu.dma_semaphore, #tpu.memory_space<semaphore_mem>>) src(%arg7 : memref<80x128xf32, #tpu.memory_space<vmem>>) dst(%dma_wait3A_115 : memref<10112x128xf32, #tpu.memory_space<vmem_shared>>)
    %dma_wait3A_116 = arith.constant 5 : i32
    %dma_wait3A_117 = arith.constant 0 : i32
    %dma_wait3A_118 = tpu.memref_slice %arg6[%dma_wait3A_116, %dma_wait3A_117] : memref<125x80xi32, #tpu.memory_space<vmem>> -> memref<1x80xi32, #tpu.memory_space<vmem>>
    %dma_wait3A_119 = tpu.memref_squeeze %dma_wait3A_118 : memref<1x80xi32, #tpu.memory_space<vmem>> -> memref<80xi32, #tpu.memory_space<vmem>>
    %dma_wait3A_120 = arith.constant 0 : i32
    %dma_wait3A_121 = arith.constant 0 : i32
    %dma_wait3A_122 = tpu.memref_slice %arg9[%dma_wait3A_120, %dma_wait3A_121] : memref<10112x128xf32, #tpu.memory_space<vmem_shared>> -> memref<10112x128xf32, #tpu.memory_space<vmem_shared>>
    tpu.wait_indirect_dma semaphore(%arg10 : memref<!tpu.dma_semaphore, #tpu.memory_space<semaphore_mem>>) src(%arg7 : memref<80x128xf32, #tpu.memory_space<vmem>>) dst(%dma_wait3A_122 : memref<10112x128xf32, #tpu.memory_space<vmem_shared>>)
    %dma_wait3A_123 = arith.constant 6 : i32
    %dma_wait3A_124 = arith.constant 0 : i32
    %dma_wait3A_125 = tpu.memref_slice %arg6[%dma_wait3A_123, %dma_wait3A_124] : memref<125x80xi32, #tpu.memory_space<vmem>> -> memref<1x80xi32, #tpu.memory_space<vmem>>
    %dma_wait3A_126 = tpu.memref_squeeze %dma_wait3A_125 : memref<1x80xi32, #tpu.memory_space<vmem>> -> memref<80xi32, #tpu.memory_space<vmem>>
    %dma_wait3A_127 = arith.constant 0 : i32
    %dma_wait3A_128 = arith.constant 0 : i32
    %dma_wait3A_129 = tpu.memref_slice %arg9[%dma_wait3A_127, %dma_wait3A_128] : memref<10112x128xf32, #tpu.memory_space<vmem_shared>> -> memref<10112x128xf32, #tpu.memory_space<vmem_shared>>
    tpu.wait_indirect_dma semaphore(%arg10 : memref<!tpu.dma_semaphore, #tpu.memory_space<semaphore_mem>>) src(%arg7 : memref<80x128xf32, #tpu.memory_space<vmem>>) dst(%dma_wait3A_129 : memref<10112x128xf32, #tpu.memory_space<vmem_shared>>)
    %dma_wait3A_130 = arith.constant 7 : i32
    %dma_wait3A_131 = arith.constant 0 : i32
    %dma_wait3A_132 = tpu.memref_slice %arg6[%dma_wait3A_130, %dma_wait3A_131] : memref<125x80xi32, #tpu.memory_space<vmem>> -> memref<1x80xi32, #tpu.memory_space<vmem>>
    %dma_wait3A_133 = tpu.memref_squeeze %dma_wait3A_132 : memref<1x80xi32, #tpu.memory_space<vmem>> -> memref<80xi32, #tpu.memory_space<vmem>>
    %dma_wait3A_134 = arith.constant 0 : i32
    %dma_wait3A_135 = arith.constant 0 : i32
    %dma_wait3A_136 = tpu.memref_slice %arg9[%dma_wait3A_134, %dma_wait3A_135] : memref<10112x128xf32, #tpu.memory_space<vmem_shared>> -> memref<10112x128xf32, #tpu.memory_space<vmem_shared>>
    tpu.wait_indirect_dma semaphore(%arg10 : memref<!tpu.dma_semaphore, #tpu.memory_space<semaphore_mem>>) src(%arg7 : memref<80x128xf32, #tpu.memory_space<vmem>>) dst(%dma_wait3A_136 : memref<10112x128xf32, #tpu.memory_space<vmem_shared>>)
    %barrier3A_137 = arith.constant 0 : index
    tpu.barrier barrier_id(%barrier3A_137)
    %mul3A_138 = arith.constant 632 : i32
    %mul3A_139 = arith.muli %arg1, %mul3A_138 : i32
    %mul3A_140 = arith.constant 632 : i32
    %mul3A_141 = arith.muli %arg1, %mul3A_140 : i32
    "tpu.region"() ({
      %run_scoped3A = tpu.sem_alloc : memref<!tpu.dma_semaphore, #tpu.memory_space<semaphore_mem>>
      %dma_start3A_142 = arith.constant 0 : i32
      %dma_start3A_143 = tpu.memref_slice %arg5[%arg0, %mul3A_141, %dma_start3A_142] : memref<2x10112x128xf32, #tpu.memory_space<hbm>> -> memref<1x632x128xf32, #tpu.memory_space<hbm>>
      %dma_start3A_144 = tpu.memref_squeeze %dma_start3A_143 : memref<1x632x128xf32, #tpu.memory_space<hbm>> -> memref<632x128xf32, #tpu.memory_space<hbm>>
      %dma_start3A_145 = arith.constant 0 : i32
      %dma_start3A_146 = tpu.memref_slice %arg9[%mul3A_139, %dma_start3A_145] : memref<10112x128xf32, #tpu.memory_space<vmem_shared>> -> memref<632x128xf32, #tpu.memory_space<vmem_shared>>
      tpu.enqueue_dma source(%dma_start3A_146 : memref<632x128xf32, #tpu.memory_space<vmem_shared>>) target(%dma_start3A_144 : memref<632x128xf32, #tpu.memory_space<hbm>>) target_semaphore(%run_scoped3A : memref<!tpu.dma_semaphore, #tpu.memory_space<semaphore_mem>>)
      %dma_wait3A_147 = arith.constant 0 : i32
      %dma_wait3A_148 = tpu.memref_slice %arg5[%arg0, %mul3A_141, %dma_wait3A_147] : memref<2x10112x128xf32, #tpu.memory_space<hbm>> -> memref<1x632x128xf32, #tpu.memory_space<hbm>>
      %dma_wait3A_149 = tpu.memref_squeeze %dma_wait3A_148 : memref<1x632x128xf32, #tpu.memory_space<hbm>> -> memref<632x128xf32, #tpu.memory_space<hbm>>
      %dma_wait3A_150 = arith.constant 0 : i32
      %dma_wait3A_151 = tpu.memref_slice %arg9[%mul3A_139, %dma_wait3A_150] : memref<10112x128xf32, #tpu.memory_space<vmem_shared>> -> memref<632x128xf32, #tpu.memory_space<vmem_shared>>
      tpu.wait_dma2 semaphore(%run_scoped3A : memref<!tpu.dma_semaphore, #tpu.memory_space<semaphore_mem>>) src(%dma_wait3A_151 : memref<632x128xf32, #tpu.memory_space<vmem_shared>>) dst(%dma_wait3A_149 : memref<632x128xf32, #tpu.memory_space<hbm>>)
      tpu.yield
    }) : () -> ()
    return
  }
}

#map = affine_map<(d0, d1) -> (0, 0)>
#map1 = affine_map<(d0, d1) -> (0)>
#map2 = affine_map<(d0, d1) -> (0, 0, 0)>
#map3 = affine_map<(d0, d1) -> (0, 0, 0, 0)>
module attributes {stable_mosaic.version = 14 : i64} {
  func.func @k(%arg0: i32, %arg1: i32, %arg2: memref<10000x128xf32, #tpu.memory_space<hbm>>, %arg3: memref<320000xi32, #tpu.memory_space<hbm>>, %arg4: memref<32x125x80xi32, #tpu.memory_space<hbm>>, %arg5: memref<1x2x10112x128xf32, #tpu.memory_space<hbm>>, %arg6: memref<10000xi32, #tpu.memory_space<vmem>>, %arg7: memref<125x80xi32, #tpu.memory_space<vmem>>, %arg8: memref<80x128xf32, #tpu.memory_space<vmem>>, %arg9: memref<80x128xf32, #tpu.memory_space<vmem>>, %arg10: memref<10112x128xf32, #tpu.memory_space<vmem_shared>>, %arg11: memref<!tpu.dma_semaphore, #tpu.memory_space<semaphore_mem>>, %arg12: memref<!tpu.dma_semaphore, #tpu.memory_space<semaphore_mem>>, %arg13: memref<!tpu.dma_semaphore, #tpu.memory_space<semaphore_mem>>, %arg14: memref<!tpu.dma_semaphore, #tpu.memory_space<semaphore_mem>>) attributes {dimension_semantics = [#tpu.dimension_semantics<core_parallel>, #tpu.dimension_semantics<subcore_parallel>], iteration_bounds = array<i64: 2, 16>, scalar_prefetch = 0 : i64, scratch_operands = 9 : i64, tpu.core_type = #tpu.core_type<sc_vector_subcore>, window_params = [{transform_indices = #map}, {transform_indices = #map1}, {transform_indices = #map2}, {transform_indices = #map3}]} {
    %mul3A = arith.constant 16 : i32
    %mul3A_0 = arith.muli %arg0, %mul3A : i32
    %add3A = arith.addi %mul3A_0, %arg1 : i32
    %mul3A_1 = arith.constant 10000 : i32
    %mul3A_2 = arith.muli %add3A, %mul3A_1 : i32
    "tpu.region"() ({
      %run_scoped3A_80 = tpu.sem_alloc : memref<!tpu.dma_semaphore, #tpu.memory_space<semaphore_mem>>
      %dma_start3A_81 = tpu.memref_slice %arg3[%mul3A_2] : memref<320000xi32, #tpu.memory_space<hbm>> -> memref<10000xi32, #tpu.memory_space<hbm>>
      %dma_start3A_82 = tpu.memref_slice %arg3[%mul3A_2] : memref<320000xi32, #tpu.memory_space<hbm>> -> memref<10000xi32, #tpu.memory_space<hbm>>
      tpu.enqueue_dma source(%dma_start3A_82 : memref<10000xi32, #tpu.memory_space<hbm>>) target(%arg6 : memref<10000xi32, #tpu.memory_space<vmem>>) target_semaphore(%run_scoped3A_80 : memref<!tpu.dma_semaphore, #tpu.memory_space<semaphore_mem>>)
      %dma_wait3A_83 = tpu.memref_slice %arg3[%mul3A_2] : memref<320000xi32, #tpu.memory_space<hbm>> -> memref<10000xi32, #tpu.memory_space<hbm>>
      %dma_wait3A_84 = tpu.memref_slice %arg3[%mul3A_2] : memref<320000xi32, #tpu.memory_space<hbm>> -> memref<10000xi32, #tpu.memory_space<hbm>>
      tpu.wait_dma2 semaphore(%run_scoped3A_80 : memref<!tpu.dma_semaphore, #tpu.memory_space<semaphore_mem>>) src(%dma_wait3A_84 : memref<10000xi32, #tpu.memory_space<hbm>>) dst(%arg6 : memref<10000xi32, #tpu.memory_space<vmem>>)
      tpu.yield
    }) : () -> ()
    "tpu.region"() ({
      %run_scoped3A_80 = tpu.sem_alloc : memref<!tpu.dma_semaphore, #tpu.memory_space<semaphore_mem>>
      %dma_start3A_81 = arith.constant 0 : i32
      %dma_start3A_82 = arith.constant 0 : i32
      %dma_start3A_83 = tpu.memref_slice %arg4[%add3A, %dma_start3A_81, %dma_start3A_82] : memref<32x125x80xi32, #tpu.memory_space<hbm>> -> memref<1x125x80xi32, #tpu.memory_space<hbm>>
      %dma_start3A_84 = tpu.memref_squeeze %dma_start3A_83 : memref<1x125x80xi32, #tpu.memory_space<hbm>> -> memref<125x80xi32, #tpu.memory_space<hbm>>
      %dma_start3A_85 = arith.constant 0 : i32
      %dma_start3A_86 = arith.constant 0 : i32
      %dma_start3A_87 = tpu.memref_slice %arg4[%add3A, %dma_start3A_85, %dma_start3A_86] : memref<32x125x80xi32, #tpu.memory_space<hbm>> -> memref<1x125x80xi32, #tpu.memory_space<hbm>>
      %dma_start3A_88 = tpu.memref_squeeze %dma_start3A_87 : memref<1x125x80xi32, #tpu.memory_space<hbm>> -> memref<125x80xi32, #tpu.memory_space<hbm>>
      tpu.enqueue_dma source(%dma_start3A_88 : memref<125x80xi32, #tpu.memory_space<hbm>>) target(%arg7 : memref<125x80xi32, #tpu.memory_space<vmem>>) target_semaphore(%run_scoped3A_80 : memref<!tpu.dma_semaphore, #tpu.memory_space<semaphore_mem>>)
      %dma_wait3A_89 = arith.constant 0 : i32
      %dma_wait3A_90 = arith.constant 0 : i32
      %dma_wait3A_91 = tpu.memref_slice %arg4[%add3A, %dma_wait3A_89, %dma_wait3A_90] : memref<32x125x80xi32, #tpu.memory_space<hbm>> -> memref<1x125x80xi32, #tpu.memory_space<hbm>>
      %dma_wait3A_92 = tpu.memref_squeeze %dma_wait3A_91 : memref<1x125x80xi32, #tpu.memory_space<hbm>> -> memref<125x80xi32, #tpu.memory_space<hbm>>
      %dma_wait3A_93 = arith.constant 0 : i32
      %dma_wait3A_94 = arith.constant 0 : i32
      %dma_wait3A_95 = tpu.memref_slice %arg4[%add3A, %dma_wait3A_93, %dma_wait3A_94] : memref<32x125x80xi32, #tpu.memory_space<hbm>> -> memref<1x125x80xi32, #tpu.memory_space<hbm>>
      %dma_wait3A_96 = tpu.memref_squeeze %dma_wait3A_95 : memref<1x125x80xi32, #tpu.memory_space<hbm>> -> memref<125x80xi32, #tpu.memory_space<hbm>>
      tpu.wait_dma2 semaphore(%run_scoped3A_80 : memref<!tpu.dma_semaphore, #tpu.memory_space<semaphore_mem>>) src(%dma_wait3A_96 : memref<125x80xi32, #tpu.memory_space<hbm>>) dst(%arg7 : memref<125x80xi32, #tpu.memory_space<vmem>>)
      tpu.yield
    }) : () -> ()
    %scan3A = arith.constant 0 : i32
    %scan3A_3 = arith.constant 0 : i32
    %scan3A_4 = arith.constant 80 : i32
    %scan3A_5 = arith.addi %scan3A_3, %scan3A_4 : i32
    %scan3A_6 = arith.constant 1 : i32
    %scan3A_7 = scf.for %scan3A_80 = %scan3A_3 to %scan3A_5 step %scan3A_6 iter_args(%scan3A_81 = %scan3A) -> (i32)  : i32 {
      %broadcast_in_dim3A = arith.constant 0.000000e+00 : f32
      %broadcast_in_dim3A_82 = vector.broadcast %broadcast_in_dim3A : f32 to vector<16xf32>
      %swap3A = arith.index_cast %scan3A_80 : i32 to index
      %swap3A_83 = arith.constant 0 : index
      %swap3A_84 = tpu.vector_load %arg8[%swap3A, %swap3A_83] {strides = array<i32>} : memref<80x128xf32, #tpu.memory_space<vmem>>, vector<1x16xf32>,
      %swap3A_85 = vector.shape_cast %swap3A_84 : vector<1x16xf32> to vector<16xf32>
      %swap3A_86 = vector.shape_cast %broadcast_in_dim3A_82 : vector<16xf32> to vector<1x16xf32>
      tpu.vector_store %arg8[%swap3A, %swap3A_83], %swap3A_86 {strides = array<i32>} : memref<80x128xf32, #tpu.memory_space<vmem>>, vector<1x16xf32>,
      %broadcast_in_dim3A_87 = arith.constant 0.000000e+00 : f32
      %broadcast_in_dim3A_88 = vector.broadcast %broadcast_in_dim3A_87 : f32 to vector<16xf32>
      %swap3A_89 = arith.index_cast %scan3A_80 : i32 to index
      %swap3A_90 = arith.constant 16 : index
      %swap3A_91 = tpu.vector_load %arg8[%swap3A_89, %swap3A_90] {strides = array<i32>} : memref<80x128xf32, #tpu.memory_space<vmem>>, vector<1x16xf32>,
      %swap3A_92 = vector.shape_cast %swap3A_91 : vector<1x16xf32> to vector<16xf32>
      %swap3A_93 = vector.shape_cast %broadcast_in_dim3A_88 : vector<16xf32> to vector<1x16xf32>
      tpu.vector_store %arg8[%swap3A_89, %swap3A_90], %swap3A_93 {strides = array<i32>} : memref<80x128xf32, #tpu.memory_space<vmem>>, vector<1x16xf32>,
      %broadcast_in_dim3A_94 = arith.constant 0.000000e+00 : f32
      %broadcast_in_dim3A_95 = vector.broadcast %broadcast_in_dim3A_94 : f32 to vector<16xf32>
      %swap3A_96 = arith.index_cast %scan3A_80 : i32 to index
      %swap3A_97 = arith.constant 32 : index
      %swap3A_98 = tpu.vector_load %arg8[%swap3A_96, %swap3A_97] {strides = array<i32>} : memref<80x128xf32, #tpu.memory_space<vmem>>, vector<1x16xf32>,
      %swap3A_99 = vector.shape_cast %swap3A_98 : vector<1x16xf32> to vector<16xf32>
      %swap3A_100 = vector.shape_cast %broadcast_in_dim3A_95 : vector<16xf32> to vector<1x16xf32>
      tpu.vector_store %arg8[%swap3A_96, %swap3A_97], %swap3A_100 {strides = array<i32>} : memref<80x128xf32, #tpu.memory_space<vmem>>, vector<1x16xf32>,
      %broadcast_in_dim3A_101 = arith.constant 0.000000e+00 : f32
      %broadcast_in_dim3A_102 = vector.broadcast %broadcast_in_dim3A_101 : f32 to vector<16xf32>
      %swap3A_103 = arith.index_cast %scan3A_80 : i32 to index
      %swap3A_104 = arith.constant 48 : index
      %swap3A_105 = tpu.vector_load %arg8[%swap3A_103, %swap3A_104] {strides = array<i32>} : memref<80x128xf32, #tpu.memory_space<vmem>>, vector<1x16xf32>,
      %swap3A_106 = vector.shape_cast %swap3A_105 : vector<1x16xf32> to vector<16xf32>
      %swap3A_107 = vector.shape_cast %broadcast_in_dim3A_102 : vector<16xf32> to vector<1x16xf32>
      tpu.vector_store %arg8[%swap3A_103, %swap3A_104], %swap3A_107 {strides = array<i32>} : memref<80x128xf32, #tpu.memory_space<vmem>>, vector<1x16xf32>,
      %broadcast_in_dim3A_108 = arith.constant 0.000000e+00 : f32
      %broadcast_in_dim3A_109 = vector.broadcast %broadcast_in_dim3A_108 : f32 to vector<16xf32>
      %swap3A_110 = arith.index_cast %scan3A_80 : i32 to index
      %swap3A_111 = arith.constant 64 : index
      %swap3A_112 = tpu.vector_load %arg8[%swap3A_110, %swap3A_111] {strides = array<i32>} : memref<80x128xf32, #tpu.memory_space<vmem>>, vector<1x16xf32>,
      %swap3A_113 = vector.shape_cast %swap3A_112 : vector<1x16xf32> to vector<16xf32>
      %swap3A_114 = vector.shape_cast %broadcast_in_dim3A_109 : vector<16xf32> to vector<1x16xf32>
      tpu.vector_store %arg8[%swap3A_110, %swap3A_111], %swap3A_114 {strides = array<i32>} : memref<80x128xf32, #tpu.memory_space<vmem>>, vector<1x16xf32>,
      %broadcast_in_dim3A_115 = arith.constant 0.000000e+00 : f32
      %broadcast_in_dim3A_116 = vector.broadcast %broadcast_in_dim3A_115 : f32 to vector<16xf32>
      %swap3A_117 = arith.index_cast %scan3A_80 : i32 to index
      %swap3A_118 = arith.constant 80 : index
      %swap3A_119 = tpu.vector_load %arg8[%swap3A_117, %swap3A_118] {strides = array<i32>} : memref<80x128xf32, #tpu.memory_space<vmem>>, vector<1x16xf32>,
      %swap3A_120 = vector.shape_cast %swap3A_119 : vector<1x16xf32> to vector<16xf32>
      %swap3A_121 = vector.shape_cast %broadcast_in_dim3A_116 : vector<16xf32> to vector<1x16xf32>
      tpu.vector_store %arg8[%swap3A_117, %swap3A_118], %swap3A_121 {strides = array<i32>} : memref<80x128xf32, #tpu.memory_space<vmem>>, vector<1x16xf32>,
      %broadcast_in_dim3A_122 = arith.constant 0.000000e+00 : f32
      %broadcast_in_dim3A_123 = vector.broadcast %broadcast_in_dim3A_122 : f32 to vector<16xf32>
      %swap3A_124 = arith.index_cast %scan3A_80 : i32 to index
      %swap3A_125 = arith.constant 96 : index
      %swap3A_126 = tpu.vector_load %arg8[%swap3A_124, %swap3A_125] {strides = array<i32>} : memref<80x128xf32, #tpu.memory_space<vmem>>, vector<1x16xf32>,
      %swap3A_127 = vector.shape_cast %swap3A_126 : vector<1x16xf32> to vector<16xf32>
      %swap3A_128 = vector.shape_cast %broadcast_in_dim3A_123 : vector<16xf32> to vector<1x16xf32>
      tpu.vector_store %arg8[%swap3A_124, %swap3A_125], %swap3A_128 {strides = array<i32>} : memref<80x128xf32, #tpu.memory_space<vmem>>, vector<1x16xf32>,
      %broadcast_in_dim3A_129 = arith.constant 0.000000e+00 : f32
      %broadcast_in_dim3A_130 = vector.broadcast %broadcast_in_dim3A_129 : f32 to vector<16xf32>
      %swap3A_131 = arith.index_cast %scan3A_80 : i32 to index
      %swap3A_132 = arith.constant 112 : index
      %swap3A_133 = tpu.vector_load %arg8[%swap3A_131, %swap3A_132] {strides = array<i32>} : memref<80x128xf32, #tpu.memory_space<vmem>>, vector<1x16xf32>,
      %swap3A_134 = vector.shape_cast %swap3A_133 : vector<1x16xf32> to vector<16xf32>
      %swap3A_135 = vector.shape_cast %broadcast_in_dim3A_130 : vector<16xf32> to vector<1x16xf32>
      tpu.vector_store %arg8[%swap3A_131, %swap3A_132], %swap3A_135 {strides = array<i32>} : memref<80x128xf32, #tpu.memory_space<vmem>>, vector<1x16xf32>,
      %scan3A_136 = arith.constant 0 : i32
      scf.yield %scan3A_136 : i32
    }
    %scan3A_8 = arith.constant 80 : i32
    %mul3A_9 = arith.constant 632 : i32
    %mul3A_10 = arith.muli %arg1, %mul3A_9 : i32
    %add3A_11 = arith.constant 0 : i32
    %add3A_12 = arith.addi %mul3A_10, %add3A_11 : i32
    "tpu.region"() ({
      %run_scoped3A_80 = tpu.sem_alloc : memref<!tpu.dma_semaphore, #tpu.memory_space<semaphore_mem>>
      %dma_start3A_81 = arith.constant 0 : i32
      %dma_start3A_82 = tpu.memref_slice %arg10[%add3A_12, %dma_start3A_81] : memref<10112x128xf32, #tpu.memory_space<vmem_shared>> -> memref<80x128xf32, #tpu.memory_space<vmem_shared>>
      %dma_start3A_83 = arith.constant 0 : i32
      %dma_start3A_84 = tpu.memref_slice %arg10[%add3A_12, %dma_start3A_83] : memref<10112x128xf32, #tpu.memory_space<vmem_shared>> -> memref<80x128xf32, #tpu.memory_space<vmem_shared>>
      tpu.enqueue_dma source(%arg8 : memref<80x128xf32, #tpu.memory_space<vmem>>) target(%dma_start3A_84 : memref<80x128xf32, #tpu.memory_space<vmem_shared>>) target_semaphore(%run_scoped3A_80 : memref<!tpu.dma_semaphore, #tpu.memory_space<semaphore_mem>>)
      %dma_wait3A_85 = arith.constant 0 : i32
      %dma_wait3A_86 = tpu.memref_slice %arg10[%add3A_12, %dma_wait3A_85] : memref<10112x128xf32, #tpu.memory_space<vmem_shared>> -> memref<80x128xf32, #tpu.memory_space<vmem_shared>>
      %dma_wait3A_87 = arith.constant 0 : i32
      %dma_wait3A_88 = tpu.memref_slice %arg10[%add3A_12, %dma_wait3A_87] : memref<10112x128xf32, #tpu.memory_space<vmem_shared>> -> memref<80x128xf32, #tpu.memory_space<vmem_shared>>
      tpu.wait_dma2 semaphore(%run_scoped3A_80 : memref<!tpu.dma_semaphore, #tpu.memory_space<semaphore_mem>>) src(%arg8 : memref<80x128xf32, #tpu.memory_space<vmem>>) dst(%dma_wait3A_88 : memref<80x128xf32, #tpu.memory_space<vmem_shared>>)
      tpu.yield
    }) : () -> ()
    %mul3A_13 = arith.constant 632 : i32
    %mul3A_14 = arith.muli %arg1, %mul3A_13 : i32
    %add3A_15 = arith.constant 80 : i32
    %add3A_16 = arith.addi %mul3A_14, %add3A_15 : i32
    "tpu.region"() ({
      %run_scoped3A_80 = tpu.sem_alloc : memref<!tpu.dma_semaphore, #tpu.memory_space<semaphore_mem>>
      %dma_start3A_81 = arith.constant 0 : i32
      %dma_start3A_82 = tpu.memref_slice %arg10[%add3A_16, %dma_start3A_81] : memref<10112x128xf32, #tpu.memory_space<vmem_shared>> -> memref<80x128xf32, #tpu.memory_space<vmem_shared>>
      %dma_start3A_83 = arith.constant 0 : i32
      %dma_start3A_84 = tpu.memref_slice %arg10[%add3A_16, %dma_start3A_83] : memref<10112x128xf32, #tpu.memory_space<vmem_shared>> -> memref<80x128xf32, #tpu.memory_space<vmem_shared>>
      tpu.enqueue_dma source(%arg8 : memref<80x128xf32, #tpu.memory_space<vmem>>) target(%dma_start3A_84 : memref<80x128xf32, #tpu.memory_space<vmem_shared>>) target_semaphore(%run_scoped3A_80 : memref<!tpu.dma_semaphore, #tpu.memory_space<semaphore_mem>>)
      %dma_wait3A_85 = arith.constant 0 : i32
      %dma_wait3A_86 = tpu.memref_slice %arg10[%add3A_16, %dma_wait3A_85] : memref<10112x128xf32, #tpu.memory_space<vmem_shared>> -> memref<80x128xf32, #tpu.memory_space<vmem_shared>>
      %dma_wait3A_87 = arith.constant 0 : i32
      %dma_wait3A_88 = tpu.memref_slice %arg10[%add3A_16, %dma_wait3A_87] : memref<10112x128xf32, #tpu.memory_space<vmem_shared>> -> memref<80x128xf32, #tpu.memory_space<vmem_shared>>
      tpu.wait_dma2 semaphore(%run_scoped3A_80 : memref<!tpu.dma_semaphore, #tpu.memory_space<semaphore_mem>>) src(%arg8 : memref<80x128xf32, #tpu.memory_space<vmem>>) dst(%dma_wait3A_88 : memref<80x128xf32, #tpu.memory_space<vmem_shared>>)
      tpu.yield
    }) : () -> ()
    %mul3A_17 = arith.constant 632 : i32
    %mul3A_18 = arith.muli %arg1, %mul3A_17 : i32
    %add3A_19 = arith.constant 160 : i32
    %add3A_20 = arith.addi %mul3A_18, %add3A_19 : i32
    "tpu.region"() ({
      %run_scoped3A_80 = tpu.sem_alloc : memref<!tpu.dma_semaphore, #tpu.memory_space<semaphore_mem>>
      %dma_start3A_81 = arith.constant 0 : i32
      %dma_start3A_82 = tpu.memref_slice %arg10[%add3A_20, %dma_start3A_81] : memref<10112x128xf32, #tpu.memory_space<vmem_shared>> -> memref<80x128xf32, #tpu.memory_space<vmem_shared>>
      %dma_start3A_83 = arith.constant 0 : i32
      %dma_start3A_84 = tpu.memref_slice %arg10[%add3A_20, %dma_start3A_83] : memref<10112x128xf32, #tpu.memory_space<vmem_shared>> -> memref<80x128xf32, #tpu.memory_space<vmem_shared>>
      tpu.enqueue_dma source(%arg8 : memref<80x128xf32, #tpu.memory_space<vmem>>) target(%dma_start3A_84 : memref<80x128xf32, #tpu.memory_space<vmem_shared>>) target_semaphore(%run_scoped3A_80 : memref<!tpu.dma_semaphore, #tpu.memory_space<semaphore_mem>>)
      %dma_wait3A_85 = arith.constant 0 : i32
      %dma_wait3A_86 = tpu.memref_slice %arg10[%add3A_20, %dma_wait3A_85] : memref<10112x128xf32, #tpu.memory_space<vmem_shared>> -> memref<80x128xf32, #tpu.memory_space<vmem_shared>>
      %dma_wait3A_87 = arith.constant 0 : i32
      %dma_wait3A_88 = tpu.memref_slice %arg10[%add3A_20, %dma_wait3A_87] : memref<10112x128xf32, #tpu.memory_space<vmem_shared>> -> memref<80x128xf32, #tpu.memory_space<vmem_shared>>
      tpu.wait_dma2 semaphore(%run_scoped3A_80 : memref<!tpu.dma_semaphore, #tpu.memory_space<semaphore_mem>>) src(%arg8 : memref<80x128xf32, #tpu.memory_space<vmem>>) dst(%dma_wait3A_88 : memref<80x128xf32, #tpu.memory_space<vmem_shared>>)
      tpu.yield
    }) : () -> ()
    %mul3A_21 = arith.constant 632 : i32
    %mul3A_22 = arith.muli %arg1, %mul3A_21 : i32
    %add3A_23 = arith.constant 240 : i32
    %add3A_24 = arith.addi %mul3A_22, %add3A_23 : i32
    "tpu.region"() ({
      %run_scoped3A_80 = tpu.sem_alloc : memref<!tpu.dma_semaphore, #tpu.memory_space<semaphore_mem>>
      %dma_start3A_81 = arith.constant 0 : i32
      %dma_start3A_82 = tpu.memref_slice %arg10[%add3A_24, %dma_start3A_81] : memref<10112x128xf32, #tpu.memory_space<vmem_shared>> -> memref<80x128xf32, #tpu.memory_space<vmem_shared>>
      %dma_start3A_83 = arith.constant 0 : i32
      %dma_start3A_84 = tpu.memref_slice %arg10[%add3A_24, %dma_start3A_83] : memref<10112x128xf32, #tpu.memory_space<vmem_shared>> -> memref<80x128xf32, #tpu.memory_space<vmem_shared>>
      tpu.enqueue_dma source(%arg8 : memref<80x128xf32, #tpu.memory_space<vmem>>) target(%dma_start3A_84 : memref<80x128xf32, #tpu.memory_space<vmem_shared>>) target_semaphore(%run_scoped3A_80 : memref<!tpu.dma_semaphore, #tpu.memory_space<semaphore_mem>>)
      %dma_wait3A_85 = arith.constant 0 : i32
      %dma_wait3A_86 = tpu.memref_slice %arg10[%add3A_24, %dma_wait3A_85] : memref<10112x128xf32, #tpu.memory_space<vmem_shared>> -> memref<80x128xf32, #tpu.memory_space<vmem_shared>>
      %dma_wait3A_87 = arith.constant 0 : i32
      %dma_wait3A_88 = tpu.memref_slice %arg10[%add3A_24, %dma_wait3A_87] : memref<10112x128xf32, #tpu.memory_space<vmem_shared>> -> memref<80x128xf32, #tpu.memory_space<vmem_shared>>
      tpu.wait_dma2 semaphore(%run_scoped3A_80 : memref<!tpu.dma_semaphore, #tpu.memory_space<semaphore_mem>>) src(%arg8 : memref<80x128xf32, #tpu.memory_space<vmem>>) dst(%dma_wait3A_88 : memref<80x128xf32, #tpu.memory_space<vmem_shared>>)
      tpu.yield
    }) : () -> ()
    %mul3A_25 = arith.constant 632 : i32
    %mul3A_26 = arith.muli %arg1, %mul3A_25 : i32
    %add3A_27 = arith.constant 320 : i32
    %add3A_28 = arith.addi %mul3A_26, %add3A_27 : i32
    "tpu.region"() ({
      %run_scoped3A_80 = tpu.sem_alloc : memref<!tpu.dma_semaphore, #tpu.memory_space<semaphore_mem>>
      %dma_start3A_81 = arith.constant 0 : i32
      %dma_start3A_82 = tpu.memref_slice %arg10[%add3A_28, %dma_start3A_81] : memref<10112x128xf32, #tpu.memory_space<vmem_shared>> -> memref<80x128xf32, #tpu.memory_space<vmem_shared>>
      %dma_start3A_83 = arith.constant 0 : i32
      %dma_start3A_84 = tpu.memref_slice %arg10[%add3A_28, %dma_start3A_83] : memref<10112x128xf32, #tpu.memory_space<vmem_shared>> -> memref<80x128xf32, #tpu.memory_space<vmem_shared>>
      tpu.enqueue_dma source(%arg8 : memref<80x128xf32, #tpu.memory_space<vmem>>) target(%dma_start3A_84 : memref<80x128xf32, #tpu.memory_space<vmem_shared>>) target_semaphore(%run_scoped3A_80 : memref<!tpu.dma_semaphore, #tpu.memory_space<semaphore_mem>>)
      %dma_wait3A_85 = arith.constant 0 : i32
      %dma_wait3A_86 = tpu.memref_slice %arg10[%add3A_28, %dma_wait3A_85] : memref<10112x128xf32, #tpu.memory_space<vmem_shared>> -> memref<80x128xf32, #tpu.memory_space<vmem_shared>>
      %dma_wait3A_87 = arith.constant 0 : i32
      %dma_wait3A_88 = tpu.memref_slice %arg10[%add3A_28, %dma_wait3A_87] : memref<10112x128xf32, #tpu.memory_space<vmem_shared>> -> memref<80x128xf32, #tpu.memory_space<vmem_shared>>
      tpu.wait_dma2 semaphore(%run_scoped3A_80 : memref<!tpu.dma_semaphore, #tpu.memory_space<semaphore_mem>>) src(%arg8 : memref<80x128xf32, #tpu.memory_space<vmem>>) dst(%dma_wait3A_88 : memref<80x128xf32, #tpu.memory_space<vmem_shared>>)
      tpu.yield
    }) : () -> ()
    %mul3A_29 = arith.constant 632 : i32
    %mul3A_30 = arith.muli %arg1, %mul3A_29 : i32
    %add3A_31 = arith.constant 400 : i32
    %add3A_32 = arith.addi %mul3A_30, %add3A_31 : i32
    "tpu.region"() ({
      %run_scoped3A_80 = tpu.sem_alloc : memref<!tpu.dma_semaphore, #tpu.memory_space<semaphore_mem>>
      %dma_start3A_81 = arith.constant 0 : i32
      %dma_start3A_82 = tpu.memref_slice %arg10[%add3A_32, %dma_start3A_81] : memref<10112x128xf32, #tpu.memory_space<vmem_shared>> -> memref<80x128xf32, #tpu.memory_space<vmem_shared>>
      %dma_start3A_83 = arith.constant 0 : i32
      %dma_start3A_84 = tpu.memref_slice %arg10[%add3A_32, %dma_start3A_83] : memref<10112x128xf32, #tpu.memory_space<vmem_shared>> -> memref<80x128xf32, #tpu.memory_space<vmem_shared>>
      tpu.enqueue_dma source(%arg8 : memref<80x128xf32, #tpu.memory_space<vmem>>) target(%dma_start3A_84 : memref<80x128xf32, #tpu.memory_space<vmem_shared>>) target_semaphore(%run_scoped3A_80 : memref<!tpu.dma_semaphore, #tpu.memory_space<semaphore_mem>>)
      %dma_wait3A_85 = arith.constant 0 : i32
      %dma_wait3A_86 = tpu.memref_slice %arg10[%add3A_32, %dma_wait3A_85] : memref<10112x128xf32, #tpu.memory_space<vmem_shared>> -> memref<80x128xf32, #tpu.memory_space<vmem_shared>>
      %dma_wait3A_87 = arith.constant 0 : i32
      %dma_wait3A_88 = tpu.memref_slice %arg10[%add3A_32, %dma_wait3A_87] : memref<10112x128xf32, #tpu.memory_space<vmem_shared>> -> memref<80x128xf32, #tpu.memory_space<vmem_shared>>
      tpu.wait_dma2 semaphore(%run_scoped3A_80 : memref<!tpu.dma_semaphore, #tpu.memory_space<semaphore_mem>>) src(%arg8 : memref<80x128xf32, #tpu.memory_space<vmem>>) dst(%dma_wait3A_88 : memref<80x128xf32, #tpu.memory_space<vmem_shared>>)
      tpu.yield
    }) : () -> ()
    %mul3A_33 = arith.constant 632 : i32
    %mul3A_34 = arith.muli %arg1, %mul3A_33 : i32
    %add3A_35 = arith.constant 480 : i32
    %add3A_36 = arith.addi %mul3A_34, %add3A_35 : i32
    "tpu.region"() ({
      %run_scoped3A_80 = tpu.sem_alloc : memref<!tpu.dma_semaphore, #tpu.memory_space<semaphore_mem>>
      %dma_start3A_81 = arith.constant 0 : i32
      %dma_start3A_82 = tpu.memref_slice %arg10[%add3A_36, %dma_start3A_81] : memref<10112x128xf32, #tpu.memory_space<vmem_shared>> -> memref<80x128xf32, #tpu.memory_space<vmem_shared>>
      %dma_start3A_83 = arith.constant 0 : i32
      %dma_start3A_84 = tpu.memref_slice %arg10[%add3A_36, %dma_start3A_83] : memref<10112x128xf32, #tpu.memory_space<vmem_shared>> -> memref<80x128xf32, #tpu.memory_space<vmem_shared>>
      tpu.enqueue_dma source(%arg8 : memref<80x128xf32, #tpu.memory_space<vmem>>) target(%dma_start3A_84 : memref<80x128xf32, #tpu.memory_space<vmem_shared>>) target_semaphore(%run_scoped3A_80 : memref<!tpu.dma_semaphore, #tpu.memory_space<semaphore_mem>>)
      %dma_wait3A_85 = arith.constant 0 : i32
      %dma_wait3A_86 = tpu.memref_slice %arg10[%add3A_36, %dma_wait3A_85] : memref<10112x128xf32, #tpu.memory_space<vmem_shared>> -> memref<80x128xf32, #tpu.memory_space<vmem_shared>>
      %dma_wait3A_87 = arith.constant 0 : i32
      %dma_wait3A_88 = tpu.memref_slice %arg10[%add3A_36, %dma_wait3A_87] : memref<10112x128xf32, #tpu.memory_space<vmem_shared>> -> memref<80x128xf32, #tpu.memory_space<vmem_shared>>
      tpu.wait_dma2 semaphore(%run_scoped3A_80 : memref<!tpu.dma_semaphore, #tpu.memory_space<semaphore_mem>>) src(%arg8 : memref<80x128xf32, #tpu.memory_space<vmem>>) dst(%dma_wait3A_88 : memref<80x128xf32, #tpu.memory_space<vmem_shared>>)
      tpu.yield
    }) : () -> ()
    %mul3A_37 = arith.constant 632 : i32
    %mul3A_38 = arith.muli %arg1, %mul3A_37 : i32
    %add3A_39 = arith.constant 560 : i32
    %add3A_40 = arith.addi %mul3A_38, %add3A_39 : i32
    "tpu.region"() ({
      %run_scoped3A_80 = tpu.sem_alloc : memref<!tpu.dma_semaphore, #tpu.memory_space<semaphore_mem>>
      %dma_start3A_81 = arith.constant 0 : i32
      %dma_start3A_82 = arith.constant 0 : i32
      %dma_start3A_83 = tpu.memref_slice %arg8[%dma_start3A_81, %dma_start3A_82] : memref<80x128xf32, #tpu.memory_space<vmem>> -> memref<72x128xf32, #tpu.memory_space<vmem>>
      %dma_start3A_84 = arith.constant 0 : i32
      %dma_start3A_85 = tpu.memref_slice %arg10[%add3A_40, %dma_start3A_84] : memref<10112x128xf32, #tpu.memory_space<vmem_shared>> -> memref<72x128xf32, #tpu.memory_space<vmem_shared>>
      %dma_start3A_86 = arith.constant 0 : i32
      %dma_start3A_87 = tpu.memref_slice %arg10[%add3A_40, %dma_start3A_86] : memref<10112x128xf32, #tpu.memory_space<vmem_shared>> -> memref<72x128xf32, #tpu.memory_space<vmem_shared>>
      %dma_start3A_88 = arith.constant 0 : i32
      %dma_start3A_89 = arith.constant 0 : i32
      %dma_start3A_90 = tpu.memref_slice %arg8[%dma_start3A_88, %dma_start3A_89] : memref<80x128xf32, #tpu.memory_space<vmem>> -> memref<72x128xf32, #tpu.memory_space<vmem>>
      tpu.enqueue_dma source(%dma_start3A_90 : memref<72x128xf32, #tpu.memory_space<vmem>>) target(%dma_start3A_87 : memref<72x128xf32, #tpu.memory_space<vmem_shared>>) target_semaphore(%run_scoped3A_80 : memref<!tpu.dma_semaphore, #tpu.memory_space<semaphore_mem>>)
      %dma_wait3A_91 = arith.constant 0 : i32
      %dma_wait3A_92 = arith.constant 0 : i32
      %dma_wait3A_93 = tpu.memref_slice %arg8[%dma_wait3A_91, %dma_wait3A_92] : memref<80x128xf32, #tpu.memory_space<vmem>> -> memref<72x128xf32, #tpu.memory_space<vmem>>
      %dma_wait3A_94 = arith.constant 0 : i32
      %dma_wait3A_95 = tpu.memref_slice %arg10[%add3A_40, %dma_wait3A_94] : memref<10112x128xf32, #tpu.memory_space<vmem_shared>> -> memref<72x128xf32, #tpu.memory_space<vmem_shared>>
      %dma_wait3A_96 = arith.constant 0 : i32
      %dma_wait3A_97 = tpu.memref_slice %arg10[%add3A_40, %dma_wait3A_96] : memref<10112x128xf32, #tpu.memory_space<vmem_shared>> -> memref<72x128xf32, #tpu.memory_space<vmem_shared>>
      %dma_wait3A_98 = arith.constant 0 : i32
      %dma_wait3A_99 = arith.constant 0 : i32
      %dma_wait3A_100 = tpu.memref_slice %arg8[%dma_wait3A_98, %dma_wait3A_99] : memref<80x128xf32, #tpu.memory_space<vmem>> -> memref<72x128xf32, #tpu.memory_space<vmem>>
      tpu.wait_dma2 semaphore(%run_scoped3A_80 : memref<!tpu.dma_semaphore, #tpu.memory_space<semaphore_mem>>) src(%dma_wait3A_100 : memref<72x128xf32, #tpu.memory_space<vmem>>) dst(%dma_wait3A_97 : memref<72x128xf32, #tpu.memory_space<vmem_shared>>)
      tpu.yield
    }) : () -> ()
    %barrier3A = arith.constant 0 : index
    tpu.barrier barrier_id(%barrier3A)
    %dma_start3A = arith.constant 0 : i32
    %dma_start3A_41 = tpu.memref_slice %arg6[%dma_start3A] : memref<10000xi32, #tpu.memory_space<vmem>> -> memref<80xi32, #tpu.memory_space<vmem>>
    %dma_start3A_42 = arith.constant 0 : i32
    %dma_start3A_43 = arith.constant 0 : i32
    %dma_start3A_44 = tpu.memref_slice %arg2[%dma_start3A_42, %dma_start3A_43] : memref<10000x128xf32, #tpu.memory_space<hbm>> -> memref<10000x128xf32, #tpu.memory_space<hbm>>
    tpu.enqueue_indirect_dma source(%dma_start3A_44 : memref<10000x128xf32, #tpu.memory_space<hbm>>) target(%arg8 : memref<80x128xf32, #tpu.memory_space<vmem>>) offsets(%dma_start3A_41 : memref<80xi32, #tpu.memory_space<vmem>>) semaphore(%arg11 : memref<!tpu.dma_semaphore, #tpu.memory_space<semaphore_mem>>)
    %dma_start3A_45 = arith.constant 80 : i32
    %dma_start3A_46 = tpu.memref_slice %arg6[%dma_start3A_45] : memref<10000xi32, #tpu.memory_space<vmem>> -> memref<80xi32, #tpu.memory_space<vmem>>
    %dma_start3A_47 = arith.constant 0 : i32
    %dma_start3A_48 = arith.constant 0 : i32
    %dma_start3A_49 = tpu.memref_slice %arg2[%dma_start3A_47, %dma_start3A_48] : memref<10000x128xf32, #tpu.memory_space<hbm>> -> memref<10000x128xf32, #tpu.memory_space<hbm>>
    tpu.enqueue_indirect_dma source(%dma_start3A_49 : memref<10000x128xf32, #tpu.memory_space<hbm>>) target(%arg9 : memref<80x128xf32, #tpu.memory_space<vmem>>) offsets(%dma_start3A_46 : memref<80xi32, #tpu.memory_space<vmem>>) semaphore(%arg12 : memref<!tpu.dma_semaphore, #tpu.memory_space<semaphore_mem>>)
    %scan3A_50 = arith.constant 0 : i32
    %scan3A_51 = arith.constant 0 : i32
    %scan3A_52 = arith.constant 62 : i32
    %scan3A_53 = arith.addi %scan3A_51, %scan3A_52 : i32
    %scan3A_54 = arith.constant 1 : i32
    %scan3A_55 = scf.for %scan3A_80 = %scan3A_51 to %scan3A_53 step %scan3A_54 iter_args(%scan3A_81 = %scan3A_50) -> (i32)  : i32 {
      %mul3A_82 = arith.constant 2 : i32
      %mul3A_83 = arith.muli %mul3A_82, %scan3A_80 : i32
      %add3A_84 = arith.constant 1 : i32
      %add3A_85 = arith.addi %mul3A_83, %add3A_84 : i32
      %mul3A_86 = arith.constant 80 : i32
      %mul3A_87 = arith.muli %mul3A_83, %mul3A_86 : i32
      %dma_wait3A_88 = tpu.memref_slice %arg6[%mul3A_87] : memref<10000xi32, #tpu.memory_space<vmem>> -> memref<80xi32, #tpu.memory_space<vmem>>
      %dma_wait3A_89 = arith.constant 0 : i32
      %dma_wait3A_90 = arith.constant 0 : i32
      %dma_wait3A_91 = tpu.memref_slice %arg2[%dma_wait3A_89, %dma_wait3A_90] : memref<10000x128xf32, #tpu.memory_space<hbm>> -> memref<10000x128xf32, #tpu.memory_space<hbm>>
      tpu.wait_indirect_dma semaphore(%arg11 : memref<!tpu.dma_semaphore, #tpu.memory_space<semaphore_mem>>) src(%dma_wait3A_91 : memref<10000x128xf32, #tpu.memory_space<hbm>>) dst(%arg8 : memref<80x128xf32, #tpu.memory_space<vmem>>)
      %dma_start3A_92 = arith.constant 0 : i32
      %dma_start3A_93 = tpu.memref_slice %arg7[%mul3A_83, %dma_start3A_92] : memref<125x80xi32, #tpu.memory_space<vmem>> -> memref<1x80xi32, #tpu.memory_space<vmem>>
      %dma_start3A_94 = tpu.memref_squeeze %dma_start3A_93 : memref<1x80xi32, #tpu.memory_space<vmem>> -> memref<80xi32, #tpu.memory_space<vmem>>
      %dma_start3A_95 = arith.constant 0 : i32
      %dma_start3A_96 = arith.constant 0 : i32
      %dma_start3A_97 = tpu.memref_slice %arg10[%dma_start3A_95, %dma_start3A_96] : memref<10112x128xf32, #tpu.memory_space<vmem_shared>> -> memref<10112x128xf32, #tpu.memory_space<vmem_shared>>
      tpu.enqueue_indirect_dma source(%arg8 : memref<80x128xf32, #tpu.memory_space<vmem>>) target(%dma_start3A_97 : memref<10112x128xf32, #tpu.memory_space<vmem_shared>>) offsets(%dma_start3A_94 : memref<80xi32, #tpu.memory_space<vmem>>) semaphore(%arg13 : memref<!tpu.dma_semaphore, #tpu.memory_space<semaphore_mem>>) {add = true}
      %mul3A_98 = arith.constant 80 : i32
      %mul3A_99 = arith.muli %add3A_85, %mul3A_98 : i32
      %dma_wait3A_100 = tpu.memref_slice %arg6[%mul3A_99] : memref<10000xi32, #tpu.memory_space<vmem>> -> memref<80xi32, #tpu.memory_space<vmem>>
      %dma_wait3A_101 = arith.constant 0 : i32
      %dma_wait3A_102 = arith.constant 0 : i32
      %dma_wait3A_103 = tpu.memref_slice %arg2[%dma_wait3A_101, %dma_wait3A_102] : memref<10000x128xf32, #tpu.memory_space<hbm>> -> memref<10000x128xf32, #tpu.memory_space<hbm>>
      tpu.wait_indirect_dma semaphore(%arg12 : memref<!tpu.dma_semaphore, #tpu.memory_space<semaphore_mem>>) src(%dma_wait3A_103 : memref<10000x128xf32, #tpu.memory_space<hbm>>) dst(%arg9 : memref<80x128xf32, #tpu.memory_space<vmem>>)
      %dma_start3A_104 = arith.constant 0 : i32
      %dma_start3A_105 = tpu.memref_slice %arg7[%add3A_85, %dma_start3A_104] : memref<125x80xi32, #tpu.memory_space<vmem>> -> memref<1x80xi32, #tpu.memory_space<vmem>>
      %dma_start3A_106 = tpu.memref_squeeze %dma_start3A_105 : memref<1x80xi32, #tpu.memory_space<vmem>> -> memref<80xi32, #tpu.memory_space<vmem>>
      %dma_start3A_107 = arith.constant 0 : i32
      %dma_start3A_108 = arith.constant 0 : i32
      %dma_start3A_109 = tpu.memref_slice %arg10[%dma_start3A_107, %dma_start3A_108] : memref<10112x128xf32, #tpu.memory_space<vmem_shared>> -> memref<10112x128xf32, #tpu.memory_space<vmem_shared>>
      tpu.enqueue_indirect_dma source(%arg9 : memref<80x128xf32, #tpu.memory_space<vmem>>) target(%dma_start3A_109 : memref<10112x128xf32, #tpu.memory_space<vmem_shared>>) offsets(%dma_start3A_106 : memref<80xi32, #tpu.memory_space<vmem>>) semaphore(%arg14 : memref<!tpu.dma_semaphore, #tpu.memory_space<semaphore_mem>>) {add = true}
      %dma_wait3A_110 = arith.constant 0 : i32
      %dma_wait3A_111 = tpu.memref_slice %arg7[%mul3A_83, %dma_wait3A_110] : memref<125x80xi32, #tpu.memory_space<vmem>> -> memref<1x80xi32, #tpu.memory_space<vmem>>
      %dma_wait3A_112 = tpu.memref_squeeze %dma_wait3A_111 : memref<1x80xi32, #tpu.memory_space<vmem>> -> memref<80xi32, #tpu.memory_space<vmem>>
      %dma_wait3A_113 = arith.constant 0 : i32
      %dma_wait3A_114 = arith.constant 0 : i32
      %dma_wait3A_115 = tpu.memref_slice %arg10[%dma_wait3A_113, %dma_wait3A_114] : memref<10112x128xf32, #tpu.memory_space<vmem_shared>> -> memref<10112x128xf32, #tpu.memory_space<vmem_shared>>
      tpu.wait_indirect_dma semaphore(%arg13 : memref<!tpu.dma_semaphore, #tpu.memory_space<semaphore_mem>>) src(%arg8 : memref<80x128xf32, #tpu.memory_space<vmem>>) dst(%dma_wait3A_115 : memref<10112x128xf32, #tpu.memory_space<vmem_shared>>)
      %add3A_116 = arith.constant 2 : i32
      %add3A_117 = arith.addi %mul3A_83, %add3A_116 : i32
      %lt3A = arith.constant 125 : i32
      %lt3A_118 = arith.cmpi slt, %add3A_117, %lt3A : i32
      %convert_element_type3A = arith.extui %lt3A_118 : i1 to i32
      %cond3A = arith.constant 0 : i32
      %cond3A_119 = arith.cmpi ne, %convert_element_type3A, %cond3A : i32
      scf.if %cond3A_119 {
        %add3A_134 = arith.constant 2 : i32
        %add3A_135 = arith.addi %mul3A_83, %add3A_134 : i32
        %mul3A_136 = arith.constant 80 : i32
        %mul3A_137 = arith.muli %add3A_135, %mul3A_136 : i32
        %dma_start3A_138 = tpu.memref_slice %arg6[%mul3A_137] : memref<10000xi32, #tpu.memory_space<vmem>> -> memref<80xi32, #tpu.memory_space<vmem>>
        %dma_start3A_139 = arith.constant 0 : i32
        %dma_start3A_140 = arith.constant 0 : i32
        %dma_start3A_141 = tpu.memref_slice %arg2[%dma_start3A_139, %dma_start3A_140] : memref<10000x128xf32, #tpu.memory_space<hbm>> -> memref<10000x128xf32, #tpu.memory_space<hbm>>
        tpu.enqueue_indirect_dma source(%dma_start3A_141 : memref<10000x128xf32, #tpu.memory_space<hbm>>) target(%arg8 : memref<80x128xf32, #tpu.memory_space<vmem>>) offsets(%dma_start3A_138 : memref<80xi32, #tpu.memory_space<vmem>>) semaphore(%arg11 : memref<!tpu.dma_semaphore, #tpu.memory_space<semaphore_mem>>)
      } else {
      }
      %dma_wait3A_120 = arith.constant 0 : i32
      %dma_wait3A_121 = tpu.memref_slice %arg7[%add3A_85, %dma_wait3A_120] : memref<125x80xi32, #tpu.memory_space<vmem>> -> memref<1x80xi32, #tpu.memory_space<vmem>>
      %dma_wait3A_122 = tpu.memref_squeeze %dma_wait3A_121 : memref<1x80xi32, #tpu.memory_space<vmem>> -> memref<80xi32, #tpu.memory_space<vmem>>
      %dma_wait3A_123 = arith.constant 0 : i32
      %dma_wait3A_124 = arith.constant 0 : i32
      %dma_wait3A_125 = tpu.memref_slice %arg10[%dma_wait3A_123, %dma_wait3A_124] : memref<10112x128xf32, #tpu.memory_space<vmem_shared>> -> memref<10112x128xf32, #tpu.memory_space<vmem_shared>>
      tpu.wait_indirect_dma semaphore(%arg14 : memref<!tpu.dma_semaphore, #tpu.memory_space<semaphore_mem>>) src(%arg9 : memref<80x128xf32, #tpu.memory_space<vmem>>) dst(%dma_wait3A_125 : memref<10112x128xf32, #tpu.memory_space<vmem_shared>>)
      %add3A_126 = arith.constant 2 : i32
      %add3A_127 = arith.addi %add3A_85, %add3A_126 : i32
      %lt3A_128 = arith.constant 125 : i32
      %lt3A_129 = arith.cmpi slt, %add3A_127, %lt3A_128 : i32
      %convert_element_type3A_130 = arith.extui %lt3A_129 : i1 to i32
      %cond3A_131 = arith.constant 0 : i32
      %cond3A_132 = arith.cmpi ne, %convert_element_type3A_130, %cond3A_131 : i32
      scf.if %cond3A_132 {
        %add3A_134 = arith.constant 2 : i32
        %add3A_135 = arith.addi %add3A_85, %add3A_134 : i32
        %mul3A_136 = arith.constant 80 : i32
        %mul3A_137 = arith.muli %add3A_135, %mul3A_136 : i32
        %dma_start3A_138 = tpu.memref_slice %arg6[%mul3A_137] : memref<10000xi32, #tpu.memory_space<vmem>> -> memref<80xi32, #tpu.memory_space<vmem>>
        %dma_start3A_139 = arith.constant 0 : i32
        %dma_start3A_140 = arith.constant 0 : i32
        %dma_start3A_141 = tpu.memref_slice %arg2[%dma_start3A_139, %dma_start3A_140] : memref<10000x128xf32, #tpu.memory_space<hbm>> -> memref<10000x128xf32, #tpu.memory_space<hbm>>
        tpu.enqueue_indirect_dma source(%dma_start3A_141 : memref<10000x128xf32, #tpu.memory_space<hbm>>) target(%arg9 : memref<80x128xf32, #tpu.memory_space<vmem>>) offsets(%dma_start3A_138 : memref<80xi32, #tpu.memory_space<vmem>>) semaphore(%arg12 : memref<!tpu.dma_semaphore, #tpu.memory_space<semaphore_mem>>)
      } else {
      }
      %scan3A_133 = arith.constant 0 : i32
      scf.yield %scan3A_133 : i32
    }
    %scan3A_56 = arith.constant 62 : i32
    %dma_wait3A = arith.constant 9920 : i32
    %dma_wait3A_57 = tpu.memref_slice %arg6[%dma_wait3A] : memref<10000xi32, #tpu.memory_space<vmem>> -> memref<80xi32, #tpu.memory_space<vmem>>
    %dma_wait3A_58 = arith.constant 0 : i32
    %dma_wait3A_59 = arith.constant 0 : i32
    %dma_wait3A_60 = tpu.memref_slice %arg2[%dma_wait3A_58, %dma_wait3A_59] : memref<10000x128xf32, #tpu.memory_space<hbm>> -> memref<10000x128xf32, #tpu.memory_space<hbm>>
    tpu.wait_indirect_dma semaphore(%arg11 : memref<!tpu.dma_semaphore, #tpu.memory_space<semaphore_mem>>) src(%dma_wait3A_60 : memref<10000x128xf32, #tpu.memory_space<hbm>>) dst(%arg8 : memref<80x128xf32, #tpu.memory_space<vmem>>)
    %dma_start3A_61 = arith.constant 124 : i32
    %dma_start3A_62 = arith.constant 0 : i32
    %dma_start3A_63 = tpu.memref_slice %arg7[%dma_start3A_61, %dma_start3A_62] : memref<125x80xi32, #tpu.memory_space<vmem>> -> memref<1x80xi32, #tpu.memory_space<vmem>>
    %dma_start3A_64 = tpu.memref_squeeze %dma_start3A_63 : memref<1x80xi32, #tpu.memory_space<vmem>> -> memref<80xi32, #tpu.memory_space<vmem>>
    %dma_start3A_65 = arith.constant 0 : i32
    %dma_start3A_66 = arith.constant 0 : i32
    %dma_start3A_67 = tpu.memref_slice %arg10[%dma_start3A_65, %dma_start3A_66] : memref<10112x128xf32, #tpu.memory_space<vmem_shared>> -> memref<10112x128xf32, #tpu.memory_space<vmem_shared>>
    tpu.enqueue_indirect_dma source(%arg8 : memref<80x128xf32, #tpu.memory_space<vmem>>) target(%dma_start3A_67 : memref<10112x128xf32, #tpu.memory_space<vmem_shared>>) offsets(%dma_start3A_64 : memref<80xi32, #tpu.memory_space<vmem>>) semaphore(%arg13 : memref<!tpu.dma_semaphore, #tpu.memory_space<semaphore_mem>>) {add = true}
    %dma_wait3A_68 = arith.constant 124 : i32
    %dma_wait3A_69 = arith.constant 0 : i32
    %dma_wait3A_70 = tpu.memref_slice %arg7[%dma_wait3A_68, %dma_wait3A_69] : memref<125x80xi32, #tpu.memory_space<vmem>> -> memref<1x80xi32, #tpu.memory_space<vmem>>
    %dma_wait3A_71 = tpu.memref_squeeze %dma_wait3A_70 : memref<1x80xi32, #tpu.memory_space<vmem>> -> memref<80xi32, #tpu.memory_space<vmem>>
    %dma_wait3A_72 = arith.constant 0 : i32
    %dma_wait3A_73 = arith.constant 0 : i32
    %dma_wait3A_74 = tpu.memref_slice %arg10[%dma_wait3A_72, %dma_wait3A_73] : memref<10112x128xf32, #tpu.memory_space<vmem_shared>> -> memref<10112x128xf32, #tpu.memory_space<vmem_shared>>
    tpu.wait_indirect_dma semaphore(%arg13 : memref<!tpu.dma_semaphore, #tpu.memory_space<semaphore_mem>>) src(%arg8 : memref<80x128xf32, #tpu.memory_space<vmem>>) dst(%dma_wait3A_74 : memref<10112x128xf32, #tpu.memory_space<vmem_shared>>)
    %barrier3A_75 = arith.constant 0 : index
    tpu.barrier barrier_id(%barrier3A_75)
    %mul3A_76 = arith.constant 632 : i32
    %mul3A_77 = arith.muli %arg1, %mul3A_76 : i32
    %mul3A_78 = arith.constant 632 : i32
    %mul3A_79 = arith.muli %arg1, %mul3A_78 : i32
    %run_scoped3A = arith.constant 0 : i32
    "tpu.region"() ({
      %run_scoped3A_80 = tpu.sem_alloc : memref<!tpu.dma_semaphore, #tpu.memory_space<semaphore_mem>>
      %dma_start3A_81 = arith.constant 0 : i32
      %dma_start3A_82 = tpu.memref_slice %arg5[%run_scoped3A, %arg0, %mul3A_79, %dma_start3A_81] : memref<1x2x10112x128xf32, #tpu.memory_space<hbm>> -> memref<1x1x632x128xf32, #tpu.memory_space<hbm>>
      %dma_start3A_83 = tpu.memref_squeeze %dma_start3A_82 : memref<1x1x632x128xf32, #tpu.memory_space<hbm>> -> memref<632x128xf32, #tpu.memory_space<hbm>>
      %dma_start3A_84 = arith.constant 0 : i32
      %dma_start3A_85 = tpu.memref_slice %arg10[%mul3A_77, %dma_start3A_84] : memref<10112x128xf32, #tpu.memory_space<vmem_shared>> -> memref<632x128xf32, #tpu.memory_space<vmem_shared>>
      tpu.enqueue_dma source(%dma_start3A_85 : memref<632x128xf32, #tpu.memory_space<vmem_shared>>) target(%dma_start3A_83 : memref<632x128xf32, #tpu.memory_space<hbm>>) target_semaphore(%run_scoped3A_80 : memref<!tpu.dma_semaphore, #tpu.memory_space<semaphore_mem>>)
      %dma_wait3A_86 = arith.constant 0 : i32
      %dma_wait3A_87 = tpu.memref_slice %arg5[%run_scoped3A, %arg0, %mul3A_79, %dma_wait3A_86] : memref<1x2x10112x128xf32, #tpu.memory_space<hbm>> -> memref<1x1x632x128xf32, #tpu.memory_space<hbm>>
      %dma_wait3A_88 = tpu.memref_squeeze %dma_wait3A_87 : memref<1x1x632x128xf32, #tpu.memory_space<hbm>> -> memref<632x128xf32, #tpu.memory_space<hbm>>
      %dma_wait3A_89 = arith.constant 0 : i32
      %dma_wait3A_90 = tpu.memref_slice %arg10[%mul3A_77, %dma_wait3A_89] : memref<10112x128xf32, #tpu.memory_space<vmem_shared>> -> memref<632x128xf32, #tpu.memory_space<vmem_shared>>
      tpu.wait_dma2 semaphore(%run_scoped3A_80 : memref<!tpu.dma_semaphore, #tpu.memory_space<semaphore_mem>>) src(%dma_wait3A_90 : memref<632x128xf32, #tpu.memory_space<vmem_shared>>) dst(%dma_wait3A_88 : memref<632x128xf32, #tpu.memory_space<hbm>>)
      tpu.yield
    }) : () -> ()
    return
  }
}

module attributes {stable_mosaic.version = 14 : i64} {
  func.func @body(%arg0: i32, %arg1: memref<2000x128xf32, #tpu.memory_space<vmem>>, %arg2: memref<2x2000x128xf32, #tpu.memory_space<vmem>>, %arg3: memref<2000x128xf32, #tpu.memory_space<vmem>>) attributes {dimension_semantics = [#tpu.dimension_semantics<arbitrary>], iteration_bounds = array<i64: 5>, scalar_prefetch = 0 : i64, scratch_operands = 0 : i64, tpu.core_type = #tpu.core_type<tc>, window_params = [{transform_indices = @transform_0, window_bounds = array<i64: 2000, 128>}, {transform_indices = @transform_1, window_bounds = array<i64: 2, 2000, 128>}, {transform_indices = @transform_2, window_bounds = array<i64: 2000, 128>}]} {
    %get3A = arith.constant 0 : index
    %get3A_0 = arith.constant 0 : index
    %get3A_1 = arith.constant 0 : index
    %get3A_2 = vector.load %arg2[%get3A, %get3A_0, %get3A_1] : memref<2x2000x128xf32, #tpu.memory_space<vmem>>, vector<1x2000x128xf32>
    %get3A_3 = vector.shape_cast %get3A_2 : vector<1x2000x128xf32> to vector<2000x128xf32>
    %get3A_4 = arith.constant 1 : index
    %get3A_5 = arith.constant 0 : index
    %get3A_6 = arith.constant 0 : index
    %get3A_7 = vector.load %arg2[%get3A_4, %get3A_5, %get3A_6] : memref<2x2000x128xf32, #tpu.memory_space<vmem>>, vector<1x2000x128xf32>
    %get3A_8 = vector.shape_cast %get3A_7 : vector<1x2000x128xf32> to vector<2000x128xf32>
    %add3A = arith.addf %get3A_3, %get3A_8 : vector<2000x128xf32>
    %slice3A = vector.extract_strided_slice %add3A {offsets = [0, 0], sizes = [2000, 1], strides = [1, 1]} : vector<2000x128xf32> to vector<2000x1xf32>
    %add3A_9 = arith.constant 1.000000e+00 : f32
    %add3A_10 = vector.broadcast %add3A_9 : f32 to vector<2000x1xf32>
    %add3A_11 = arith.addf %slice3A, %add3A_10 : vector<2000x1xf32>
    %rsqrt3A = math.rsqrt %add3A_11 : vector<2000x1xf32>
    %get3A_12 = arith.constant 0 : index
    %get3A_13 = arith.constant 0 : index
    %get3A_14 = vector.load %arg1[%get3A_12, %get3A_13] : memref<2000x128xf32, #tpu.memory_space<vmem>>, vector<2000x128xf32>
    %mul3A = vector.broadcast %rsqrt3A : vector<2000x1xf32> to vector<2000x128xf32>
    %mul3A_15 = arith.mulf %get3A_14, %mul3A : vector<2000x128xf32>
    %swap3A = arith.constant 0 : index
    %swap3A_16 = arith.constant 0 : index
    %swap3A_17 = vector.load %arg3[%swap3A, %swap3A_16] : memref<2000x128xf32, #tpu.memory_space<vmem>>, vector<2000x128xf32>
    tpu.vector_store %arg3[%swap3A, %swap3A_16], %mul3A_15 {strides = array<i32>} : memref<2000x128xf32, #tpu.memory_space<vmem>>, vector<2000x128xf32>,
    return
  }
  func.func @transform_0(%arg0: i32) -> (i32, i32) {
    %c0_i32 = arith.constant 0 : i32
    %c0_i32_0 = arith.constant 0 : i32
    return %arg0, %c0_i32 : i32, i32
  }
  func.func @transform_1(%arg0: i32) -> (i32, i32, i32) {
    %c0_i32 = arith.constant 0 : i32
    %c0_i32_0 = arith.constant 0 : i32
    %c0_i32_1 = arith.constant 0 : i32
    return %c0_i32, %arg0, %c0_i32_0 : i32, i32, i32
  }
  func.func @transform_2(%arg0: i32) -> (i32, i32) {
    %c0_i32 = arith.constant 0 : i32
    %c0_i32_0 = arith.constant 0 : i32
    return %arg0, %c0_i32 : i32, i32
  }
}

module attributes {stable_mosaic.version = 14 : i64} {
  func.func @body(%arg0: i32, %arg1: memref<1x2x2000x128xf32, #tpu.memory_space<vmem>>, %arg2: memref<2000x128xf32, #tpu.memory_space<vmem>>, %arg3: memref<2x2000x128xf32, #tpu.memory_space<vmem>>, %arg4: memref<1x256xf32, #tpu.memory_space<vmem>>, %arg5: memref<128x256xf32, #tpu.memory_space<vmem>>, %arg6: memref<256x128xf32, #tpu.memory_space<vmem>>, %arg7: memref<2000x128xf32, #tpu.memory_space<vmem>>, %arg8: memref<2000x128xf32, #tpu.memory_space<vmem>>) attributes {dimension_semantics = [#tpu.dimension_semantics<arbitrary>], iteration_bounds = array<i64: 5>, scalar_prefetch = 0 : i64, scratch_operands = 0 : i64, tpu.core_type = #tpu.core_type<tc>, window_params = [{transform_indices = @transform_0, window_bounds = array<i64: 1, 2, 2000, 128>}, {transform_indices = @transform_1, window_bounds = array<i64: 2000, 128>}, {transform_indices = @transform_2, window_bounds = array<i64: 2, 2000, 128>}, {pipeline_mode = #tpu.pipeline_mode<synchronous>, transform_indices = @transform_3, window_bounds = array<i64: 1, 256>}, {pipeline_mode = #tpu.pipeline_mode<synchronous>, transform_indices = @transform_4, window_bounds = array<i64: 128, 256>}, {pipeline_mode = #tpu.pipeline_mode<synchronous>, transform_indices = @transform_5, window_bounds = array<i64: 256, 128>}, {transform_indices = @transform_6, window_bounds = array<i64: 2000, 128>}, {transform_indices = @transform_7, window_bounds = array<i64: 2000, 128>}]} {
    %get3A = arith.constant 0 : index
    %get3A_0 = arith.constant 0 : index
    %get3A_1 = arith.constant 0 : index
    %get3A_2 = vector.load %arg3[%get3A, %get3A_0, %get3A_1] : memref<2x2000x128xf32, #tpu.memory_space<vmem>>, vector<1x2000x128xf32>
    %get3A_3 = vector.shape_cast %get3A_2 : vector<1x2000x128xf32> to vector<2000x128xf32>
    %get3A_4 = arith.constant 1 : index
    %get3A_5 = arith.constant 0 : index
    %get3A_6 = arith.constant 0 : index
    %get3A_7 = vector.load %arg3[%get3A_4, %get3A_5, %get3A_6] : memref<2x2000x128xf32, #tpu.memory_space<vmem>>, vector<1x2000x128xf32>
    %get3A_8 = vector.shape_cast %get3A_7 : vector<1x2000x128xf32> to vector<2000x128xf32>
    %add3A = arith.addf %get3A_3, %get3A_8 : vector<2000x128xf32>
    %slice3A = vector.extract_strided_slice %add3A {offsets = [0, 0], sizes = [2000, 1], strides = [1, 1]} : vector<2000x128xf32> to vector<2000x1xf32>
    %add3A_9 = arith.constant 1.000000e+00 : f32
    %add3A_10 = vector.broadcast %add3A_9 : f32 to vector<2000x1xf32>
    %add3A_11 = arith.addf %slice3A, %add3A_10 : vector<2000x1xf32>
    %rsqrt3A = math.rsqrt %add3A_11 : vector<2000x1xf32>
    %get3A_12 = arith.constant 0 : index
    %get3A_13 = arith.constant 0 : index
    %get3A_14 = arith.constant 0 : index
    %get3A_15 = arith.constant 0 : index
    %get3A_16 = vector.load %arg1[%get3A_12, %get3A_13, %get3A_14, %get3A_15] : memref<1x2x2000x128xf32, #tpu.memory_space<vmem>>, vector<1x1x2000x128xf32>
    %get3A_17 = vector.shape_cast %get3A_16 : vector<1x1x2000x128xf32> to vector<2000x128xf32>
    %get3A_18 = arith.constant 0 : index
    %get3A_19 = arith.constant 1 : index
    %get3A_20 = arith.constant 0 : index
    %get3A_21 = arith.constant 0 : index
    %get3A_22 = vector.load %arg1[%get3A_18, %get3A_19, %get3A_20, %get3A_21] : memref<1x2x2000x128xf32, #tpu.memory_space<vmem>>, vector<1x1x2000x128xf32>
    %get3A_23 = vector.shape_cast %get3A_22 : vector<1x1x2000x128xf32> to vector<2000x128xf32>
    %add3A_24 = arith.addf %get3A_17, %get3A_23 : vector<2000x128xf32>
    %mul3A = vector.broadcast %rsqrt3A : vector<2000x1xf32> to vector<2000x128xf32>
    %mul3A_25 = arith.mulf %add3A_24, %mul3A : vector<2000x128xf32>
    %get3A_26 = arith.constant 0 : index
    %get3A_27 = arith.constant 0 : index
    %get3A_28 = vector.load %arg2[%get3A_26, %get3A_27] : memref<2000x128xf32, #tpu.memory_space<vmem>>, vector<2000x128xf32>
    %mul3A_29 = arith.mulf %rsqrt3A, %rsqrt3A : vector<2000x1xf32>
    %mul3A_30 = vector.broadcast %mul3A_29 : vector<2000x1xf32> to vector<2000x128xf32>
    %mul3A_31 = arith.mulf %get3A_28, %mul3A_30 : vector<2000x128xf32>
    %add3A_32 = arith.addf %mul3A_25, %mul3A_31 : vector<2000x128xf32>
    %get3A_33 = arith.constant 0 : index
    %get3A_34 = arith.constant 0 : index
    %get3A_35 = vector.load %arg5[%get3A_33, %get3A_34] : memref<128x256xf32, #tpu.memory_space<vmem>>, vector<128x256xf32>
    %dot_general3A = arith.constant dense<0.000000e+00> : vector<2000x256xf32>
    %dot_general3A_36 = tpu.matmul %add3A_32, %get3A_35, %dot_general3A {dimension_numbers = #tpu.dot_dimension_numbers<[1], [0], [0], [1], [0, 0, 1, 1], [], []>, transpose_lhs_hint = false} : vector<2000x128xf32>, vector<128x256xf32>, vector<2000x256xf32> -> vector<2000x256xf32>
    %get3A_37 = arith.constant 0 : index
    %get3A_38 = arith.constant 0 : index
    %get3A_39 = vector.load %arg4[%get3A_37, %get3A_38] : memref<1x256xf32, #tpu.memory_space<vmem>>, vector<1x256xf32>
    %add3A_40 = vector.broadcast %get3A_39 : vector<1x256xf32> to vector<2000x256xf32>
    %add3A_41 = arith.addf %dot_general3A_36, %add3A_40 : vector<2000x256xf32>
    %max3A = arith.constant 0.000000e+00 : f32
    %max3A_42 = vector.broadcast %max3A : f32 to vector<2000x256xf32>
    %max3A_43 = arith.maximumf %add3A_41, %max3A_42 : vector<2000x256xf32>
    %get3A_44 = arith.constant 0 : index
    %get3A_45 = arith.constant 0 : index
    %get3A_46 = vector.load %arg6[%get3A_44, %get3A_45] : memref<256x128xf32, #tpu.memory_space<vmem>>, vector<256x128xf32>
    %dot_general3A_47 = arith.constant dense<0.000000e+00> : vector<2000x128xf32>
    %dot_general3A_48 = tpu.matmul %max3A_43, %get3A_46, %dot_general3A_47 {dimension_numbers = #tpu.dot_dimension_numbers<[1], [0], [0], [1], [0, 0, 1, 1], [], []>, transpose_lhs_hint = false} : vector<2000x256xf32>, vector<256x128xf32>, vector<2000x128xf32> -> vector<2000x128xf32>
    %mul3A_49 = vector.broadcast %rsqrt3A : vector<2000x1xf32> to vector<2000x128xf32>
    %mul3A_50 = arith.mulf %dot_general3A_48, %mul3A_49 : vector<2000x128xf32>
    %swap3A = arith.constant 0 : index
    %swap3A_51 = arith.constant 0 : index
    %swap3A_52 = vector.load %arg7[%swap3A, %swap3A_51] : memref<2000x128xf32, #tpu.memory_space<vmem>>, vector<2000x128xf32>
    tpu.vector_store %arg7[%swap3A, %swap3A_51], %mul3A_50 {strides = array<i32>} : memref<2000x128xf32, #tpu.memory_space<vmem>>, vector<2000x128xf32>,
    %mul3A_53 = arith.mulf %rsqrt3A, %rsqrt3A : vector<2000x1xf32>
    %mul3A_54 = vector.broadcast %mul3A_53 : vector<2000x1xf32> to vector<2000x128xf32>
    %mul3A_55 = arith.mulf %dot_general3A_48, %mul3A_54 : vector<2000x128xf32>
    %swap3A_56 = arith.constant 0 : index
    %swap3A_57 = arith.constant 0 : index
    %swap3A_58 = vector.load %arg8[%swap3A_56, %swap3A_57] : memref<2000x128xf32, #tpu.memory_space<vmem>>, vector<2000x128xf32>
    tpu.vector_store %arg8[%swap3A_56, %swap3A_57], %mul3A_55 {strides = array<i32>} : memref<2000x128xf32, #tpu.memory_space<vmem>>, vector<2000x128xf32>,
    return
  }
  func.func @transform_0(%arg0: i32) -> (i32, i32, i32, i32) {
    %c0_i32 = arith.constant 0 : i32
    %c0_i32_0 = arith.constant 0 : i32
    %c0_i32_1 = arith.constant 0 : i32
    %c0_i32_2 = arith.constant 0 : i32
    return %c0_i32, %c0_i32_0, %arg0, %c0_i32_1 : i32, i32, i32, i32
  }
  func.func @transform_1(%arg0: i32) -> (i32, i32) {
    %c0_i32 = arith.constant 0 : i32
    %c0_i32_0 = arith.constant 0 : i32
    return %arg0, %c0_i32 : i32, i32
  }
  func.func @transform_2(%arg0: i32) -> (i32, i32, i32) {
    %c0_i32 = arith.constant 0 : i32
    %c0_i32_0 = arith.constant 0 : i32
    %c0_i32_1 = arith.constant 0 : i32
    return %c0_i32, %arg0, %c0_i32_0 : i32, i32, i32
  }
  func.func @transform_3(%arg0: i32) -> (i32, i32) {
    %c0_i32 = arith.constant 0 : i32
    %c0_i32_0 = arith.constant 0 : i32
    %c0_i32_1 = arith.constant 0 : i32
    return %c0_i32, %c0_i32_0 : i32, i32
  }
  func.func @transform_4(%arg0: i32) -> (i32, i32) {
    %c0_i32 = arith.constant 0 : i32
    %c0_i32_0 = arith.constant 0 : i32
    %c0_i32_1 = arith.constant 0 : i32
    return %c0_i32, %c0_i32_0 : i32, i32
  }
  func.func @transform_5(%arg0: i32) -> (i32, i32) {
    %c0_i32 = arith.constant 0 : i32
    %c0_i32_0 = arith.constant 0 : i32
    %c0_i32_1 = arith.constant 0 : i32
    return %c0_i32, %c0_i32_0 : i32, i32
  }
  func.func @transform_6(%arg0: i32) -> (i32, i32) {
    %c0_i32 = arith.constant 0 : i32
    %c0_i32_0 = arith.constant 0 : i32
    return %arg0, %c0_i32 : i32, i32
  }
  func.func @transform_7(%arg0: i32) -> (i32, i32) {
    %c0_i32 = arith.constant 0 : i32
    %c0_i32_0 = arith.constant 0 : i32
    return %arg0, %c0_i32 : i32, i32
  }
}

module attributes {stable_mosaic.version = 14 : i64} {
  func.func @body(%arg0: i32, %arg1: memref<1x2x2000x128xf32, #tpu.memory_space<vmem>>, %arg2: memref<2000x128xf32, #tpu.memory_space<vmem>>, %arg3: memref<2x2000x128xf32, #tpu.memory_space<vmem>>, %arg4: memref<1x128xf32, #tpu.memory_space<vmem>>, %arg5: memref<2000x128xf32, #tpu.memory_space<vmem>>) attributes {dimension_semantics = [#tpu.dimension_semantics<arbitrary>], iteration_bounds = array<i64: 5>, scalar_prefetch = 0 : i64, scratch_operands = 0 : i64, tpu.core_type = #tpu.core_type<tc>, window_params = [{transform_indices = @transform_0, window_bounds = array<i64: 1, 2, 2000, 128>}, {transform_indices = @transform_1, window_bounds = array<i64: 2000, 128>}, {transform_indices = @transform_2, window_bounds = array<i64: 2, 2000, 128>}, {pipeline_mode = #tpu.pipeline_mode<synchronous>, transform_indices = @transform_3, window_bounds = array<i64: 1, 128>}, {transform_indices = @transform_4, window_bounds = array<i64: 2000, 128>}]} {
    %get3A = arith.constant 0 : index
    %get3A_0 = arith.constant 0 : index
    %get3A_1 = arith.constant 0 : index
    %get3A_2 = vector.load %arg3[%get3A, %get3A_0, %get3A_1] : memref<2x2000x128xf32, #tpu.memory_space<vmem>>, vector<1x2000x128xf32>
    %get3A_3 = vector.shape_cast %get3A_2 : vector<1x2000x128xf32> to vector<2000x128xf32>
    %get3A_4 = arith.constant 1 : index
    %get3A_5 = arith.constant 0 : index
    %get3A_6 = arith.constant 0 : index
    %get3A_7 = vector.load %arg3[%get3A_4, %get3A_5, %get3A_6] : memref<2x2000x128xf32, #tpu.memory_space<vmem>>, vector<1x2000x128xf32>
    %get3A_8 = vector.shape_cast %get3A_7 : vector<1x2000x128xf32> to vector<2000x128xf32>
    %add3A = arith.addf %get3A_3, %get3A_8 : vector<2000x128xf32>
    %slice3A = vector.extract_strided_slice %add3A {offsets = [0, 0], sizes = [2000, 1], strides = [1, 1]} : vector<2000x128xf32> to vector<2000x1xf32>
    %add3A_9 = arith.constant 1.000000e+00 : f32
    %add3A_10 = vector.broadcast %add3A_9 : f32 to vector<2000x1xf32>
    %add3A_11 = arith.addf %slice3A, %add3A_10 : vector<2000x1xf32>
    %rsqrt3A = math.rsqrt %add3A_11 : vector<2000x1xf32>
    %get3A_12 = arith.constant 0 : index
    %get3A_13 = arith.constant 0 : index
    %get3A_14 = arith.constant 0 : index
    %get3A_15 = arith.constant 0 : index
    %get3A_16 = vector.load %arg1[%get3A_12, %get3A_13, %get3A_14, %get3A_15] : memref<1x2x2000x128xf32, #tpu.memory_space<vmem>>, vector<1x1x2000x128xf32>
    %get3A_17 = vector.shape_cast %get3A_16 : vector<1x1x2000x128xf32> to vector<2000x128xf32>
    %get3A_18 = arith.constant 0 : index
    %get3A_19 = arith.constant 1 : index
    %get3A_20 = arith.constant 0 : index
    %get3A_21 = arith.constant 0 : index
    %get3A_22 = vector.load %arg1[%get3A_18, %get3A_19, %get3A_20, %get3A_21] : memref<1x2x2000x128xf32, #tpu.memory_space<vmem>>, vector<1x1x2000x128xf32>
    %get3A_23 = vector.shape_cast %get3A_22 : vector<1x1x2000x128xf32> to vector<2000x128xf32>
    %add3A_24 = arith.addf %get3A_17, %get3A_23 : vector<2000x128xf32>
    %mul3A = vector.broadcast %rsqrt3A : vector<2000x1xf32> to vector<2000x128xf32>
    %mul3A_25 = arith.mulf %add3A_24, %mul3A : vector<2000x128xf32>
    %get3A_26 = arith.constant 0 : index
    %get3A_27 = arith.constant 0 : index
    %get3A_28 = vector.load %arg2[%get3A_26, %get3A_27] : memref<2000x128xf32, #tpu.memory_space<vmem>>, vector<2000x128xf32>
    %add3A_29 = arith.addf %mul3A_25, %get3A_28 : vector<2000x128xf32>
    %get3A_30 = arith.constant 0 : index
    %get3A_31 = arith.constant 0 : index
    %get3A_32 = vector.load %arg4[%get3A_30, %get3A_31] : memref<1x128xf32, #tpu.memory_space<vmem>>, vector<1x128xf32>
    %add3A_33 = vector.broadcast %get3A_32 : vector<1x128xf32> to vector<2000x128xf32>
    %add3A_34 = arith.addf %add3A_29, %add3A_33 : vector<2000x128xf32>
    %swap3A = arith.constant 0 : index
    %swap3A_35 = arith.constant 0 : index
    %swap3A_36 = vector.load %arg5[%swap3A, %swap3A_35] : memref<2000x128xf32, #tpu.memory_space<vmem>>, vector<2000x128xf32>
    tpu.vector_store %arg5[%swap3A, %swap3A_35], %add3A_34 {strides = array<i32>} : memref<2000x128xf32, #tpu.memory_space<vmem>>, vector<2000x128xf32>,
    return
  }
  func.func @transform_0(%arg0: i32) -> (i32, i32, i32, i32) {
    %c0_i32 = arith.constant 0 : i32
    %c0_i32_0 = arith.constant 0 : i32
    %c0_i32_1 = arith.constant 0 : i32
    %c0_i32_2 = arith.constant 0 : i32
    return %c0_i32, %c0_i32_0, %arg0, %c0_i32_1 : i32, i32, i32, i32
  }
  func.func @transform_1(%arg0: i32) -> (i32, i32) {
    %c0_i32 = arith.constant 0 : i32
    %c0_i32_0 = arith.constant 0 : i32
    return %arg0, %c0_i32 : i32, i32
  }
  func.func @transform_2(%arg0: i32) -> (i32, i32, i32) {
    %c0_i32 = arith.constant 0 : i32
    %c0_i32_0 = arith.constant 0 : i32
    %c0_i32_1 = arith.constant 0 : i32
    return %c0_i32, %arg0, %c0_i32_0 : i32, i32, i32
  }
  func.func @transform_3(%arg0: i32) -> (i32, i32) {
    %c0_i32 = arith.constant 0 : i32
    %c0_i32_0 = arith.constant 0 : i32
    %c0_i32_1 = arith.constant 0 : i32
    return %c0_i32, %c0_i32_0 : i32, i32
  }
  func.func @transform_4(%arg0: i32) -> (i32, i32) {
    %c0_i32 = arith.constant 0 : i32
    %c0_i32_0 = arith.constant 0 : i32
    return %arg0, %c0_i32 : i32, i32
  }
}

</mosaic_0001>

<sc_bundles>
// kernel: kernel.11.cloned.1.call-start
scs
__scs_entry_jumppad:
0x0: {  	(pc) =	sbr.rel $0x88, $3  }
0x1: {  	(tag) =	ssettag $0x0;
	lr =	simm.s32 $0x1  }
0x2: {  	[smem:$0x3F9B] =	sst lr;
	_ =	strace $0xD0000000  }
0x3: {  	_ = 	snop  }
0x4: {  	_ = 	snop  }
0x5: {  	_ = 	snop  }
0x6: {  	_ = 	snop  }
0x7: {  	_ = 	snop  }
__scs_overlays_trampoline_lowered:
0x8: {  	[smem:$0x3FAA] =	sst s0  }
0x9: {  	[smem:$0x3FAB] =	sst s1  }
0xa: {  	[smem:$0x3FAC] =	sst s2  }
0xb: {  	[smem:$0x3FAD] =	sst s3  }
0xc: {  	[smem:$0x3FAE] =	sst s4  }
0xd: {  	[smem:$0x3FAF] =	sst s5  }
0xe: {  	[smem:$0x3FB0] =	sst s6  }
0xf: {  	[smem:$0x3FB1] =	sst s7  }
0x10: {  	[smem:$0x3FB2] =	sst s8  }
0x11: {  	[smem:$0x3FB3] =	sst s9;
	s0 =	simm.s32 @!p0 $0x0  }
0x12: {  	s1 =	sld [smem:$0x3F99];
	s0 =	simm.s32 @p0 $0x1  }
0x13: {  	[smem:$0x3FB4] =	sst s0;
	s0 =	simm.s32 @!p1 $0x0  }
0x14: {  	s2 =	sld [smem:$0x3F98];
	s0 =	simm.s32 @p1 $0x1  }
0x15: {  	[smem:$0x3FB5] =	sst s0;
	s0 =	simm.s32 @!p2 $0x0  }
0x16: {  	s3 =	sld [smem:$0x3FDB];
	s0 =	simm.s32 @p2 $0x1  }
0x17: {  	s4 =	simm.s32 $0x1BF5;
	[smem:$0x3FB7] =	sst s0  }
0x18: {  	s0 =	sld [smem:$0x3F9A];
	_ =	swait.ge [sflag:s4], $0x0  }
0x19: {  	s7 =	sld [smem:$0x3F9B]  }
0x1a: {  	s8 =	sadd.s32 $0xFFFFE003, lr  }
0x1b: {  	s9 =	sadd.s32 $0xFFFFFEF7, lr;
	s5 =	simm.s32 $0xFFFFFFFF;
	p2 =	slt.u32 s8, $0xFFFFF086  }
0x1c: {  	p1 =	slt.u32 s9, $0xF7A;
	s5 =	simm.s32 @!p2 $0x0  }
0x1d: {  	s5 =	simm.s32 @p1 $0x1;
	p0 =	seq.s32 s7, s2  }
0x1e: {  	s7 =	smul.u32 @!p0 $0xF7A, s2;
	p2 =	seq.s32 @!p0 s5, $0x0  }
0x1f: {  	s9 =	smul.u32 $0xF7A, s1;
	s8 =	simm.s32 @!p0 $0x1BF5;
	p2 =	por !p2, p0  }
0x20: {  	[sflag:s8] =	ssyncset.s32 @!p0 $0xFFFFF086;
	s6 =	sadd.s32 @!p0 s3, s7;
	s7 =	simm.s32 @!p0 $0x108  }
0x21: {  	s3 =	sadd.s32 s3, s9;
	s6 =	sadd.s32 @!p0 $0x88, s6;
	s7 =	simm.s32 @p2 $0x1082  }
0x22: {  	[simem:s7], [sflag:s8] =	dma.local @!p0 [hbm:s6], $0xF7A  }
0x23: {  	s9 =	sor.u32 $0xD0000000, s2;
	s6 =	simm.s32 $0x108;
	_ =	swait.ge @!p0 [sflag:s8], $0x0  }
0x24: {  	s3 =	sadd.s32 $0x88, s3;
	s6 =	simm.s32 @!p1 $0x1082;
	[sflag:s4] =	ssyncset.s32 $0xFFFFF086  }
0x25: {  	[simem:s6], [sflag:s4] =	dma.local [hbm:s3], $0xF7A  }
0x26: {  	[smem:$0x3F9B] =	sst s1;
	(tag) =	ssettag s2;
	_ =	strace s9  }
0x27: {  	s1 =	sld [smem:$0x3FAB]  }
0x28: {  	s2 =	sld [smem:$0x3FAC]  }
0x29: {  	s4 =	sld [smem:$0x3FAE]  }
0x2a: {  	p0 =	seq.s32 s5, $0x0;
	s5 =	sld [smem:$0x3FAF]  }
0x2b: {  	s6 =	sld [smem:$0x3FB0]  }
0x2c: {  	s7 =	sld [smem:$0x3FB1]  }
0x2d: {  	s3 =	simm.s32 $0x108;
	s8 =	sld [smem:$0x3FB2]  }
0x2e: {  	s3 =	simm.s32 @!p0 $0x1082;
	s9 =	sld [smem:$0x3FB3]  }
0x2f: {  	lr =	sadd.s32 s0, s3;
	s0 =	sld [smem:$0x3FAA]  }
0x30: {  	s3 =	sld [smem:$0x3FAD]  }
0x31: {  	[smem:$0x3FB6] =	sst s10  }
0x32: {  	s10 =	sld [smem:$0x3FB4];
	_ =	sdelay $0x3  }
0x33: {  	p0 =	seq.s32 s10, $0x1;
	s10 =	sld [smem:$0x3FB6];
	_ =	sdelay $0x3  }
0x34: {  	[smem:$0x3FB6] =	sst s10  }
0x35: {  	s10 =	sld [smem:$0x3FB5];
	_ =	sdelay $0x3  }
0x36: {  	p1 =	seq.s32 s10, $0x1;
	s10 =	sld [smem:$0x3FB6];
	_ =	sdelay $0x3  }
0x37: {  	[smem:$0x3FB6] =	sst s10  }
0x38: {  	s10 =	sld [smem:$0x3FB7]  }
0x39: {  	_ = 	snop;
	(pc) =	sbr.ind lr, $3  }
0x3a: {  	_ = 	snop  }
0x3b: {  	_ = 	snop  }
0x3c: {  	p2 =	seq.s32 s10, $0x1;
	s10 =	sld [smem:$0x3FB6]  }
0x3d: {  	_ =	shalt  }
0x3e: {  	_ =	shalt  }
0x3f: {  	_ =	shalt  }
0x40: {  	_ =	shalt  }
0x41: {  	_ =	shalt  }
0x42: {  	_ =	shalt  }
0x43: {  	_ =	shalt  }
0x44: {  	_ =	shalt  }
0x45: {  	_ =	shalt  }
0x46: {  	_ =	shalt  }
0x47: {  	_ =	shalt  }
0x48: {  	_ =	shalt  }
0x49: {  	_ =	shalt  }
0x4a: {  	_ =	shalt  }
0x4b: {  	_ =	shalt  }
0x4c: {  	_ =	shalt  }
0x4d: {  	_ =	shalt  }
0x4e: {  	_ =	shalt  }
0x4f: {  	_ =	shalt  }
0x50: {  	_ =	shalt  }
0x51: {  	_ =	shalt  }
0x52: {  	_ =	shalt  }
0x53: {  	_ =	shalt  }
0x54: {  	_ =	shalt  }
0x55: {  	_ =	shalt  }
0x56: {  	_ =	shalt  }
0x57: {  	_ =	shalt  }
0x58: {  	_ =	shalt  }
0x59: {  	_ =	shalt  }
0x5a: {  	_ =	shalt  }
0x5b: {  	_ =	shalt  }
0x5c: {  	_ =	shalt  }
0x5d: {  	_ =	shalt  }
0x5e: {  	_ =	shalt  }
0x5f: {  	_ =	shalt  }
0x60: {  	_ =	shalt  }
0x61: {  	_ =	shalt  }
0x62: {  	_ =	shalt  }
0x63: {  	_ =	shalt  }
0x64: {  	_ =	shalt  }
0x65: {  	_ =	shalt  }
0x66: {  	_ =	shalt  }
0x67: {  	_ =	shalt  }
0x68: {  	_ =	shalt  }
0x69: {  	_ =	shalt  }
0x6a: {  	_ =	shalt  }
0x6b: {  	_ =	shalt  }
0x6c: {  	_ =	shalt  }
0x6d: {  	_ =	shalt  }
0x6e: {  	_ =	shalt  }
0x6f: {  	_ =	shalt  }
0x70: {  	_ =	shalt  }
0x71: {  	_ =	shalt  }
0x72: {  	_ =	shalt  }
0x73: {  	_ =	shalt  }
0x74: {  	_ =	shalt  }
0x75: {  	_ =	shalt  }
0x76: {  	_ =	shalt  }
0x77: {  	_ =	shalt  }
0x78: {  	_ =	shalt  }
0x79: {  	_ =	shalt  }
0x7a: {  	_ =	shalt  }
0x7b: {  	_ =	shalt  }
0x7c: {  	_ =	shalt  }
0x7d: {  	_ =	shalt  }
0x7e: {  	_ =	shalt  }
0x7f: {  	_ =	shalt  }
0x80: {  	_ =	shalt  }
0x81: {  	_ =	shalt  }
0x82: {  	_ =	shalt  }
0x83: {  	_ =	shalt  }
0x84: {  	_ =	shalt  }
0x85: {  	_ =	shalt  }
0x86: {  	_ =	shalt  }
0x87: {  	_ =	shalt  }
.Lfunc_end0:
.L_simem_size_0:
called_computation.1_lowered:
.L_overlay_start_0:
0x88: {  	s2 =	sld [smem:$0x3FD9]  }
0x89: {  	s3 =	sld [smem:$0x3FFE];
	_ =	sdelay $0x1  }
0x8a: {  	s1 =	srdreg.scid  }
0x8b: {  	s0 =	sand.u32 $0x1, s1  }
0x8c: {  	s17 =	sshll.u32 s0, $0xA;
	s2 =	sadd.s32 s3, s2  }
0x8d: {  	s2 =	sadd.s32 s2, s17  }
0x8e: {  	[smem:$0x3FC2] =	sst s2  }
0x8f: {  	_ = 	snop  }
0x90: {  	s2 =	sld [smem:$0x3FD0];
	(tm) =	ssettm $0x1  }
0x91: {  	s18 =	sld [smem:$0x3FFB];
	_ =	sdelay $0x3  }
0x92: {  	_ =	strace s18  }
0x93: {  	s3 =	sld [smem:$0x3FFC];
	_ =	sdelay $0x3  }
0x94: {  	_ =	strace s3  }
0x95: {  	s3 =	sld [smem:$0x3FFD];
	_ =	sdelay $0x3  }
0x96: {  	_ =	strace s3  }
0x97: {  	_ =	strace $0x8FFFFFFF  }
0x98: {  	s19 =	sld [smem:$0x3FDB];
	_ =	sdelay $0x1  }
0x99: {  	s4 =	simm.s32 $_scs_section_size  }
0x9a: {  	s5 =	simm.s32 $_size__tile_overlayer_lowered;
	s6 =	simm.s32 $_tile_overlayer_lowered  }
0x9b: {  	s22 =	simm.s32 $0x1BFF;
	s21 =	sshll.u32 s6, $0x1;
	s3 =	sadd.s32 s4, s19  }
0x9c: {  	s7 =	simm.s32 $0x0;
	s20 =	sshll.u32 s5, $0x1;
	s5 =	sadd.s32 s21, s3  }
0x9d: {  	[timem:s7], [sflag:s22] =	dma.local [hbm:s5], s20  }
0x9e: {  	_ =	swait.ge [sflag:s22], s20  }
0x9f: {  	s4 =	ssub.s32 $0x0, s20;
	[sflag:s22] =	ssyncset.done $0x0  }
0xa0: {  	[sflag:s22] =	ssyncadd.s32 s4;
	_ =	sdelay $0x1  }
0xa1: {  	s23 =	simm.s32 $0x1B8B  }
0xa2: {  	_ =	swait.ge [sflag:s23], $0x1  }
0xa3: {  	[sflag:s23] =	ssyncset.done $0x0  }
0xa4: {  	s25 =	simm.s32 $0x1B8E;
	s24 =	sld [smem:$0x3FFE];
	[sflag:s23] =	ssyncadd.s32 $0xFFFFFFFF  }
0xa5: {  	s26 =	simm.s32 $execute0_lowered;
	[smem:$0x3FD2] =	sst s25  }
0xa6: {  	s5 =	sshll.u32 s26, $0x1;
	_ =	strace $0x80000049;
	[dreg:$0x1] =	wrdreg $0xFFFFFFFF  }
0xa7: {  	s28 =	simm.s32 $_size_execute0_lowered;
	s3 =	sadd.s32 s3, s5;
	[dreg:$0x0] =	wrdreg $0x0  }
0xa8: {  	s5 =	sshll.u32 s28, $0x1;
	[dreg:$0x2] =	wrdreg s3  }
0xa9: {  	[dreg:$0x3] =	wrdreg s5  }
0xaa: {  	[dreg:$0x4] =	wrdreg $0xC0  }
0xab: {  	_ =	task [dreg:s7], $0x5FFFF  }
0xac: {  	[dreg:$0x1] =	wrdreg $0xFFFFFFFF  }
0xad: {  	[dreg:$0x0] =	wrdreg $0x60  }
0xae: {  	[dreg:$0x2] =	wrdreg s2  }
0xaf: {  	[dreg:$0x3] =	wrdreg s24  }
0xb0: {  	[dreg:$0x4] =	wrdreg $0xB7800  }
0xb1: {  	[dreg:$0x5] =	wrdreg $0x9  }
0xb2: {  	_ =	task.clear_ibuf [dreg:s7], $0x6FFFF;
	_ =	strace $0x90000049  }
0xb3: {  	s29 =	simm.s32 $0x9;
	_ =	strace $0x8000004B  }
0xb4: {  	_ =	swait.ge [sflag:s29], $0x1  }
0xb5: {  	[sflag:s29] =	ssyncadd.s32 $0xFFFFFFFF  }
0xb6: {  	_ =	strace $0x9000004B  }
0xb7: {  	_ =	sfence  }
0xb8: {  	s30 =	sld [smem:$0x0];
	_ =	sdelay $0x2  }
0xb9: {  	s31 =	sshll.u32 s1, $0xD;
	s1 =	sshrl.u32 s1, $0x2  }
0xba: {  	s3 =	sand.u32 $0x4000, s31;
	s1 =	sadd.s32 s1, s30  }
0xbb: {  	s0 =	sor.u32 s3, s0;
	s1 =	sshll.u32 s1, $0x11  }
0xbc: {  	s0 =	sor.u32 s1, s0  }
0xbd: {  	s0 =	sadd.s32 $0x8F2B, s0  }
0xbe: {  	[sflag:s0] =	ssyncadd.remote.s32 $0x1  }
0xbf: {  	_ =	sfence.sel $0xFFFF  }
0xc0: {  	[dreg:$0x0] =	wrdreg $0xFFFFFFFF;
	(pc) =	sbr.abs _section_cstart, $3  }
0xc1: {  	[dreg:$0x1] =	wrdreg $0xFFFFFFFF  }
0xc2: {  	_ =	task.clear_ibuf [dreg:s7], $0x2FFFF;
	_ =	strace $0x9FFFFFFF  }
0xc3: {  	(tm) =	ssettm $0x7FFFFFFF  }
tec
execute0_lowered:
.L_overlay_start_1:
0x0: {  	(tag) =	ssettag $0x1  }
0x1: {  	s1 =	rddreg [dreg:$0x0]  }
0x2: {  	s0 =	srdreg.scid;
	s5 =	rddreg [dreg:$0x1]  }
0x3: {  	s9 =	stileid.u32;
	s3 =	rddreg [dreg:$0x2];
	s4 =	simm.s32 $0x0  }
0x4: {  	s17 =	simm.s32 $0x5;
	s19 =	simm.s32 $0x6780;
	s20 =	simm.s32 $0x50  }
0x5: {  	s21 =	simm.s32 $0x8F80;
	s22 =	simm.s32 $0x1;
	s23 =	simm.s32 $0x2  }
0x6: {  	s24 =	simm.s32 $0x3;
	s29 =	simm.s32 $0x26C0;
	s30 =	simm.s32 $0x6580  }
0x7: {  	s31 =	simm.s32 $0x0;
	s0 =	sand.u32 $0x1, s0;
	s8 =	smul.u32 $0x13C00, s9  }
0x8: {  	[smem:$0x7FF] =	sst s4;
	s25 =	smul.u32 $0x4F000, s9;
	s2 =	sshll.u32 s0, $0x4  }
0x9: {  	s7 =	smul.u32 $0x13C000, s0;
	_ =	strace $0x8000004A;
	s0 =	ssub.s32 $0x2, s0  }
0xa: {  	s2 =	sor.u32 s9, s2;
	s26 =	sshrl.u32 s0, $0x1;
	s28 =	sshrl.u32 s25, $0x2  }
0xb: {  	s25 =	simm.s32 $0x4;
	s6 =	smul.u32 $0x4E2, s2;
	s2 =	sshll.u32 s2, $0xB  }
0xc: {  	s7 =	sadd.s32 s8, s7;
	s0 =	ssub.s32 s0, s26;
	s2 =	sadd.s32 s2, s5  }
0xd: {  	s7 =	sshrl.u32 s7, $0x3;
	s16 =	smax.u32 s0, $0x1;
	s6 =	sadd.s32 s6, s5  }
0xe: {  	s15 =	sadd.s32 s7, s5;
	s5 =	sadd.s32 $0x1E00, s6;
	s6 =	sadd.s32 s28, s3  }
0xf: {  	s7 =	sadd.s32 $0xBC00, s2;
	s15 =	sadd.s32 $0x6B200, s15;
	s8 =	sadd.s32 $0x2800, s6  }
0x10: {  	s9 =	sadd.s32 $0x5000, s6;
	s10 =	sadd.s32 $0x7800, s6;
	s11 =	sadd.s32 $0xA000, s6  }
0x11: {  	v0 =	vimm.f32 $0.0e+00;
	s12 =	sadd.s32 $0xC800, s6;
	s13 =	sadd.s32 $0xF000, s6;
	s14 =	sadd.s32 $0x11800, s6  }
.LBB2_1:
0x12: {  	[tilespmem:s4], [sflag:$0x5] =	stream.linear.gather [hbm4b:s5+s4], $0x2710, $0x38;
	[tilespmem:$0x1F380] =	vst v63  }
0x13: {  	_ =	swait.ge [sflag:s17], $0x2710  }
0x14: {  	[sflag:s17] =	ssyncset.done $0x0  }
0x15: {  	s0 =	simm.s32 $0x2780;
	[sflag:s17] =	ssyncadd.s32 $0xFFFFD8F0  }
0x16: {  	[tilespmem:s0], [sflag:$0x5] =	stream.linear.gather [hbm4b:s7+s4], $0x3E80, $0x38;
	[tilespmem:$0x1F380] =	vst v63  }
0x17: {  	_ =	swait.ge [sflag:s17], $0x3E80  }
0x18: {  	[sflag:s17] =	ssyncset.done $0x0  }
0x19: {  	s2 =	simm.s32 $0x200;
	s0 =	simm.s32 $0x0;
	[sflag:s17] =	ssyncadd.s32 $0xFFFFC180  }
.LBB2_2:
0x1a: {  	p0 =	sne.s32 s2, $0x9E00;
	[tilespmem:s0+$0x67F0] =	vst v0  }
0x1b: {  	[tilespmem:s0+$0x6780] =	vst v0  }
0x1c: {  	[tilespmem:s0+$0x6790] =	vst v0  }
.Ltmp0:
0x1d: {  	[tilespmem:s0+$0x67A0] =	vst v0;
	(pc) =	sbr.rel @p0 .LBB2_2-.Ltmp0, $4  }
0x1e: {  	[tilespmem:s0+$0x67B0] =	vst v0  }
0x1f: {  	[tilespmem:s0+$0x67C0] =	vst v0  }
0x20: {  	[tilespmem:s0+$0x67D0] =	vst v0  }
0x21: {  	[tilespmem:s0+$0x67E0] =	vst v0;
	s0 =	sshra.s32 s2, $0x2;
	s2 =	sadd.s32 $0x200, s2  }
0x22: {  	[tilespmem:s0+$0x67F0] =	vst v0  }
0x23: {  	[tilespmem:s0+$0x6780] =	vst v0  }
0x24: {  	[tilespmem:s0+$0x6790] =	vst v0  }
0x25: {  	[tilespmem:s0+$0x67A0] =	vst v0  }
0x26: {  	[tilespmem:s0+$0x67B0] =	vst v0  }
0x27: {  	[tilespmem:s0+$0x67C0] =	vst v0  }
0x28: {  	[tilespmem:s0+$0x67D0] =	vst v0  }
0x29: {  	[tilespmem:s0+$0x67E0] =	vst v0  }
0x2a: {  	[spmem:s6] =	stream.linear.scatter [tilespmem:s19], [sflag:$0x5], $0x2800, $0x38;
	[tilespmem:$0x1F380] =	vst v63  }
0x2b: {  	_ =	swait.ge [sflag:s17], $0x2800  }
0x2c: {  	[sflag:s17] =	ssyncset.done $0x0  }
0x2d: {  	[sflag:s17] =	ssyncadd.s32 $0xFFFFD800  }
0x2e: {  	[spmem:s8] =	stream.linear.scatter [tilespmem:s19], [sflag:$0x5], $0x2800, $0x38;
	[tilespmem:$0x1F380] =	vst v63  }
0x2f: {  	_ =	swait.ge [sflag:s17], $0x2800  }
0x30: {  	[sflag:s17] =	ssyncset.done $0x0  }
0x31: {  	[sflag:s17] =	ssyncadd.s32 $0xFFFFD800  }
0x32: {  	[spmem:s9] =	stream.linear.scatter [tilespmem:s19], [sflag:$0x5], $0x2800, $0x38;
	[tilespmem:$0x1F380] =	vst v63  }
0x33: {  	_ =	swait.ge [sflag:s17], $0x2800  }
0x34: {  	[sflag:s17] =	ssyncset.done $0x0  }
0x35: {  	[sflag:s17] =	ssyncadd.s32 $0xFFFFD800  }
0x36: {  	[spmem:s10] =	stream.linear.scatter [tilespmem:s19], [sflag:$0x5], $0x2800, $0x38;
	[tilespmem:$0x1F380] =	vst v63  }
0x37: {  	_ =	swait.ge [sflag:s17], $0x2800  }
0x38: {  	[sflag:s17] =	ssyncset.done $0x0  }
0x39: {  	[sflag:s17] =	ssyncadd.s32 $0xFFFFD800  }
0x3a: {  	[spmem:s11] =	stream.linear.scatter [tilespmem:s19], [sflag:$0x5], $0x2800, $0x38;
	[tilespmem:$0x1F380] =	vst v63  }
0x3b: {  	_ =	swait.ge [sflag:s17], $0x2800  }
0x3c: {  	[sflag:s17] =	ssyncset.done $0x0  }
0x3d: {  	[sflag:s17] =	ssyncadd.s32 $0xFFFFD800  }
0x3e: {  	[spmem:s12] =	stream.linear.scatter [tilespmem:s19], [sflag:$0x5], $0x2800, $0x38;
	[tilespmem:$0x1F380] =	vst v63  }
0x3f: {  	_ =	swait.ge [sflag:s17], $0x2800  }
0x40: {  	[sflag:s17] =	ssyncset.done $0x0  }
0x41: {  	[sflag:s17] =	ssyncadd.s32 $0xFFFFD800  }
0x42: {  	[spmem:s13] =	stream.linear.scatter [tilespmem:s19], [sflag:$0x5], $0x2800, $0x38;
	[tilespmem:$0x1F380] =	vst v63  }
0x43: {  	_ =	swait.ge [sflag:s17], $0x2800  }
0x44: {  	[sflag:s17] =	ssyncset.done $0x0  }
0x45: {  	[sflag:s17] =	ssyncadd.s32 $0xFFFFD800  }
0x46: {  	[spmem:s14] =	stream.linear.scatter [tilespmem:s19], [sflag:$0x5], $0x2400, $0x38;
	[tilespmem:$0x1F380] =	vst v63  }
0x47: {  	_ =	swait.ge [sflag:s17], $0x2400  }
0x48: {  	[sflag:s17] =	ssyncset.done $0x0  }
0x49: {  	[sflag:s17] =	ssyncadd.s32 $0xFFFFDC00  }
0x4a: {  	s2 =	simm.s32 $0x0;
	[bflag:$0x0] =	sbarrier.arrive $0xFFFF  }
0x4b: {  	[tilespmem:s19], [sflag:$0x1] =	stream.indirect.gather [hbm4b:s1+s20], $0x80, s2, s20, $0xb8;
	[tilespmem:$0x1F380] =	vst v63  }
0x4c: {  	_ = 	snop  }
0x4d: {  	[tilespmem:s21], [sflag:$0x2] =	stream.indirect.gather [hbm4b:s1+s20], $0x80, s20, s20, $0xb8;
	[tilespmem:$0x1F380] =	vst v63  }
0x4e: {  	_ =	swait.ge [sflag:s22], $0x2800  }
0x4f: {  	[sflag:s22] =	ssyncset.done $0x0  }
0x50: {  	s18 =	simm.s32 $0x2780;
	[sflag:s22] =	ssyncadd.s32 $0xFFFFD800  }
0x51: {  	[spmem:s3] =	stream.indirect.scatter.add.f32 [tilespmem:s19], [sflag:$0x3], $0x80, s18, s20, $0xb8;
	[tilespmem:$0x1F380] =	vst v63  }
0x52: {  	_ =	swait.ge [sflag:s23], $0x2800  }
0x53: {  	[sflag:s23] =	ssyncset.done $0x0  }
0x54: {  	s26 =	simm.s32 $0x2800;
	[sflag:s23] =	ssyncadd.s32 $0xFFFFD800  }
0x55: {  	[spmem:s3] =	stream.indirect.scatter.add.f32 [tilespmem:s21], [sflag:$0x4], $0x80, s26, s20, $0xb8;
	[tilespmem:$0x1F380] =	vst v63  }
0x56: {  	_ =	swait.ge [sflag:s24], $0x2800  }
0x57: {  	[sflag:s24] =	ssyncset.done $0x0  }
0x58: {  	s28 =	simm.s32 $0xA0;
	[sflag:s24] =	ssyncadd.s32 $0xFFFFD800  }
0x59: {  	[tilespmem:s19], [sflag:$0x1] =	stream.indirect.gather [hbm4b:s1+s20], $0x80, s28, s20, $0xb8;
	[tilespmem:$0x1F380] =	vst v63  }
0x5a: {  	_ =	swait.ge [sflag:s25], $0x2800  }
0x5b: {  	s0 =	simm.s32 $0x400;
	[sflag:s25] =	ssyncset.done $0x0  }
0x5c: {  	s2 =	simm.s32 $0xF0;
	s18 =	simm.s32 $0x190;
	[sflag:s25] =	ssyncadd.s32 $0xFFFFD800  }
.LBB2_4:
0x5d: {  	[tilespmem:s21], [sflag:$0x2] =	stream.indirect.gather [hbm4b:s1+s20], $0x80, s2, s20, $0xb8;
	[tilespmem:$0x1F380] =	vst v63  }
0x5e: {  	s26 =	smov.u32 s0;
	s2 =	smov.u32 s18  }
0x5f: {  	p0 =	sne.s32 s0, $0xF000;
	s0 =	sadd.s32 $0x400, s0;
	_ =	swait.ge [sflag:s22], $0x2800  }
0x60: {  	s26 =	sshra.s32 s26, $0x2;
	[sflag:s22] =	ssyncset.done $0x0  }
0x61: {  	s28 =	sadd.s32 $0x2780, s26;
	[sflag:s22] =	ssyncadd.s32 $0xFFFFD800  }
0x62: {  	[spmem:s3] =	stream.indirect.scatter.add.f32 [tilespmem:s19], [sflag:$0x3], $0x80, s28, s20, $0xb8;
	[tilespmem:$0x1F380] =	vst v63  }
0x63: {  	_ =	swait.ge [sflag:s23], $0x2800  }
0x64: {  	[sflag:s23] =	ssyncset.done $0x0  }
0x65: {  	s26 =	sadd.s32 $0x2800, s26;
	[sflag:s23] =	ssyncadd.s32 $0xFFFFD800  }
0x66: {  	[spmem:s3] =	stream.indirect.scatter.add.f32 [tilespmem:s21], [sflag:$0x4], $0x80, s26, s20, $0xb8;
	[tilespmem:$0x1F380] =	vst v63  }
0x67: {  	_ =	swait.ge [sflag:s24], $0x2800  }
0x68: {  	[sflag:s24] =	ssyncset.done $0x0  }
.Ltmp1:
0x69: {  	s26 =	sadd.s32 $0xFFFFFFB0, s18;
	[sflag:s24] =	ssyncadd.s32 $0xFFFFD800;
	(pc) =	sbr.rel @p0 .LBB2_4-.Ltmp1, $4  }
0x6a: {  	[tilespmem:s19], [sflag:$0x1] =	stream.indirect.gather [hbm4b:s1+s20], $0x80, s26, s20, $0xb8;
	[tilespmem:$0x1F380] =	vst v63  }
0x6b: {  	_ =	swait.ge [sflag:s25], $0x2800  }
0x6c: {  	[sflag:s25] =	ssyncset.done $0x0  }
0x6d: {  	s18 =	sadd.s32 $0xA0, s18;
	[sflag:s25] =	ssyncadd.s32 $0xFFFFD800  }
0x6e: {  	[tilespmem:s21], [sflag:$0x2] =	stream.indirect.gather [hbm4b:s1+s20], $0x80, s2, s20, $0xb8;
	[tilespmem:$0x1F380] =	vst v63  }
0x6f: {  	_ =	swait.ge [sflag:s22], $0x2800  }
0x70: {  	[sflag:s22] =	ssyncset.done $0x0  }
0x71: {  	s0 =	simm.s32 $0x6480;
	[sflag:s22] =	ssyncadd.s32 $0xFFFFD800  }
0x72: {  	[spmem:s3] =	stream.indirect.scatter.add.f32 [tilespmem:s19], [sflag:$0x3], $0x80, s0, s20, $0xb8;
	[tilespmem:$0x1F380] =	vst v63  }
0x73: {  	_ =	swait.ge [sflag:s23], $0x2800  }
0x74: {  	[sflag:s23] =	ssyncset.done $0x0  }
0x75: {  	s18 =	simm.s32 $0x6500;
	[sflag:s23] =	ssyncadd.s32 $0xFFFFD800  }
0x76: {  	[spmem:s3] =	stream.indirect.scatter.add.f32 [tilespmem:s21], [sflag:$0x4], $0x80, s18, s20, $0xb8;
	[tilespmem:$0x1F380] =	vst v63  }
0x77: {  	_ =	swait.ge [sflag:s24], $0x2800  }
0x78: {  	[sflag:s24] =	ssyncset.done $0x0  }
0x79: {  	[sflag:s24] =	ssyncadd.s32 $0xFFFFD800  }
0x7a: {  	[tilespmem:s19], [sflag:$0x1] =	stream.indirect.gather [hbm4b:s1+s20], $0x80, s29, s20, $0xb8;
	[tilespmem:$0x1F380] =	vst v63  }
0x7b: {  	_ =	swait.ge [sflag:s25], $0x2800  }
0x7c: {  	[sflag:s25] =	ssyncset.done $0x0  }
0x7d: {  	[sflag:s25] =	ssyncadd.s32 $0xFFFFD800  }
0x7e: {  	_ =	swait.ge [sflag:s22], $0x2800  }
0x7f: {  	[sflag:s22] =	ssyncset.done $0x0  }
0x80: {  	[sflag:s22] =	ssyncadd.s32 $0xFFFFD800  }
0x81: {  	[spmem:s3] =	stream.indirect.scatter.add.f32 [tilespmem:s19], [sflag:$0x3], $0x80, s30, s20, $0xb8;
	[tilespmem:$0x1F380] =	vst v63  }
0x82: {  	s26 =	stileid.u32;
	_ =	swait.ge [sflag:s24], $0x2800  }
0x83: {  	s28 =	sshrl.u32 s6, $0x3;
	s31 =	sadd.s32 $0x1, s31;
	[sflag:s24] =	ssyncset.done $0x0  }
0x84: {  	p0 =	sne.s32 s31, s16;
	s0 =	sshll.u32 s26, $0x6;
	[sflag:s24] =	ssyncadd.s32 $0xFFFFD800  }
.Ltmp2:
0x85: {  	s0 =	sor.u32 $0x1C05, s0;
	[bflag:$0x0] =	sbarrier.arrive $0xFFFF;
	(pc) =	sbr.rel @p0 .LBB2_1-.Ltmp2, $4  }
0x86: {  	[hbm:s15], [sflag:s0] =	dma.local [spmem:s28], $0x2780  }
0x87: {  	_ =	swait.ge [sflag:s17], $0x2780  }
0x88: {  	[sflag:s17] =	ssyncset.done $0x0  }
0x89: {  	[sflag:s17] =	ssyncadd.s32 $0xFFFFD880  }
0x8a: {  	_ =	sfence.sel $0x180000  }
0x8b: {  	[bflag:$0x0] =	sbarrier.arrive $0xFFFF  }
0x8c: {  	_ =	strace $0x9000004A  }
0x8d: {  	s0 =	stileid.u32;
	[bflag:$0x2] =	sbarrier.arrive $0xFFFF  }
0x8e: {  	p0 =	sne.s32 s0, $0x0;
	s0 =	rddreg [dreg:$0x3]  }
0x8f: {  	s0 =	sadd.s32 @!p0 $0x100000, s0  }
0x90: {  	[sflag:s0] =	ssyncadd.tile.s32 @!p0 $0x1;
	_ =	shalt  }
.Lfunc_end2:
_tile_overlayer_lowered:
.L_overlay_start_2:
0x91: {  	(tag) =	ssettag $0x2  }
0x92: {  	s0 =	rddreg [dreg:$0x0];
	s2 =	stileid.u32  }
0x93: {  	s1 =	rddreg [dreg:$0x1];
	p0 =	sne.s32 s2, $0x0  }
0x94: {  	s3 =	rddreg [dreg:$0x2];
	[bflag:$0x3] =	sbarrier.arrive $0xFFFF;
	s2 =	simm.s32 @!p0 $0x1C05  }
0x95: {  	[timem:s3], [sflag:s2] =	dma.local @!p0 [hbm:s0], s1  }
0x96: {  	s0 =	simm.s32 @!p0 $0x5  }
0x97: {  	_ =	swait.ge @!p0 [sflag:s0], s1  }
0x98: {  	s1 =	ssub.s32 @!p0 $0x0, s1;
	[sflag:s0] =	ssyncset.done @!p0 $0x0  }
0x99: {  	[sflag:s0] =	ssyncadd.s32 @!p0 s1  }
0x9a: {  	[bflag:$0x3] =	sbarrier.arrive $0xFFFF  }
0x9b: {  	_ =	shalt  }

// kernel: kernel.14.cloned.1.call-start
scs
__scs_entry_jumppad:
0x0: {  	(pc) =	sbr.rel $0x88, $3  }
0x1: {  	(tag) =	ssettag $0x0;
	lr =	simm.s32 $0x1  }
0x2: {  	[smem:$0x3F9B] =	sst lr;
	_ =	strace $0xD0000000  }
0x3: {  	_ = 	snop  }
0x4: {  	_ = 	snop  }
0x5: {  	_ = 	snop  }
0x6: {  	_ = 	snop  }
0x7: {  	_ = 	snop  }
__scs_overlays_trampoline_lowered:
0x8: {  	[smem:$0x3FAA] =	sst s0  }
0x9: {  	[smem:$0x3FAB] =	sst s1  }
0xa: {  	[smem:$0x3FAC] =	sst s2  }
0xb: {  	[smem:$0x3FAD] =	sst s3  }
0xc: {  	[smem:$0x3FAE] =	sst s4  }
0xd: {  	[smem:$0x3FAF] =	sst s5  }
0xe: {  	[smem:$0x3FB0] =	sst s6  }
0xf: {  	[smem:$0x3FB1] =	sst s7  }
0x10: {  	[smem:$0x3FB2] =	sst s8  }
0x11: {  	[smem:$0x3FB3] =	sst s9;
	s0 =	simm.s32 @!p0 $0x0  }
0x12: {  	s1 =	sld [smem:$0x3F99];
	s0 =	simm.s32 @p0 $0x1  }
0x13: {  	[smem:$0x3FB4] =	sst s0;
	s0 =	simm.s32 @!p1 $0x0  }
0x14: {  	s2 =	sld [smem:$0x3F98];
	s0 =	simm.s32 @p1 $0x1  }
0x15: {  	[smem:$0x3FB5] =	sst s0;
	s0 =	simm.s32 @!p2 $0x0  }
0x16: {  	s3 =	sld [smem:$0x3FDB];
	s0 =	simm.s32 @p2 $0x1  }
0x17: {  	s4 =	simm.s32 $0x1BF5;
	[smem:$0x3FB7] =	sst s0  }
0x18: {  	s0 =	sld [smem:$0x3F9A];
	_ =	swait.ge [sflag:s4], $0x0  }
0x19: {  	s7 =	sld [smem:$0x3F9B]  }
0x1a: {  	s8 =	sadd.s32 $0xFFFFE003, lr  }
0x1b: {  	s9 =	sadd.s32 $0xFFFFFEF7, lr;
	s5 =	simm.s32 $0xFFFFFFFF;
	p2 =	slt.u32 s8, $0xFFFFF086  }
0x1c: {  	p1 =	slt.u32 s9, $0xF7A;
	s5 =	simm.s32 @!p2 $0x0  }
0x1d: {  	s5 =	simm.s32 @p1 $0x1;
	p0 =	seq.s32 s7, s2  }
0x1e: {  	s7 =	smul.u32 @!p0 $0xF7A, s2;
	p2 =	seq.s32 @!p0 s5, $0x0  }
0x1f: {  	s9 =	smul.u32 $0xF7A, s1;
	s8 =	simm.s32 @!p0 $0x1BF5;
	p2 =	por !p2, p0  }
0x20: {  	[sflag:s8] =	ssyncset.s32 @!p0 $0xFFFFF086;
	s6 =	sadd.s32 @!p0 s3, s7;
	s7 =	simm.s32 @!p0 $0x108  }
0x21: {  	s3 =	sadd.s32 s3, s9;
	s6 =	sadd.s32 @!p0 $0x88, s6;
	s7 =	simm.s32 @p2 $0x1082  }
0x22: {  	[simem:s7], [sflag:s8] =	dma.local @!p0 [hbm:s6], $0xF7A  }
0x23: {  	s9 =	sor.u32 $0xD0000000, s2;
	s6 =	simm.s32 $0x108;
	_ =	swait.ge @!p0 [sflag:s8], $0x0  }
0x24: {  	s3 =	sadd.s32 $0x88, s3;
	s6 =	simm.s32 @!p1 $0x1082;
	[sflag:s4] =	ssyncset.s32 $0xFFFFF086  }
0x25: {  	[simem:s6], [sflag:s4] =	dma.local [hbm:s3], $0xF7A  }
0x26: {  	[smem:$0x3F9B] =	sst s1;
	(tag) =	ssettag s2;
	_ =	strace s9  }
0x27: {  	s1 =	sld [smem:$0x3FAB]  }
0x28: {  	s2 =	sld [smem:$0x3FAC]  }
0x29: {  	s4 =	sld [smem:$0x3FAE]  }
0x2a: {  	p0 =	seq.s32 s5, $0x0;
	s5 =	sld [smem:$0x3FAF]  }
0x2b: {  	s6 =	sld [smem:$0x3FB0]  }
0x2c: {  	s7 =	sld [smem:$0x3FB1]  }
0x2d: {  	s3 =	simm.s32 $0x108;
	s8 =	sld [smem:$0x3FB2]  }
0x2e: {  	s3 =	simm.s32 @!p0 $0x1082;
	s9 =	sld [smem:$0x3FB3]  }
0x2f: {  	lr =	sadd.s32 s0, s3;
	s0 =	sld [smem:$0x3FAA]  }
0x30: {  	s3 =	sld [smem:$0x3FAD]  }
0x31: {  	[smem:$0x3FB6] =	sst s10  }
0x32: {  	s10 =	sld [smem:$0x3FB4];
	_ =	sdelay $0x3  }
0x33: {  	p0 =	seq.s32 s10, $0x1;
	s10 =	sld [smem:$0x3FB6];
	_ =	sdelay $0x3  }
0x34: {  	[smem:$0x3FB6] =	sst s10  }
0x35: {  	s10 =	sld [smem:$0x3FB5];
	_ =	sdelay $0x3  }
0x36: {  	p1 =	seq.s32 s10, $0x1;
	s10 =	sld [smem:$0x3FB6];
	_ =	sdelay $0x3  }
0x37: {  	[smem:$0x3FB6] =	sst s10  }
0x38: {  	s10 =	sld [smem:$0x3FB7]  }
0x39: {  	_ = 	snop;
	(pc) =	sbr.ind lr, $3  }
0x3a: {  	_ = 	snop  }
0x3b: {  	_ = 	snop  }
0x3c: {  	p2 =	seq.s32 s10, $0x1;
	s10 =	sld [smem:$0x3FB6]  }
0x3d: {  	_ =	shalt  }
0x3e: {  	_ =	shalt  }
0x3f: {  	_ =	shalt  }
0x40: {  	_ =	shalt  }
0x41: {  	_ =	shalt  }
0x42: {  	_ =	shalt  }
0x43: {  	_ =	shalt  }
0x44: {  	_ =	shalt  }
0x45: {  	_ =	shalt  }
0x46: {  	_ =	shalt  }
0x47: {  	_ =	shalt  }
0x48: {  	_ =	shalt  }
0x49: {  	_ =	shalt  }
0x4a: {  	_ =	shalt  }
0x4b: {  	_ =	shalt  }
0x4c: {  	_ =	shalt  }
0x4d: {  	_ =	shalt  }
0x4e: {  	_ =	shalt  }
0x4f: {  	_ =	shalt  }
0x50: {  	_ =	shalt  }
0x51: {  	_ =	shalt  }
0x52: {  	_ =	shalt  }
0x53: {  	_ =	shalt  }
0x54: {  	_ =	shalt  }
0x55: {  	_ =	shalt  }
0x56: {  	_ =	shalt  }
0x57: {  	_ =	shalt  }
0x58: {  	_ =	shalt  }
0x59: {  	_ =	shalt  }
0x5a: {  	_ =	shalt  }
0x5b: {  	_ =	shalt  }
0x5c: {  	_ =	shalt  }
0x5d: {  	_ =	shalt  }
0x5e: {  	_ =	shalt  }
0x5f: {  	_ =	shalt  }
0x60: {  	_ =	shalt  }
0x61: {  	_ =	shalt  }
0x62: {  	_ =	shalt  }
0x63: {  	_ =	shalt  }
0x64: {  	_ =	shalt  }
0x65: {  	_ =	shalt  }
0x66: {  	_ =	shalt  }
0x67: {  	_ =	shalt  }
0x68: {  	_ =	shalt  }
0x69: {  	_ =	shalt  }
0x6a: {  	_ =	shalt  }
0x6b: {  	_ =	shalt  }
0x6c: {  	_ =	shalt  }
0x6d: {  	_ =	shalt  }
0x6e: {  	_ =	shalt  }
0x6f: {  	_ =	shalt  }
0x70: {  	_ =	shalt  }
0x71: {  	_ =	shalt  }
0x72: {  	_ =	shalt  }
0x73: {  	_ =	shalt  }
0x74: {  	_ =	shalt  }
0x75: {  	_ =	shalt  }
0x76: {  	_ =	shalt  }
0x77: {  	_ =	shalt  }
0x78: {  	_ =	shalt  }
0x79: {  	_ =	shalt  }
0x7a: {  	_ =	shalt  }
0x7b: {  	_ =	shalt  }
0x7c: {  	_ =	shalt  }
0x7d: {  	_ =	shalt  }
0x7e: {  	_ =	shalt  }
0x7f: {  	_ =	shalt  }
0x80: {  	_ =	shalt  }
0x81: {  	_ =	shalt  }
0x82: {  	_ =	shalt  }
0x83: {  	_ =	shalt  }
0x84: {  	_ =	shalt  }
0x85: {  	_ =	shalt  }
0x86: {  	_ =	shalt  }
0x87: {  	_ =	shalt  }
.Lfunc_end0:
.L_simem_size_0:
called_computation.2_lowered:
.L_overlay_start_0:
0x88: {  	s2 =	sld [smem:$0x3FD9]  }
0x89: {  	s3 =	sld [smem:$0x3FFE];
	_ =	sdelay $0x1  }
0x8a: {  	s1 =	srdreg.scid  }
0x8b: {  	s0 =	sand.u32 $0x1, s1  }
0x8c: {  	s17 =	sshll.u32 s0, $0xA;
	s2 =	sadd.s32 s3, s2  }
0x8d: {  	s2 =	sadd.s32 s2, s17  }
0x8e: {  	[smem:$0x3FC2] =	sst s2  }
0x8f: {  	_ = 	snop  }
0x90: {  	s2 =	sld [smem:$0x3FD0];
	(tm) =	ssettm $0x1  }
0x91: {  	s18 =	sld [smem:$0x3FFB];
	_ =	sdelay $0x3  }
0x92: {  	_ =	strace s18  }
0x93: {  	s3 =	sld [smem:$0x3FFC];
	_ =	sdelay $0x3  }
0x94: {  	_ =	strace s3  }
0x95: {  	s3 =	sld [smem:$0x3FFD];
	_ =	sdelay $0x3  }
0x96: {  	_ =	strace s3  }
0x97: {  	_ =	strace $0x8FFFFFFF  }
0x98: {  	s19 =	sld [smem:$0x3FDB];
	_ =	sdelay $0x1  }
0x99: {  	s4 =	simm.s32 $_scs_section_size  }
0x9a: {  	s5 =	simm.s32 $_size__tile_overlayer_lowered;
	s6 =	simm.s32 $_tile_overlayer_lowered  }
0x9b: {  	s22 =	simm.s32 $0x1BFF;
	s21 =	sshll.u32 s6, $0x1;
	s3 =	sadd.s32 s4, s19  }
0x9c: {  	s7 =	simm.s32 $0x0;
	s20 =	sshll.u32 s5, $0x1;
	s5 =	sadd.s32 s21, s3  }
0x9d: {  	[timem:s7], [sflag:s22] =	dma.local [hbm:s5], s20  }
0x9e: {  	_ =	swait.ge [sflag:s22], s20  }
0x9f: {  	s4 =	ssub.s32 $0x0, s20;
	[sflag:s22] =	ssyncset.done $0x0  }
0xa0: {  	[sflag:s22] =	ssyncadd.s32 s4;
	_ =	sdelay $0x1  }
0xa1: {  	s23 =	simm.s32 $0x1B8B  }
0xa2: {  	_ =	swait.ge [sflag:s23], $0x1  }
0xa3: {  	[sflag:s23] =	ssyncset.done $0x0  }
0xa4: {  	s25 =	simm.s32 $0x1B8E;
	s24 =	sld [smem:$0x3FFE];
	[sflag:s23] =	ssyncadd.s32 $0xFFFFFFFF  }
0xa5: {  	s26 =	simm.s32 $execute0_lowered;
	[smem:$0x3FD2] =	sst s25  }
0xa6: {  	s5 =	sshll.u32 s26, $0x1;
	_ =	strace $0x8000004C;
	[dreg:$0x1] =	wrdreg $0xFFFFFFFF  }
0xa7: {  	s28 =	simm.s32 $_size_execute0_lowered;
	s3 =	sadd.s32 s3, s5;
	[dreg:$0x0] =	wrdreg $0x0  }
0xa8: {  	s5 =	sshll.u32 s28, $0x1;
	[dreg:$0x2] =	wrdreg s3  }
0xa9: {  	[dreg:$0x3] =	wrdreg s5  }
0xaa: {  	[dreg:$0x4] =	wrdreg $0xC0  }
0xab: {  	_ =	task [dreg:s7], $0x5FFFF  }
0xac: {  	[dreg:$0x1] =	wrdreg $0xFFFFFFFF  }
0xad: {  	[dreg:$0x0] =	wrdreg $0x60  }
0xae: {  	[dreg:$0x2] =	wrdreg s2  }
0xaf: {  	[dreg:$0x3] =	wrdreg s24  }
0xb0: {  	[dreg:$0x4] =	wrdreg $0xB7800  }
0xb1: {  	[dreg:$0x5] =	wrdreg $0x9  }
0xb2: {  	_ =	task.clear_ibuf [dreg:s7], $0x6FFFF;
	_ =	strace $0x9000004C  }
0xb3: {  	s29 =	simm.s32 $0x9;
	_ =	strace $0x8000004E  }
0xb4: {  	_ =	swait.ge [sflag:s29], $0x1  }
0xb5: {  	[sflag:s29] =	ssyncadd.s32 $0xFFFFFFFF  }
0xb6: {  	_ =	strace $0x9000004E  }
0xb7: {  	_ =	sfence  }
0xb8: {  	s30 =	sld [smem:$0x0];
	_ =	sdelay $0x2  }
0xb9: {  	s31 =	sshll.u32 s1, $0xD;
	s1 =	sshrl.u32 s1, $0x2  }
0xba: {  	s3 =	sand.u32 $0x4000, s31;
	s1 =	sadd.s32 s1, s30  }
0xbb: {  	s0 =	sor.u32 s3, s0;
	s1 =	sshll.u32 s1, $0x11  }
0xbc: {  	s0 =	sor.u32 s1, s0  }
0xbd: {  	s0 =	sadd.s32 $0x8F2B, s0  }
0xbe: {  	[sflag:s0] =	ssyncadd.remote.s32 $0x1  }
0xbf: {  	_ =	sfence.sel $0xFFFF  }
0xc0: {  	[dreg:$0x0] =	wrdreg $0xFFFFFFFF;
	(pc) =	sbr.abs _section_cstart, $3  }
0xc1: {  	[dreg:$0x1] =	wrdreg $0xFFFFFFFF  }
0xc2: {  	_ =	task.clear_ibuf [dreg:s7], $0x2FFFF;
	_ =	strace $0x9FFFFFFF  }
0xc3: {  	(tm) =	ssettm $0x7FFFFFFF  }
tec
execute0_lowered:
.L_overlay_start_1:
0x0: {  	(tag) =	ssettag $0x1  }
0x1: {  	s1 =	rddreg [dreg:$0x0]  }
0x2: {  	s0 =	srdreg.scid;
	s5 =	rddreg [dreg:$0x1]  }
0x3: {  	s9 =	stileid.u32;
	s3 =	rddreg [dreg:$0x2];
	s4 =	simm.s32 $0x0  }
0x4: {  	s17 =	simm.s32 $0x5;
	s19 =	simm.s32 $0x6780;
	s20 =	simm.s32 $0x50  }
0x5: {  	s21 =	simm.s32 $0x8F80;
	s22 =	simm.s32 $0x1;
	s23 =	simm.s32 $0x2  }
0x6: {  	s24 =	simm.s32 $0x3;
	s29 =	simm.s32 $0x26C0;
	s30 =	simm.s32 $0x6580  }
0x7: {  	s31 =	simm.s32 $0x0;
	s0 =	sand.u32 $0x1, s0;
	s8 =	smul.u32 $0x13C00, s9  }
0x8: {  	[smem:$0x7FF] =	sst s4;
	s25 =	smul.u32 $0x4F000, s9;
	s2 =	sshll.u32 s0, $0x4  }
0x9: {  	s7 =	smul.u32 $0x13C000, s0;
	_ =	strace $0x8000004D;
	s0 =	ssub.s32 $0x2, s0  }
0xa: {  	s2 =	sor.u32 s9, s2;
	s26 =	sshrl.u32 s0, $0x1;
	s28 =	sshrl.u32 s25, $0x2  }
0xb: {  	s25 =	simm.s32 $0x4;
	s6 =	smul.u32 $0x4E2, s2;
	s2 =	sshll.u32 s2, $0xB  }
0xc: {  	s7 =	sadd.s32 s8, s7;
	s0 =	ssub.s32 s0, s26;
	s2 =	sadd.s32 s2, s5  }
0xd: {  	s7 =	sshrl.u32 s7, $0x3;
	s16 =	smax.u32 s0, $0x1;
	s6 =	sadd.s32 s6, s5  }
0xe: {  	s15 =	sadd.s32 s7, s5;
	s5 =	sadd.s32 $0x1E00, s6;
	s6 =	sadd.s32 s28, s3  }
0xf: {  	s7 =	sadd.s32 $0xBC00, s2;
	s15 =	sadd.s32 $0x6B200, s15;
	s8 =	sadd.s32 $0x2800, s6  }
0x10: {  	s9 =	sadd.s32 $0x5000, s6;
	s10 =	sadd.s32 $0x7800, s6;
	s11 =	sadd.s32 $0xA000, s6  }
0x11: {  	v0 =	vimm.f32 $0.0e+00;
	s12 =	sadd.s32 $0xC800, s6;
	s13 =	sadd.s32 $0xF000, s6;
	s14 =	sadd.s32 $0x11800, s6  }
.LBB2_1:
0x12: {  	[tilespmem:s4], [sflag:$0x5] =	stream.linear.gather [hbm4b:s5+s4], $0x2710, $0x38;
	[tilespmem:$0x1F380] =	vst v63  }
0x13: {  	_ =	swait.ge [sflag:s17], $0x2710  }
0x14: {  	[sflag:s17] =	ssyncset.done $0x0  }
0x15: {  	s0 =	simm.s32 $0x2780;
	[sflag:s17] =	ssyncadd.s32 $0xFFFFD8F0  }
0x16: {  	[tilespmem:s0], [sflag:$0x5] =	stream.linear.gather [hbm4b:s7+s4], $0x3E80, $0x38;
	[tilespmem:$0x1F380] =	vst v63  }
0x17: {  	_ =	swait.ge [sflag:s17], $0x3E80  }
0x18: {  	[sflag:s17] =	ssyncset.done $0x0  }
0x19: {  	s2 =	simm.s32 $0x200;
	s0 =	simm.s32 $0x0;
	[sflag:s17] =	ssyncadd.s32 $0xFFFFC180  }
.LBB2_2:
0x1a: {  	p0 =	sne.s32 s2, $0x9E00;
	[tilespmem:s0+$0x67F0] =	vst v0  }
0x1b: {  	[tilespmem:s0+$0x6780] =	vst v0  }
0x1c: {  	[tilespmem:s0+$0x6790] =	vst v0  }
.Ltmp0:
0x1d: {  	[tilespmem:s0+$0x67A0] =	vst v0;
	(pc) =	sbr.rel @p0 .LBB2_2-.Ltmp0, $4  }
0x1e: {  	[tilespmem:s0+$0x67B0] =	vst v0  }
0x1f: {  	[tilespmem:s0+$0x67C0] =	vst v0  }
0x20: {  	[tilespmem:s0+$0x67D0] =	vst v0  }
0x21: {  	[tilespmem:s0+$0x67E0] =	vst v0;
	s0 =	sshra.s32 s2, $0x2;
	s2 =	sadd.s32 $0x200, s2  }
0x22: {  	[tilespmem:s0+$0x67F0] =	vst v0  }
0x23: {  	[tilespmem:s0+$0x6780] =	vst v0  }
0x24: {  	[tilespmem:s0+$0x6790] =	vst v0  }
0x25: {  	[tilespmem:s0+$0x67A0] =	vst v0  }
0x26: {  	[tilespmem:s0+$0x67B0] =	vst v0  }
0x27: {  	[tilespmem:s0+$0x67C0] =	vst v0  }
0x28: {  	[tilespmem:s0+$0x67D0] =	vst v0  }
0x29: {  	[tilespmem:s0+$0x67E0] =	vst v0  }
0x2a: {  	[spmem:s6] =	stream.linear.scatter [tilespmem:s19], [sflag:$0x5], $0x2800, $0x38;
	[tilespmem:$0x1F380] =	vst v63  }
0x2b: {  	_ =	swait.ge [sflag:s17], $0x2800  }
0x2c: {  	[sflag:s17] =	ssyncset.done $0x0  }
0x2d: {  	[sflag:s17] =	ssyncadd.s32 $0xFFFFD800  }
0x2e: {  	[spmem:s8] =	stream.linear.scatter [tilespmem:s19], [sflag:$0x5], $0x2800, $0x38;
	[tilespmem:$0x1F380] =	vst v63  }
0x2f: {  	_ =	swait.ge [sflag:s17], $0x2800  }
0x30: {  	[sflag:s17] =	ssyncset.done $0x0  }
0x31: {  	[sflag:s17] =	ssyncadd.s32 $0xFFFFD800  }
0x32: {  	[spmem:s9] =	stream.linear.scatter [tilespmem:s19], [sflag:$0x5], $0x2800, $0x38;
	[tilespmem:$0x1F380] =	vst v63  }
0x33: {  	_ =	swait.ge [sflag:s17], $0x2800  }
0x34: {  	[sflag:s17] =	ssyncset.done $0x0  }
0x35: {  	[sflag:s17] =	ssyncadd.s32 $0xFFFFD800  }
0x36: {  	[spmem:s10] =	stream.linear.scatter [tilespmem:s19], [sflag:$0x5], $0x2800, $0x38;
	[tilespmem:$0x1F380] =	vst v63  }
0x37: {  	_ =	swait.ge [sflag:s17], $0x2800  }
0x38: {  	[sflag:s17] =	ssyncset.done $0x0  }
0x39: {  	[sflag:s17] =	ssyncadd.s32 $0xFFFFD800  }
0x3a: {  	[spmem:s11] =	stream.linear.scatter [tilespmem:s19], [sflag:$0x5], $0x2800, $0x38;
	[tilespmem:$0x1F380] =	vst v63  }
0x3b: {  	_ =	swait.ge [sflag:s17], $0x2800  }
0x3c: {  	[sflag:s17] =	ssyncset.done $0x0  }
0x3d: {  	[sflag:s17] =	ssyncadd.s32 $0xFFFFD800  }
0x3e: {  	[spmem:s12] =	stream.linear.scatter [tilespmem:s19], [sflag:$0x5], $0x2800, $0x38;
	[tilespmem:$0x1F380] =	vst v63  }
0x3f: {  	_ =	swait.ge [sflag:s17], $0x2800  }
0x40: {  	[sflag:s17] =	ssyncset.done $0x0  }
0x41: {  	[sflag:s17] =	ssyncadd.s32 $0xFFFFD800  }
0x42: {  	[spmem:s13] =	stream.linear.scatter [tilespmem:s19], [sflag:$0x5], $0x2800, $0x38;
	[tilespmem:$0x1F380] =	vst v63  }
0x43: {  	_ =	swait.ge [sflag:s17], $0x2800  }
0x44: {  	[sflag:s17] =	ssyncset.done $0x0  }
0x45: {  	[sflag:s17] =	ssyncadd.s32 $0xFFFFD800  }
0x46: {  	[spmem:s14] =	stream.linear.scatter [tilespmem:s19], [sflag:$0x5], $0x2400, $0x38;
	[tilespmem:$0x1F380] =	vst v63  }
0x47: {  	_ =	swait.ge [sflag:s17], $0x2400  }
0x48: {  	[sflag:s17] =	ssyncset.done $0x0  }
0x49: {  	[sflag:s17] =	ssyncadd.s32 $0xFFFFDC00  }
0x4a: {  	s2 =	simm.s32 $0x0;
	[bflag:$0x0] =	sbarrier.arrive $0xFFFF  }
0x4b: {  	[tilespmem:s19], [sflag:$0x1] =	stream.indirect.gather [hbm4b:s1+s20], $0x80, s2, s20, $0xb8;
	[tilespmem:$0x1F380] =	vst v63  }
0x4c: {  	_ = 	snop  }
0x4d: {  	[tilespmem:s21], [sflag:$0x2] =	stream.indirect.gather [hbm4b:s1+s20], $0x80, s20, s20, $0xb8;
	[tilespmem:$0x1F380] =	vst v63  }
0x4e: {  	_ =	swait.ge [sflag:s22], $0x2800  }
0x4f: {  	[sflag:s22] =	ssyncset.done $0x0  }
0x50: {  	s18 =	simm.s32 $0x2780;
	[sflag:s22] =	ssyncadd.s32 $0xFFFFD800  }
0x51: {  	[spmem:s3] =	stream.indirect.scatter.add.f32 [tilespmem:s19], [sflag:$0x3], $0x80, s18, s20, $0xb8;
	[tilespmem:$0x1F380] =	vst v63  }
0x52: {  	_ =	swait.ge [sflag:s23], $0x2800  }
0x53: {  	[sflag:s23] =	ssyncset.done $0x0  }
0x54: {  	s26 =	simm.s32 $0x2800;
	[sflag:s23] =	ssyncadd.s32 $0xFFFFD800  }
0x55: {  	[spmem:s3] =	stream.indirect.scatter.add.f32 [tilespmem:s21], [sflag:$0x4], $0x80, s26, s20, $0xb8;
	[tilespmem:$0x1F380] =	vst v63  }
0x56: {  	_ =	swait.ge [sflag:s24], $0x2800  }
0x57: {  	[sflag:s24] =	ssyncset.done $0x0  }
0x58: {  	s28 =	simm.s32 $0xA0;
	[sflag:s24] =	ssyncadd.s32 $0xFFFFD800  }
0x59: {  	[tilespmem:s19], [sflag:$0x1] =	stream.indirect.gather [hbm4b:s1+s20], $0x80, s28, s20, $0xb8;
	[tilespmem:$0x1F380] =	vst v63  }
0x5a: {  	_ =	swait.ge [sflag:s25], $0x2800  }
0x5b: {  	s0 =	simm.s32 $0x400;
	[sflag:s25] =	ssyncset.done $0x0  }
0x5c: {  	s2 =	simm.s32 $0xF0;
	s18 =	simm.s32 $0x190;
	[sflag:s25] =	ssyncadd.s32 $0xFFFFD800  }
.LBB2_4:
0x5d: {  	[tilespmem:s21], [sflag:$0x2] =	stream.indirect.gather [hbm4b:s1+s20], $0x80, s2, s20, $0xb8;
	[tilespmem:$0x1F380] =	vst v63  }
0x5e: {  	s26 =	smov.u32 s0;
	s2 =	smov.u32 s18  }
0x5f: {  	p0 =	sne.s32 s0, $0xF000;
	s0 =	sadd.s32 $0x400, s0;
	_ =	swait.ge [sflag:s22], $0x2800  }
0x60: {  	s26 =	sshra.s32 s26, $0x2;
	[sflag:s22] =	ssyncset.done $0x0  }
0x61: {  	s28 =	sadd.s32 $0x2780, s26;
	[sflag:s22] =	ssyncadd.s32 $0xFFFFD800  }
0x62: {  	[spmem:s3] =	stream.indirect.scatter.add.f32 [tilespmem:s19], [sflag:$0x3], $0x80, s28, s20, $0xb8;
	[tilespmem:$0x1F380] =	vst v63  }
0x63: {  	_ =	swait.ge [sflag:s23], $0x2800  }
0x64: {  	[sflag:s23] =	ssyncset.done $0x0  }
0x65: {  	s26 =	sadd.s32 $0x2800, s26;
	[sflag:s23] =	ssyncadd.s32 $0xFFFFD800  }
0x66: {  	[spmem:s3] =	stream.indirect.scatter.add.f32 [tilespmem:s21], [sflag:$0x4], $0x80, s26, s20, $0xb8;
	[tilespmem:$0x1F380] =	vst v63  }
0x67: {  	_ =	swait.ge [sflag:s24], $0x2800  }
0x68: {  	[sflag:s24] =	ssyncset.done $0x0  }
.Ltmp1:
0x69: {  	s26 =	sadd.s32 $0xFFFFFFB0, s18;
	[sflag:s24] =	ssyncadd.s32 $0xFFFFD800;
	(pc) =	sbr.rel @p0 .LBB2_4-.Ltmp1, $4  }
0x6a: {  	[tilespmem:s19], [sflag:$0x1] =	stream.indirect.gather [hbm4b:s1+s20], $0x80, s26, s20, $0xb8;
	[tilespmem:$0x1F380] =	vst v63  }
0x6b: {  	_ =	swait.ge [sflag:s25], $0x2800  }
0x6c: {  	[sflag:s25] =	ssyncset.done $0x0  }
0x6d: {  	s18 =	sadd.s32 $0xA0, s18;
	[sflag:s25] =	ssyncadd.s32 $0xFFFFD800  }
0x6e: {  	[tilespmem:s21], [sflag:$0x2] =	stream.indirect.gather [hbm4b:s1+s20], $0x80, s2, s20, $0xb8;
	[tilespmem:$0x1F380] =	vst v63  }
0x6f: {  	_ =	swait.ge [sflag:s22], $0x2800  }
0x70: {  	[sflag:s22] =	ssyncset.done $0x0  }
0x71: {  	s0 =	simm.s32 $0x6480;
	[sflag:s22] =	ssyncadd.s32 $0xFFFFD800  }
0x72: {  	[spmem:s3] =	stream.indirect.scatter.add.f32 [tilespmem:s19], [sflag:$0x3], $0x80, s0, s20, $0xb8;
	[tilespmem:$0x1F380] =	vst v63  }
0x73: {  	_ =	swait.ge [sflag:s23], $0x2800  }
0x74: {  	[sflag:s23] =	ssyncset.done $0x0  }
0x75: {  	s18 =	simm.s32 $0x6500;
	[sflag:s23] =	ssyncadd.s32 $0xFFFFD800  }
0x76: {  	[spmem:s3] =	stream.indirect.scatter.add.f32 [tilespmem:s21], [sflag:$0x4], $0x80, s18, s20, $0xb8;
	[tilespmem:$0x1F380] =	vst v63  }
0x77: {  	_ =	swait.ge [sflag:s24], $0x2800  }
0x78: {  	[sflag:s24] =	ssyncset.done $0x0  }
0x79: {  	[sflag:s24] =	ssyncadd.s32 $0xFFFFD800  }
0x7a: {  	[tilespmem:s19], [sflag:$0x1] =	stream.indirect.gather [hbm4b:s1+s20], $0x80, s29, s20, $0xb8;
	[tilespmem:$0x1F380] =	vst v63  }
0x7b: {  	_ =	swait.ge [sflag:s25], $0x2800  }
0x7c: {  	[sflag:s25] =	ssyncset.done $0x0  }
0x7d: {  	[sflag:s25] =	ssyncadd.s32 $0xFFFFD800  }
0x7e: {  	_ =	swait.ge [sflag:s22], $0x2800  }
0x7f: {  	[sflag:s22] =	ssyncset.done $0x0  }
0x80: {  	[sflag:s22] =	ssyncadd.s32 $0xFFFFD800  }
0x81: {  	[spmem:s3] =	stream.indirect.scatter.add.f32 [tilespmem:s19], [sflag:$0x3], $0x80, s30, s20, $0xb8;
	[tilespmem:$0x1F380] =	vst v63  }
0x82: {  	s26 =	stileid.u32;
	_ =	swait.ge [sflag:s24], $0x2800  }
0x83: {  	s28 =	sshrl.u32 s6, $0x3;
	s31 =	sadd.s32 $0x1, s31;
	[sflag:s24] =	ssyncset.done $0x0  }
0x84: {  	p0 =	sne.s32 s31, s16;
	s0 =	sshll.u32 s26, $0x6;
	[sflag:s24] =	ssyncadd.s32 $0xFFFFD800  }
.Ltmp2:
0x85: {  	s0 =	sor.u32 $0x1C05, s0;
	[bflag:$0x0] =	sbarrier.arrive $0xFFFF;
	(pc) =	sbr.rel @p0 .LBB2_1-.Ltmp2, $4  }
0x86: {  	[hbm:s15], [sflag:s0] =	dma.local [spmem:s28], $0x2780  }
0x87: {  	_ =	swait.ge [sflag:s17], $0x2780  }
0x88: {  	[sflag:s17] =	ssyncset.done $0x0  }
0x89: {  	[sflag:s17] =	ssyncadd.s32 $0xFFFFD880  }
0x8a: {  	_ =	sfence.sel $0x180000  }
0x8b: {  	[bflag:$0x0] =	sbarrier.arrive $0xFFFF  }
0x8c: {  	_ =	strace $0x9000004D  }
0x8d: {  	s0 =	stileid.u32;
	[bflag:$0x2] =	sbarrier.arrive $0xFFFF  }
0x8e: {  	p0 =	sne.s32 s0, $0x0;
	s0 =	rddreg [dreg:$0x3]  }
0x8f: {  	s0 =	sadd.s32 @!p0 $0x100000, s0  }
0x90: {  	[sflag:s0] =	ssyncadd.tile.s32 @!p0 $0x1;
	_ =	shalt  }
.Lfunc_end2:
_tile_overlayer_lowered:
.L_overlay_start_2:
0x91: {  	(tag) =	ssettag $0x2  }
0x92: {  	s0 =	rddreg [dreg:$0x0];
	s2 =	stileid.u32  }
0x93: {  	s1 =	rddreg [dreg:$0x1];
	p0 =	sne.s32 s2, $0x0  }
0x94: {  	s3 =	rddreg [dreg:$0x2];
	[bflag:$0x3] =	sbarrier.arrive $0xFFFF;
	s2 =	simm.s32 @!p0 $0x1C05  }
0x95: {  	[timem:s3], [sflag:s2] =	dma.local @!p0 [hbm:s0], s1  }
0x96: {  	s0 =	simm.s32 @!p0 $0x5  }
0x97: {  	_ =	swait.ge @!p0 [sflag:s0], s1  }
0x98: {  	s1 =	ssub.s32 @!p0 $0x0, s1;
	[sflag:s0] =	ssyncset.done @!p0 $0x0  }
0x99: {  	[sflag:s0] =	ssyncadd.s32 @!p0 s1  }
0x9a: {  	[bflag:$0x3] =	sbarrier.arrive $0xFFFF  }
0x9b: {  	_ =	shalt  }

// kernel: kernel.8.cloned.1.call-start
scs
__scs_entry_jumppad:
0x0: {  	(pc) =	sbr.rel $0x88, $3  }
0x1: {  	(tag) =	ssettag $0x0;
	lr =	simm.s32 $0x1  }
0x2: {  	[smem:$0x3F9B] =	sst lr;
	_ =	strace $0xD0000000  }
0x3: {  	_ = 	snop  }
0x4: {  	_ = 	snop  }
0x5: {  	_ = 	snop  }
0x6: {  	_ = 	snop  }
0x7: {  	_ = 	snop  }
__scs_overlays_trampoline_lowered:
0x8: {  	[smem:$0x3FAA] =	sst s0  }
0x9: {  	[smem:$0x3FAB] =	sst s1  }
0xa: {  	[smem:$0x3FAC] =	sst s2  }
0xb: {  	[smem:$0x3FAD] =	sst s3  }
0xc: {  	[smem:$0x3FAE] =	sst s4  }
0xd: {  	[smem:$0x3FAF] =	sst s5  }
0xe: {  	[smem:$0x3FB0] =	sst s6  }
0xf: {  	[smem:$0x3FB1] =	sst s7  }
0x10: {  	[smem:$0x3FB2] =	sst s8  }
0x11: {  	[smem:$0x3FB3] =	sst s9;
	s0 =	simm.s32 @!p0 $0x0  }
0x12: {  	s1 =	sld [smem:$0x3F99];
	s0 =	simm.s32 @p0 $0x1  }
0x13: {  	[smem:$0x3FB4] =	sst s0;
	s0 =	simm.s32 @!p1 $0x0  }
0x14: {  	s2 =	sld [smem:$0x3F98];
	s0 =	simm.s32 @p1 $0x1  }
0x15: {  	[smem:$0x3FB5] =	sst s0;
	s0 =	simm.s32 @!p2 $0x0  }
0x16: {  	s3 =	sld [smem:$0x3FDB];
	s0 =	simm.s32 @p2 $0x1  }
0x17: {  	s4 =	simm.s32 $0x1BF5;
	[smem:$0x3FB7] =	sst s0  }
0x18: {  	s0 =	sld [smem:$0x3F9A];
	_ =	swait.ge [sflag:s4], $0x0  }
0x19: {  	s7 =	sld [smem:$0x3F9B]  }
0x1a: {  	s8 =	sadd.s32 $0xFFFFE003, lr  }
0x1b: {  	s9 =	sadd.s32 $0xFFFFFEF7, lr;
	s5 =	simm.s32 $0xFFFFFFFF;
	p2 =	slt.u32 s8, $0xFFFFF086  }
0x1c: {  	p1 =	slt.u32 s9, $0xF7A;
	s5 =	simm.s32 @!p2 $0x0  }
0x1d: {  	s5 =	simm.s32 @p1 $0x1;
	p0 =	seq.s32 s7, s2  }
0x1e: {  	s7 =	smul.u32 @!p0 $0xF7A, s2;
	p2 =	seq.s32 @!p0 s5, $0x0  }
0x1f: {  	s9 =	smul.u32 $0xF7A, s1;
	s8 =	simm.s32 @!p0 $0x1BF5;
	p2 =	por !p2, p0  }
0x20: {  	[sflag:s8] =	ssyncset.s32 @!p0 $0xFFFFF086;
	s6 =	sadd.s32 @!p0 s3, s7;
	s7 =	simm.s32 @!p0 $0x108  }
0x21: {  	s3 =	sadd.s32 s3, s9;
	s6 =	sadd.s32 @!p0 $0x88, s6;
	s7 =	simm.s32 @p2 $0x1082  }
0x22: {  	[simem:s7], [sflag:s8] =	dma.local @!p0 [hbm:s6], $0xF7A  }
0x23: {  	s9 =	sor.u32 $0xD0000000, s2;
	s6 =	simm.s32 $0x108;
	_ =	swait.ge @!p0 [sflag:s8], $0x0  }
0x24: {  	s3 =	sadd.s32 $0x88, s3;
	s6 =	simm.s32 @!p1 $0x1082;
	[sflag:s4] =	ssyncset.s32 $0xFFFFF086  }
0x25: {  	[simem:s6], [sflag:s4] =	dma.local [hbm:s3], $0xF7A  }
0x26: {  	[smem:$0x3F9B] =	sst s1;
	(tag) =	ssettag s2;
	_ =	strace s9  }
0x27: {  	s1 =	sld [smem:$0x3FAB]  }
0x28: {  	s2 =	sld [smem:$0x3FAC]  }
0x29: {  	s4 =	sld [smem:$0x3FAE]  }
0x2a: {  	p0 =	seq.s32 s5, $0x0;
	s5 =	sld [smem:$0x3FAF]  }
0x2b: {  	s6 =	sld [smem:$0x3FB0]  }
0x2c: {  	s7 =	sld [smem:$0x3FB1]  }
0x2d: {  	s3 =	simm.s32 $0x108;
	s8 =	sld [smem:$0x3FB2]  }
0x2e: {  	s3 =	simm.s32 @!p0 $0x1082;
	s9 =	sld [smem:$0x3FB3]  }
0x2f: {  	lr =	sadd.s32 s0, s3;
	s0 =	sld [smem:$0x3FAA]  }
0x30: {  	s3 =	sld [smem:$0x3FAD]  }
0x31: {  	[smem:$0x3FB6] =	sst s10  }
0x32: {  	s10 =	sld [smem:$0x3FB4];
	_ =	sdelay $0x3  }
0x33: {  	p0 =	seq.s32 s10, $0x1;
	s10 =	sld [smem:$0x3FB6];
	_ =	sdelay $0x3  }
0x34: {  	[smem:$0x3FB6] =	sst s10  }
0x35: {  	s10 =	sld [smem:$0x3FB5];
	_ =	sdelay $0x3  }
0x36: {  	p1 =	seq.s32 s10, $0x1;
	s10 =	sld [smem:$0x3FB6];
	_ =	sdelay $0x3  }
0x37: {  	[smem:$0x3FB6] =	sst s10  }
0x38: {  	s10 =	sld [smem:$0x3FB7]  }
0x39: {  	_ = 	snop;
	(pc) =	sbr.ind lr, $3  }
0x3a: {  	_ = 	snop  }
0x3b: {  	_ = 	snop  }
0x3c: {  	p2 =	seq.s32 s10, $0x1;
	s10 =	sld [smem:$0x3FB6]  }
0x3d: {  	_ =	shalt  }
0x3e: {  	_ =	shalt  }
0x3f: {  	_ =	shalt  }
0x40: {  	_ =	shalt  }
0x41: {  	_ =	shalt  }
0x42: {  	_ =	shalt  }
0x43: {  	_ =	shalt  }
0x44: {  	_ =	shalt  }
0x45: {  	_ =	shalt  }
0x46: {  	_ =	shalt  }
0x47: {  	_ =	shalt  }
0x48: {  	_ =	shalt  }
0x49: {  	_ =	shalt  }
0x4a: {  	_ =	shalt  }
0x4b: {  	_ =	shalt  }
0x4c: {  	_ =	shalt  }
0x4d: {  	_ =	shalt  }
0x4e: {  	_ =	shalt  }
0x4f: {  	_ =	shalt  }
0x50: {  	_ =	shalt  }
0x51: {  	_ =	shalt  }
0x52: {  	_ =	shalt  }
0x53: {  	_ =	shalt  }
0x54: {  	_ =	shalt  }
0x55: {  	_ =	shalt  }
0x56: {  	_ =	shalt  }
0x57: {  	_ =	shalt  }
0x58: {  	_ =	shalt  }
0x59: {  	_ =	shalt  }
0x5a: {  	_ =	shalt  }
0x5b: {  	_ =	shalt  }
0x5c: {  	_ =	shalt  }
0x5d: {  	_ =	shalt  }
0x5e: {  	_ =	shalt  }
0x5f: {  	_ =	shalt  }
0x60: {  	_ =	shalt  }
0x61: {  	_ =	shalt  }
0x62: {  	_ =	shalt  }
0x63: {  	_ =	shalt  }
0x64: {  	_ =	shalt  }
0x65: {  	_ =	shalt  }
0x66: {  	_ =	shalt  }
0x67: {  	_ =	shalt  }
0x68: {  	_ =	shalt  }
0x69: {  	_ =	shalt  }
0x6a: {  	_ =	shalt  }
0x6b: {  	_ =	shalt  }
0x6c: {  	_ =	shalt  }
0x6d: {  	_ =	shalt  }
0x6e: {  	_ =	shalt  }
0x6f: {  	_ =	shalt  }
0x70: {  	_ =	shalt  }
0x71: {  	_ =	shalt  }
0x72: {  	_ =	shalt  }
0x73: {  	_ =	shalt  }
0x74: {  	_ =	shalt  }
0x75: {  	_ =	shalt  }
0x76: {  	_ =	shalt  }
0x77: {  	_ =	shalt  }
0x78: {  	_ =	shalt  }
0x79: {  	_ =	shalt  }
0x7a: {  	_ =	shalt  }
0x7b: {  	_ =	shalt  }
0x7c: {  	_ =	shalt  }
0x7d: {  	_ =	shalt  }
0x7e: {  	_ =	shalt  }
0x7f: {  	_ =	shalt  }
0x80: {  	_ =	shalt  }
0x81: {  	_ =	shalt  }
0x82: {  	_ =	shalt  }
0x83: {  	_ =	shalt  }
0x84: {  	_ =	shalt  }
0x85: {  	_ =	shalt  }
0x86: {  	_ =	shalt  }
0x87: {  	_ =	shalt  }
.Lfunc_end0:
.L_simem_size_0:
called_computation_lowered:
.L_overlay_start_0:
0x88: {  	s2 =	sld [smem:$0x3FD9]  }
0x89: {  	s3 =	sld [smem:$0x3FFE];
	_ =	sdelay $0x1  }
0x8a: {  	s1 =	srdreg.scid  }
0x8b: {  	s0 =	sand.u32 $0x1, s1  }
0x8c: {  	s17 =	sshll.u32 s0, $0xA;
	s2 =	sadd.s32 s3, s2  }
0x8d: {  	s2 =	sadd.s32 s2, s17  }
0x8e: {  	[smem:$0x3FC2] =	sst s2  }
0x8f: {  	_ = 	snop  }
0x90: {  	s2 =	sld [smem:$0x3FD0];
	(tm) =	ssettm $0x1  }
0x91: {  	s18 =	sld [smem:$0x3FFB];
	_ =	sdelay $0x3  }
0x92: {  	_ =	strace s18  }
0x93: {  	s3 =	sld [smem:$0x3FFC];
	_ =	sdelay $0x3  }
0x94: {  	_ =	strace s3  }
0x95: {  	s3 =	sld [smem:$0x3FFD];
	_ =	sdelay $0x3  }
0x96: {  	_ =	strace s3  }
0x97: {  	_ =	strace $0x8FFFFFFF  }
0x98: {  	s19 =	sld [smem:$0x3FDB];
	_ =	sdelay $0x1  }
0x99: {  	s4 =	simm.s32 $_scs_section_size  }
0x9a: {  	s5 =	simm.s32 $_size__tile_overlayer_lowered;
	s6 =	simm.s32 $_tile_overlayer_lowered  }
0x9b: {  	s22 =	simm.s32 $0x1BFF;
	s21 =	sshll.u32 s6, $0x1;
	s3 =	sadd.s32 s4, s19  }
0x9c: {  	s7 =	simm.s32 $0x0;
	s20 =	sshll.u32 s5, $0x1;
	s5 =	sadd.s32 s21, s3  }
0x9d: {  	[timem:s7], [sflag:s22] =	dma.local [hbm:s5], s20  }
0x9e: {  	_ =	swait.ge [sflag:s22], s20  }
0x9f: {  	s4 =	ssub.s32 $0x0, s20;
	[sflag:s22] =	ssyncset.done $0x0  }
0xa0: {  	[sflag:s22] =	ssyncadd.s32 s4;
	_ =	sdelay $0x1  }
0xa1: {  	s23 =	simm.s32 $0x1B8B  }
0xa2: {  	_ =	swait.ge [sflag:s23], $0x1  }
0xa3: {  	[sflag:s23] =	ssyncset.done $0x0  }
0xa4: {  	s25 =	simm.s32 $0x1B8E;
	s24 =	sld [smem:$0x3FFE];
	[sflag:s23] =	ssyncadd.s32 $0xFFFFFFFF  }
0xa5: {  	s26 =	simm.s32 $execute0_lowered;
	[smem:$0x3FD2] =	sst s25  }
0xa6: {  	s5 =	sshll.u32 s26, $0x1;
	_ =	strace $0x80000046;
	[dreg:$0x1] =	wrdreg $0xFFFFFFFF  }
0xa7: {  	s28 =	simm.s32 $_size_execute0_lowered;
	s3 =	sadd.s32 s3, s5;
	[dreg:$0x0] =	wrdreg $0x0  }
0xa8: {  	s5 =	sshll.u32 s28, $0x1;
	[dreg:$0x2] =	wrdreg s3  }
0xa9: {  	[dreg:$0x3] =	wrdreg s5  }
0xaa: {  	[dreg:$0x4] =	wrdreg $0xC0  }
0xab: {  	_ =	task [dreg:s7], $0x5FFFF  }
0xac: {  	[dreg:$0x1] =	wrdreg $0xFFFFFFFF  }
0xad: {  	[dreg:$0x0] =	wrdreg $0x60  }
0xae: {  	[dreg:$0x2] =	wrdreg s24  }
0xaf: {  	[dreg:$0x3] =	wrdreg s2  }
0xb0: {  	[dreg:$0x4] =	wrdreg $0xA8000  }
0xb1: {  	[dreg:$0x5] =	wrdreg $0x9  }
0xb2: {  	_ =	task.clear_ibuf [dreg:s7], $0x6FFFF;
	_ =	strace $0x90000046  }
0xb3: {  	s29 =	simm.s32 $0x9;
	_ =	strace $0x80000048  }
0xb4: {  	_ =	swait.ge [sflag:s29], $0x1  }
0xb5: {  	[sflag:s29] =	ssyncadd.s32 $0xFFFFFFFF  }
0xb6: {  	_ =	strace $0x90000048  }
0xb7: {  	_ =	sfence  }
0xb8: {  	s30 =	sld [smem:$0x0];
	_ =	sdelay $0x2  }
0xb9: {  	s31 =	sshll.u32 s1, $0xD;
	s1 =	sshrl.u32 s1, $0x2  }
0xba: {  	s3 =	sand.u32 $0x4000, s31;
	s1 =	sadd.s32 s1, s30  }
0xbb: {  	s0 =	sor.u32 s3, s0;
	s1 =	sshll.u32 s1, $0x11  }
0xbc: {  	s0 =	sor.u32 s1, s0  }
0xbd: {  	s0 =	sadd.s32 $0x8F2B, s0  }
0xbe: {  	[sflag:s0] =	ssyncadd.remote.s32 $0x1  }
0xbf: {  	_ =	sfence.sel $0xFFFF  }
0xc0: {  	[dreg:$0x0] =	wrdreg $0xFFFFFFFF;
	(pc) =	sbr.abs _section_cstart, $3  }
0xc1: {  	[dreg:$0x1] =	wrdreg $0xFFFFFFFF  }
0xc2: {  	_ =	task.clear_ibuf [dreg:s7], $0x2FFFF;
	_ =	strace $0x9FFFFFFF  }
0xc3: {  	(tm) =	ssettm $0x7FFFFFFF  }
tec
execute0_lowered:
.L_overlay_start_1:
0x0: {  	(tag) =	ssettag $0x1  }
0x1: {  	s6 =	rddreg [dreg:$0x0]  }
0x2: {  	s2 =	rddreg [dreg:$0x1]  }
0x3: {  	s0 =	srdreg.scid;
	s3 =	rddreg [dreg:$0x2]  }
0x4: {  	s1 =	stileid.u32;
	s4 =	simm.s32 $0x0;
	s14 =	simm.s32 $0x2  }
0x5: {  	s15 =	simm.s32 $0x4000;
	s16 =	simm.s32 $0x6800;
	s17 =	simm.s32 $0x50  }
0x6: {  	s18 =	simm.s32 $0x80;
	s19 =	simm.s32 $0x100;
	s20 =	simm.s32 $0x180  }
0x7: {  	s21 =	simm.s32 $0x200;
	s22 =	simm.s32 $0x280;
	s23 =	simm.s32 $0x300  }
0x8: {  	s7 =	sand.u32 $0x1, s0;
	s0 =	rddreg [dreg:$0x3];
	s8 =	smul.u32 $0x13C00, s1  }
0x9: {  	s29 =	simm.s32 $0x0;
	[smem:$0x7FF] =	sst s4;
	s10 =	smul.u32 $0x4F000, s1  }
0xa: {  	s24 =	sshll.u32 s1, $0xB;
	s5 =	smul.u32 $0x13C000, s7;
	_ =	strace $0x80000047  }
0xb: {  	s25 =	ssub.s32 $0x2, s7;
	s26 =	sshll.u32 s7, $0xF;
	s30 =	sshrl.u32 s10, $0x2  }
0xc: {  	s31 =	sshrl.u32 s25, $0x1;
	s5 =	sadd.s32 s8, s5;
	s8 =	sadd.s32 s24, s6  }
0xd: {  	s13 =	ssub.s32 s25, s31;
	s25 =	sshll.u32 s1, $0x6;
	s24 =	simm.s32 $0x380  }
0xe: {  	s9 =	sshrl.u32 s5, $0x3;
	s5 =	sadd.s32 $0x1BC00, s6;
	s8 =	sadd.s32 s26, s8  }
0xf: {  	s13 =	smax.u32 s13, $0x1;
	s25 =	sor.u32 $0x1C02, s25;
	s26 =	simm.s32 $0x1  }
0x10: {  	s12 =	sadd.s32 s9, s6;
	s6 =	sadd.s32 s30, s3;
	s7 =	sadd.s32 $0xBC00, s8  }
0x11: {  	s8 =	sadd.s32 $0x4000, s6;
	s9 =	sadd.s32 $0x8000, s6;
	s10 =	sadd.s32 $0xC000, s6  }
0x12: {  	s11 =	sadd.s32 $0x10000, s6;
	s12 =	sadd.s32 $0x1C200, s12;
	s28 =	sshrl.u32 s6, $0x3  }
.LBB2_1:
0x13: {  	[tilespmem:s4], [sflag:$0x2] =	stream.linear.gather [hbm4b:s7+s4], $0x3E80, $0x38;
	[tilespmem:$0x1E400] =	vst v63  }
0x14: {  	_ =	swait.ge [sflag:s14], $0x3E80  }
0x15: {  	[sflag:s14] =	ssyncset.done $0x0  }
0x16: {  	[sflag:s14] =	ssyncadd.s32 $0xFFFFC180  }
0x17: {  	[tilespmem:s15], [sflag:$0x2] =	stream.linear.gather [hbm4b:s5+s4], $0x2800, $0x38;
	[tilespmem:$0x1E400] =	vst v63  }
0x18: {  	_ =	swait.ge [sflag:s14], $0x2800  }
0x19: {  	[sflag:s14] =	ssyncset.done $0x0  }
0x1a: {  	[sflag:s14] =	ssyncadd.s32 $0xFFFFD800  }
0x1b: {  	[tilespmem:s16], [sflag:$0x2] =	stream.linear.gather [hbm4b:s2+s4], $0x4000, $0x38;
	[tilespmem:$0x1E400] =	vst v63  }
0x1c: {  	_ =	swait.ge [sflag:s14], $0x4000  }
0x1d: {  	[sflag:s14] =	ssyncset.done $0x0  }
0x1e: {  	[sflag:s14] =	ssyncadd.s32 $0xFFFFC000  }
0x1f: {  	[spmem:s6] =	stream.linear.scatter [tilespmem:s16], [sflag:$0x2], $0x4000, $0x38;
	[tilespmem:$0x1E400] =	vst v63  }
0x20: {  	_ =	swait.ge [sflag:s14], $0x4000  }
0x21: {  	[sflag:s14] =	ssyncset.done $0x0  }
0x22: {  	[sflag:s14] =	ssyncadd.s32 $0xFFFFC000  }
0x23: {  	[spmem:s8] =	stream.linear.scatter [tilespmem:s16], [sflag:$0x2], $0x4000, $0x38;
	[tilespmem:$0x1E400] =	vst v63  }
0x24: {  	_ =	swait.ge [sflag:s14], $0x4000  }
0x25: {  	[sflag:s14] =	ssyncset.done $0x0  }
0x26: {  	[sflag:s14] =	ssyncadd.s32 $0xFFFFC000  }
0x27: {  	[spmem:s9] =	stream.linear.scatter [tilespmem:s16], [sflag:$0x2], $0x4000, $0x38;
	[tilespmem:$0x1E400] =	vst v63  }
0x28: {  	_ =	swait.ge [sflag:s14], $0x4000  }
0x29: {  	[sflag:s14] =	ssyncset.done $0x0  }
0x2a: {  	[sflag:s14] =	ssyncadd.s32 $0xFFFFC000  }
0x2b: {  	[spmem:s10] =	stream.linear.scatter [tilespmem:s16], [sflag:$0x2], $0x4000, $0x38;
	[tilespmem:$0x1E400] =	vst v63  }
0x2c: {  	_ =	swait.ge [sflag:s14], $0x4000  }
0x2d: {  	[sflag:s14] =	ssyncset.done $0x0  }
0x2e: {  	[sflag:s14] =	ssyncadd.s32 $0xFFFFC000  }
0x2f: {  	[spmem:s11] =	stream.linear.scatter [tilespmem:s16], [sflag:$0x2], $0x3C00, $0x38;
	[tilespmem:$0x1E400] =	vst v63  }
0x30: {  	_ =	swait.ge [sflag:s14], $0x3C00  }
0x31: {  	[sflag:s14] =	ssyncset.done $0x0  }
0x32: {  	[sflag:s14] =	ssyncadd.s32 $0xFFFFC400  }
0x33: {  	[bflag:$0x0] =	sbarrier.arrive $0xFFFF  }
0x34: {  	[spmem:s3] =	stream.indirect.scatter.add.f32 [tilespmem:s15], [sflag:$0x1], $0x80, s4, s17, $0xb8;
	[tilespmem:$0x1E400] =	vst v63  }
0x35: {  	_ = 	snop  }
0x36: {  	[spmem:s3] =	stream.indirect.scatter.add.f32 [tilespmem:s15], [sflag:$0x1], $0x80, s18, s17, $0xb8;
	[tilespmem:$0x1E400] =	vst v63  }
0x37: {  	_ = 	snop  }
0x38: {  	[spmem:s3] =	stream.indirect.scatter.add.f32 [tilespmem:s15], [sflag:$0x1], $0x80, s19, s17, $0xb8;
	[tilespmem:$0x1E400] =	vst v63  }
0x39: {  	_ = 	snop  }
0x3a: {  	[spmem:s3] =	stream.indirect.scatter.add.f32 [tilespmem:s15], [sflag:$0x1], $0x80, s20, s17, $0xb8;
	[tilespmem:$0x1E400] =	vst v63  }
0x3b: {  	_ = 	snop  }
0x3c: {  	[spmem:s3] =	stream.indirect.scatter.add.f32 [tilespmem:s15], [sflag:$0x1], $0x80, s21, s17, $0xb8;
	[tilespmem:$0x1E400] =	vst v63  }
0x3d: {  	_ = 	snop  }
0x3e: {  	[spmem:s3] =	stream.indirect.scatter.add.f32 [tilespmem:s15], [sflag:$0x1], $0x80, s22, s17, $0xb8;
	[tilespmem:$0x1E400] =	vst v63  }
0x3f: {  	_ = 	snop  }
0x40: {  	[spmem:s3] =	stream.indirect.scatter.add.f32 [tilespmem:s15], [sflag:$0x1], $0x80, s23, s17, $0xb8;
	[tilespmem:$0x1E400] =	vst v63  }
0x41: {  	_ = 	snop  }
0x42: {  	[spmem:s3] =	stream.indirect.scatter.add.f32 [tilespmem:s15], [sflag:$0x1], $0x80, s24, s17, $0xb8;
	[tilespmem:$0x1E400] =	vst v63  }
0x43: {  	_ =	swait.ge [sflag:s26], $0x2800  }
0x44: {  	[sflag:s26] =	ssyncset.done $0x0  }
0x45: {  	s30 =	simm.s32 $0x1200;
	s31 =	simm.s32 $0x400;
	[sflag:s26] =	ssyncadd.s32 $0xFFFFD800  }
.LBB2_2:
0x46: {  	[spmem:s3] =	stream.indirect.scatter.add.f32 [tilespmem:s15], [sflag:$0x1], $0x80, s31, s17, $0xb8;
	[tilespmem:$0x1E400] =	vst v63  }
0x47: {  	s31 =	smov.u32 s30;
	p0 =	sne.s32 s30, $0xF800  }
.Ltmp0:
0x48: {  	s30 =	sadd.s32 $0x200, s30;
	(pc) =	sbr.rel @p0 .LBB2_2-.Ltmp0, $4  }
0x49: {  	_ = 	snop  }
0x4a: {  	_ =	swait.ge [sflag:s26], $0x2800  }
0x4b: {  	[sflag:s26] =	ssyncset.done $0x0  }
0x4c: {  	s31 =	sshra.s32 s31, $0x2;
	[sflag:s26] =	ssyncadd.s32 $0xFFFFD800  }
0x4d: {  	[spmem:s3] =	stream.indirect.scatter.add.f32 [tilespmem:s15], [sflag:$0x1], $0x80, s31, s17, $0xb8;
	[tilespmem:$0x1E400] =	vst v63  }
0x4e: {  	_ =	swait.ge [sflag:s26], $0x2800  }
0x4f: {  	[sflag:s26] =	ssyncset.done $0x0  }
0x50: {  	[sflag:s26] =	ssyncadd.s32 $0xFFFFD800  }
0x51: {  	_ =	swait.ge [sflag:s26], $0x2800  }
0x52: {  	[sflag:s26] =	ssyncset.done $0x0  }
0x53: {  	[sflag:s26] =	ssyncadd.s32 $0xFFFFD800  }
0x54: {  	_ =	swait.ge [sflag:s26], $0x2800  }
0x55: {  	[sflag:s26] =	ssyncset.done $0x0  }
0x56: {  	[sflag:s26] =	ssyncadd.s32 $0xFFFFD800  }
0x57: {  	_ =	swait.ge [sflag:s26], $0x2800  }
0x58: {  	[sflag:s26] =	ssyncset.done $0x0  }
0x59: {  	[sflag:s26] =	ssyncadd.s32 $0xFFFFD800  }
0x5a: {  	_ =	swait.ge [sflag:s26], $0x2800  }
0x5b: {  	[sflag:s26] =	ssyncset.done $0x0  }
0x5c: {  	[sflag:s26] =	ssyncadd.s32 $0xFFFFD800  }
0x5d: {  	_ =	swait.ge [sflag:s26], $0x2800  }
0x5e: {  	[sflag:s26] =	ssyncset.done $0x0  }
0x5f: {  	[sflag:s26] =	ssyncadd.s32 $0xFFFFD800  }
0x60: {  	_ =	swait.ge [sflag:s26], $0x2800  }
0x61: {  	[sflag:s26] =	ssyncset.done $0x0  }
0x62: {  	[sflag:s26] =	ssyncadd.s32 $0xFFFFD800  }
0x63: {  	_ =	swait.ge [sflag:s26], $0x2800  }
0x64: {  	s29 =	sadd.s32 $0x1, s29;
	[sflag:s26] =	ssyncset.done $0x0  }
0x65: {  	p0 =	sne.s32 s29, s13;
	[sflag:s26] =	ssyncadd.s32 $0xFFFFD800  }
.Ltmp1:
0x66: {  	[bflag:$0x0] =	sbarrier.arrive $0xFFFF;
	(pc) =	sbr.rel @p0 .LBB2_1-.Ltmp1, $4  }
0x67: {  	[hbm:s12], [sflag:s25] =	dma.local [spmem:s28], $0x2780  }
0x68: {  	_ =	swait.ge [sflag:s14], $0x2780  }
0x69: {  	[sflag:s14] =	ssyncset.done $0x0  }
0x6a: {  	[sflag:s14] =	ssyncadd.s32 $0xFFFFD880  }
0x6b: {  	_ =	sfence.sel $0x180000  }
0x6c: {  	[bflag:$0x0] =	sbarrier.arrive $0xFFFF  }
0x6d: {  	p0 =	sne.s32 s1, $0x0;
	_ =	strace $0x90000047  }
0x6e: {  	s0 =	sadd.s32 @!p0 $0x100000, s0;
	[bflag:$0x2] =	sbarrier.arrive $0xFFFF  }
0x6f: {  	[sflag:s0] =	ssyncadd.tile.s32 @!p0 $0x1;
	_ =	shalt  }
.Lfunc_end2:
_tile_overlayer_lowered:
.L_overlay_start_2:
0x70: {  	(tag) =	ssettag $0x2  }
0x71: {  	s0 =	rddreg [dreg:$0x0];
	s2 =	stileid.u32  }
0x72: {  	s1 =	rddreg [dreg:$0x1];
	p0 =	sne.s32 s2, $0x0  }
0x73: {  	s3 =	rddreg [dreg:$0x2];
	[bflag:$0x3] =	sbarrier.arrive $0xFFFF;
	s2 =	simm.s32 @!p0 $0x1C02  }
0x74: {  	[timem:s3], [sflag:s2] =	dma.local @!p0 [hbm:s0], s1  }
0x75: {  	s0 =	simm.s32 @!p0 $0x2  }
0x76: {  	_ =	swait.ge @!p0 [sflag:s0], s1  }
0x77: {  	s1 =	ssub.s32 @!p0 $0x0, s1;
	[sflag:s0] =	ssyncset.done @!p0 $0x0  }
0x78: {  	[sflag:s0] =	ssyncadd.s32 @!p0 s1  }
0x79: {  	[bflag:$0x3] =	sbarrier.arrive $0xFFFF  }
0x7a: {  	_ =	shalt  }

</sc_bundles>
